<compile_context>
chip_gen: v7x
topology: tpu7x:2x2x1
jax: 0.10.2.dev20260603
libtpu: 0.0.44.dev20260713+nightly
codegen_flags: <defaults>
</compile_context>

<pallas_src>
import functools

import jax
import jax.numpy as jnp
from jax import lax
from jax.experimental import pallas as pl
from jax.experimental.pallas import tpu as pltpu
from jax.experimental.pallas import tpu_sc as plsc

N = 50000
E = 800000
NC = 2
NS = 16
LANES = 128
R = 6400
CH = 40
K = 8
CH32 = 20
K32 = 5
NA = 51200
RPT = NA // NS

CHK = 5000
NB = N // CHK


def _segsum_partials_16(src2d, dst2d, x, zeros):
    mesh = plsc.VectorSubcoreMesh(core_axis_name="c", subcore_axis_name="s")
    rpw = R // (NC * NS)

    @functools.partial(
        pl.kernel,
        out_type=jax.ShapeDtypeStruct((NC, NA, 16), jnp.float32),
        mesh=mesh,
        compiler_params=pltpu.CompilerParams(use_tc_tiling_on_sc=False),
        scratch_types=[
            pltpu.VMEM((CH, LANES), jnp.int32),
            pltpu.VMEM((CH, LANES), jnp.int32),
            pltpu.VMEM((K, LANES, 16), jnp.float32),
            pltpu.VMEM_SHARED((NA, 16), jnp.float32),
            pltpu.SemaphoreType.DMA,
            pltpu.SemaphoreType.DMA,
        ],
    )
    def k(src_hbm, dst_hbm, x_hbm, z_hbm, out_hbm, src_v, dst_v, rows_v, acc,
          gsem, ssem):
        c = lax.axis_index("c")
        s = lax.axis_index("s")
        tbase = s * RPT
        pltpu.sync_copy(z_hbm, acc.at[pl.ds(tbase, RPT)])
        plsc.subcore_barrier()
        base = (s * NC + c) * rpw

        @pl.loop(0, rpw // CH)
        def _(g):
            pltpu.sync_copy(src_hbm.at[pl.ds(base + g * CH, CH)], src_v)
            pltpu.sync_copy(dst_hbm.at[pl.ds(base + g * CH, CH)], dst_v)

            @pl.loop(0, CH // K)
            def _(t):
                hs = [pltpu.async_copy(x_hbm.at[src_v.at[t * K + b]],
                                       rows_v.at[b], gsem)
                      for b in range(K)]
                for h in hs:
                    h.wait()
                ss = [pltpu.async_copy(rows_v.at[b],
                                       acc.at[dst_v.at[t * K + b]], ssem,
                                       add=True)
                      for b in range(K)]
                for h in ss:
                    h.wait()

        plsc.subcore_barrier()
        pltpu.sync_copy(acc.at[pl.ds(tbase, RPT)],
                        out_hbm.at[c, pl.ds(tbase, RPT)])

    return k(src2d, dst2d, x, zeros)


def _segsum_cols_32(src2d, dst2d, h0, h1, zeros):
    mesh = plsc.VectorSubcoreMesh(core_axis_name="c", subcore_axis_name="s")
    rpt_idx = R // NS

    @functools.partial(
        pl.kernel,
        out_type=jax.ShapeDtypeStruct((NC, NA, 32), jnp.float32),
        mesh=mesh,
        compiler_params=pltpu.CompilerParams(use_tc_tiling_on_sc=False),
        scratch_types=[
            pltpu.VMEM((CH32, LANES), jnp.int32),
            pltpu.VMEM((CH32, LANES), jnp.int32),
            pltpu.VMEM((K32, LANES, 32), jnp.float32),
            pltpu.VMEM_SHARED((NA, 32), jnp.float32),
            pltpu.SemaphoreType.DMA,
            pltpu.SemaphoreType.DMA,
        ],
    )
    def k(src_hbm, dst_hbm, h0_hbm, h1_hbm, z_hbm, out_hbm,
          src_v, dst_v, rows_v, acc, gsem, ssem):
        c = lax.axis_index("c")
        s = lax.axis_index("s")
        tbase = s * RPT
        pltpu.sync_copy(z_hbm, acc.at[pl.ds(tbase, RPT)])
        plsc.subcore_barrier()
        base = s * rpt_idx

        @pl.loop(0, rpt_idx // CH32)
        def _(g):
            pltpu.sync_copy(src_hbm.at[pl.ds(base + g * CH32, CH32)], src_v)
            pltpu.sync_copy(dst_hbm.at[pl.ds(base + g * CH32, CH32)], dst_v)

            @pl.loop(0, CH32 // K32)
            def _(t):
                @pl.when(c == 0)
                def _():
                    hs = [pltpu.async_copy(h0_hbm.at[src_v.at[t * K32 + b]],
                                           rows_v.at[b], gsem)
                          for b in range(K32)]
                    for h in hs:
                        h.wait()

                @pl.when(c == 1)
                def _():
                    hs = [pltpu.async_copy(h1_hbm.at[src_v.at[t * K32 + b]],
                                           rows_v.at[b], gsem)
                          for b in range(K32)]
                    for h in hs:
                        h.wait()

                ss = [pltpu.async_copy(rows_v.at[b],
                                       acc.at[dst_v.at[t * K32 + b]], ssem,
                                       add=True)
                      for b in range(K32)]
                for h in ss:
                    h.wait()

        plsc.subcore_barrier()
        pltpu.sync_copy(acc.at[pl.ds(tbase, RPT)],
                        out_hbm.at[c, pl.ds(tbase, RPT)])

    return k(src2d, dst2d, h0, h1, zeros)


def _gram(a, b):
    return lax.dot_general(a, b, (((0,), (0,)), ((), ())),
                           preferred_element_type=jnp.float32,
                           precision=lax.Precision.HIGHEST)


def _dot_hi(a, b):
    return jnp.dot(a, b, preferred_element_type=jnp.float32,
                   precision=lax.Precision.HIGHEST)


def _dot(a, b):
    return jnp.dot(a, b, preferred_element_type=jnp.float32)


def _acc(ref, val, i):
    @pl.when(i == 0)
    def _():
        ref[...] = val

    @pl.when(i > 0)
    def _():
        ref[...] += val


def _chunk_spec(width):
    return pl.BlockSpec((CHK, width), lambda i: (i, 0))


def _pair_spec(width):
    return pl.BlockSpec((2, CHK, width), lambda i: (0, i, 0))


def _full_spec(shape):
    nd = len(shape)
    return pl.BlockSpec(shape, lambda i: (0,) * nd)


def _stats0(x, agg0p, eps):
    def body(x_ref, a_ref, eps_ref, su_ref, gram_ref, sx_ref, pooled_ref):
        i = pl.program_id(0)
        p = ((1.0 + eps_ref[0, 0]) * x_ref[...]
             + a_ref[0, :, :] + a_ref[1, :, :])
        pooled_ref[...] = p
        _acc(su_ref, jnp.sum(p, axis=0, keepdims=True), i)
        _acc(gram_ref, _gram(p, p), i)
        _acc(sx_ref, jnp.sum(x_ref[...], axis=0, keepdims=True), i)

    return pl.pallas_call(
        body,
        grid=(NB,),
        in_specs=[_chunk_spec(16), _pair_spec(16), _full_spec((1, 1))],
        out_specs=(_full_spec((1, 16)), _full_spec((16, 16)),
                   _full_spec((1, 16)), _chunk_spec(16)),
        out_shape=(jax.ShapeDtypeStruct((1, 16), jnp.float32),
                   jax.ShapeDtypeStruct((16, 16), jnp.float32),
                   jax.ShapeDtypeStruct((1, 16), jnp.float32),
                   jax.ShapeDtypeStruct((N, 16), jnp.float32)),
    )(x, agg0p, eps)


def _transform(pooled, su, gram, W1, b1, g1, be1, width_in):
    def body(p_ref, su_ref, gram_ref, W1_ref, b1_ref, g1_ref, be1_ref,
             r1_ref, su2_ref, gram2_ref):
        i = pl.program_id(0)
        W1v = W1_ref[...]
        mw = _dot_hi(su_ref[...] / N, W1v)
        q = jnp.sum(W1v * _dot_hi(gram_ref[...] / N, W1v), axis=0,
                    keepdims=True)
        var = q - mw * mw
        a1 = g1_ref[...] / jnp.sqrt(var + 1e-5)
        m1 = mw + b1_ref[...]
        t = _dot(p_ref[...], W1v) + b1_ref[...]
        r = jnp.maximum((t - m1) * a1 + be1_ref[...], 0.0)
        r1_ref[...] = r
        _acc(su2_ref, jnp.sum(r, axis=0, keepdims=True), i)
        _acc(gram2_ref, _gram(r, r), i)

    return pl.pallas_call(
        body,
        grid=(NB,),
        in_specs=[_chunk_spec(width_in), _full_spec((1, width_in)),
                  _full_spec((width_in, width_in)),
                  _full_spec((width_in, 64)),
                  _full_spec((1, 64)), _full_spec((1, 64)),
                  _full_spec((1, 64))],
        out_specs=(_chunk_spec(64), _full_spec((1, 64)),
                   _full_spec((64, 64))),
        out_shape=(jax.ShapeDtypeStruct((N, 64), jnp.float32),
                   jax.ShapeDtypeStruct((1, 64), jnp.float32),
                   jax.ShapeDtypeStruct((64, 64), jnp.float32)),
    )(pooled, su, gram, W1, b1, g1, be1)


def _emit_h1(r1, su2, gram2, W2, b2, g2, be2):
    def body(r_ref, su_ref, gram_ref, W2_ref, b2_ref, g2_ref, be2_ref,
             out_ref):
        W2v = W2_ref[...]
        mw = _dot_hi(su_ref[...] / N, W2v)
        q = jnp.sum(W2v * _dot_hi(gram_ref[...] / N, W2v), axis=0,
                    keepdims=True)
        var = q - mw * mw
        a2 = g2_ref[...] / jnp.sqrt(var + 1e-5)
        m2 = mw + b2_ref[...]
        t = _dot(r_ref[...], W2v) + b2_ref[...]
        h = jnp.maximum((t - m2) * a2 + be2_ref[...], 0.0)
        out_ref[0, :, :] = h[:, :32]
        out_ref[1, :, :] = h[:, 32:]

    return pl.pallas_call(
        body,
        grid=(NB,),
        in_specs=[_chunk_spec(64), _full_spec((1, 64)), _full_spec((64, 64)),
                  _full_spec((64, 64)), _full_spec((1, 64)),
                  _full_spec((1, 64)), _full_spec((1, 64))],
        out_specs=_pair_spec(32),
        out_shape=jax.ShapeDtypeStruct((2, N, 32), jnp.float32),
    )(r1, su2, gram2, W2, b2, g2, be2)


def _stats1(h1h, agg1p, eps):
    def body(h_ref, a_ref, eps_ref, p_ref, su_ref, gram_ref, s1_ref):
        i = pl.program_id(0)
        ep = 1.0 + eps_ref[0, 0]
        pa = ep * h_ref[0, :, :] + a_ref[0, :, :]
        pb = ep * h_ref[1, :, :] + a_ref[1, :, :]
        p = jnp.concatenate([pa, pb], axis=1)
        p_ref[...] = p
        _acc(su_ref, jnp.sum(p, axis=0, keepdims=True), i)
        _acc(gram_ref, _gram(p, p), i)
        s1 = jnp.concatenate(
            [jnp.sum(h_ref[0, :, :], axis=0, keepdims=True),
             jnp.sum(h_ref[1, :, :], axis=0, keepdims=True)], axis=1)
        _acc(s1_ref, s1, i)

    return pl.pallas_call(
        body,
        grid=(NB,),
        in_specs=[_pair_spec(32), _pair_spec(32), _full_spec((1, 1))],
        out_specs=(_chunk_spec(64), _full_spec((1, 64)),
                   _full_spec((64, 64)), _full_spec((1, 64))),
        out_shape=(jax.ShapeDtypeStruct((N, 64), jnp.float32),
                   jax.ShapeDtypeStruct((1, 64), jnp.float32),
                   jax.ShapeDtypeStruct((64, 64), jnp.float32),
                   jax.ShapeDtypeStruct((1, 64), jnp.float32)),
    )(h1h, agg1p, eps)


def _readout(r1, su2, gram2, W2, b2, g2, be2, sx, s1,
             P0, P1, P2, pb, M0, mb0, M1, mb1, Wm, bm, Wv, bv):
    def body(r_ref, su_ref, gram_ref, W2_ref, b2_ref, g2_ref, be2_ref,
             sx_ref, s1_ref, P0_ref, P1_ref, P2_ref, pb_ref,
             M0_ref, mb0_ref, M1_ref, mb1_ref, Wm_ref, bm_ref, Wv_ref, bv_ref,
             mean_ref, logvar_ref, s2_ref):
        i = pl.program_id(0)
        W2v = W2_ref[...]
        mw = _dot_hi(su_ref[...] / N, W2v)
        q = jnp.sum(W2v * _dot_hi(gram_ref[...] / N, W2v), axis=0,
                    keepdims=True)
        var = q - mw * mw
        a2 = g2_ref[...] / jnp.sqrt(var + 1e-5)
        m2 = mw + b2_ref[...]
        t = _dot(r_ref[...], W2v) + b2_ref[...]
        h2 = jnp.maximum((t - m2) * a2 + be2_ref[...], 0.0)
        _acc(s2_ref, jnp.sum(h2, axis=0, keepdims=True), i)

        @pl.when(i == NB - 1)
        def _():
            s1 = s1_ref[...]
            score = (_dot(sx_ref[...], P0_ref[...])
                     + _dot(s1[:, :32], P1_ref[:32, :])
                     + _dot(s1[:, 32:], P1_ref[32:, :])
                     + _dot(s2_ref[...], P2_ref[...]) + pb_ref[...])
            f = jnp.maximum(_dot(score, M0_ref[...]) + mb0_ref[...], 0.0)
            f = jnp.maximum(_dot(f, M1_ref[...]) + mb1_ref[...], 0.0)
            mean_ref[...] = _dot(f, Wm_ref[...]) + bm_ref[...]
            logvar_ref[...] = _dot(f, Wv_ref[...]) + bv_ref[...]

    return pl.pallas_call(
        body,
        grid=(NB,),
        in_specs=[_chunk_spec(64), _full_spec((1, 64)), _full_spec((64, 64)),
                  _full_spec((64, 64)), _full_spec((1, 64)),
                  _full_spec((1, 64)), _full_spec((1, 64)),
                  _full_spec((1, 16)), _full_spec((1, 64)),
                  _full_spec((16, 256)), _full_spec((64, 256)),
                  _full_spec((64, 256)), _full_spec((1, 256)),
                  _full_spec((256, 256)), _full_spec((1, 256)),
                  _full_spec((256, 128)), _full_spec((1, 128)),
                  _full_spec((128, 64)), _full_spec((1, 64)),
                  _full_spec((128, 64)), _full_spec((1, 64))],
        out_specs=(_full_spec((1, 64)), _full_spec((1, 64)),
                   _full_spec((1, 64))),
        out_shape=(jax.ShapeDtypeStruct((1, 64), jnp.float32),
                   jax.ShapeDtypeStruct((1, 64), jnp.float32),
                   jax.ShapeDtypeStruct((1, 64), jnp.float32)),
    )(r1, su2, gram2, W2, b2, g2, be2, sx, s1,
      P0, P1, P2, pb, M0, mb0, M1, mb1, Wm, bm, Wv, bv)


def _pad_balancing_perm():
    import numpy as np
    n_real = E // LANES
    n_pad = R - n_real
    base_real, extra = divmod(n_real, NC * NS)
    order = []
    next_real = 0
    next_pad = n_real
    for w in range(NC * NS):
        takes = base_real + (1 if w < extra else 0)
        order.extend(range(next_real, next_real + takes))
        next_real += takes
        pads = (R // (NC * NS)) - takes
        order.extend(range(next_pad, next_pad + pads))
        next_pad += pads
    return np.asarray(order, dtype=np.int32)


_PERM = _pad_balancing_perm()


def kernel(x, edge_index, params):
    src = edge_index[0].astype(jnp.int32)
    dst = edge_index[1].astype(jnp.int32)
    pad = R * LANES - E
    src2d = jnp.concatenate(
        [src, jnp.zeros((pad,), jnp.int32)]).reshape(R, LANES)[_PERM]
    trash = N + (jnp.arange(pad, dtype=jnp.int32) % (NA - N))
    dst2d = jnp.concatenate([dst, trash]).reshape(R, LANES)[_PERM]

    z16 = jnp.zeros((RPT, 16), jnp.float32)
    z32 = jnp.zeros((RPT, 32), jnp.float32)

    def v(name):
        return params[name].reshape(1, -1)

    eps0 = params['eps_0'].reshape(1, 1)
    eps1 = params['eps_1'].reshape(1, 1)

    agg0p = _segsum_partials_16(src2d, dst2d, x, z16)
    su, gram, sx, pooled = _stats0(x, agg0p, eps0)
    r1, su2, gram2 = _transform(pooled, su, gram, params['W1_0'], v('b1_0'),
                                v('g1_0'), v('be1_0'), 16)
    h1h = _emit_h1(r1, su2, gram2,
                   params['W2_0'], v('b2_0'), v('g_0'), v('be_0'))

    agg1p = _segsum_cols_32(src2d, dst2d, h1h[0], h1h[1], z32)
    pooled1, su1, gram1, s1 = _stats1(h1h, agg1p, eps1)
    r1b, su2b, gram2b = _transform(pooled1, su1, gram1,
                                   params['W1_1'], v('b1_1'), v('g1_1'),
                                   v('be1_1'), 64)
    pb = (params['pb_0'] + params['pb_1'] + params['pb_2']).reshape(1, -1)
    mean, logvar, _ = _readout(
        r1b, su2b, gram2b, params['W2_1'], v('b2_1'), v('g_1'), v('be_1'),
        sx, s1, params['P_0'], params['P_1'], params['P_2'], pb,
        params['M_0'], v('mb_0'), params['M_1'], v('mb_1'),
        params['Wm'], v('bm'), params['Wv'], v('bv'))
    return (mean, logvar)

# --- scband reference (transcript-rebuilt; emitter-appended) ---
"""Pipeline reference for scband-graph-gcnencoder-76201309765795 (READ-ONLY COPY).

The authoritative reference and input builder live on the scoring server;
editing this copy changes nothing except your own understanding.
"""

import jax, jax.numpy as jnp
import numpy as np

N = 50000
E = 800000
IN_DIM = 16
HID = 64
OUT = 256
MLP_DIMS = [256, 128]
LATENT = 64

def _lin(key, fan_in, fan_out):
    k1, k2 = jax.random.split(key)
    s = 1.0 / np.sqrt(fan_in)
    W = jax.random.uniform(k1, (fan_in, fan_out), minval=-s, maxval=s, dtype=jnp.float32)
    b = jax.random.uniform(k2, (fan_out,), minval=-s, maxval=s, dtype=jnp.float32)
    return W, b

def _make_params(key):
    ks = jax.random.split(key, 16)
    p = {}
    i = 0
    for l, din in enumerate([IN_DIM, HID]):
        p['W1_%d' % l], p['b1_%d' % l] = _lin(ks[i], din, HID); i += 1
        p['g1_%d' % l] = jnp.ones((HID,), jnp.float32)
        p['be1_%d' % l] = jnp.zeros((HID,), jnp.float32)
        p['W2_%d' % l], p['b2_%d' % l] = _lin(ks[i], HID, HID); i += 1
        p['g_%d' % l] = jnp.ones((HID,), jnp.float32)
        p['be_%d' % l] = jnp.zeros((HID,), jnp.float32)
        p['eps_%d' % l] = jnp.zeros((), jnp.float32)
    for l, din in enumerate([IN_DIM, HID, HID]):
        p['P_%d' % l], p['pb_%d' % l] = _lin(ks[i], din, OUT); i += 1
    dims = [OUT] + MLP_DIMS
    for j in range(len(dims) - 1):
        p['M_%d' % j], p['mb_%d' % j] = _lin(ks[i], dims[j], dims[j + 1]); i += 1
    p['Wm'], p['bm'] = _lin(ks[i], MLP_DIMS[-1], LATENT); i += 1
    p['Wv'], p['bv'] = _lin(ks[i], MLP_DIMS[-1], LATENT); i += 1
    return p

def setup_inputs(seed: int = 0):
    key = jax.random.key(seed)
    kx, ke, kp = jax.random.split(key, 3)
    x = jax.random.normal(kx, (N, IN_DIM), dtype=jnp.float32)
    edge_index = jax.random.randint(ke, (2, E), 0, N, dtype=jnp.int32)
    params = _make_params(kp)
    return {'x': x, 'edge_index': edge_index, 'params': params}

def _bn(x, g, b):
    m = jnp.mean(x, axis=0, keepdims=True)
    v = jnp.var(x, axis=0, keepdims=True)
    return (x - m) / jnp.sqrt(v + 1e-5) * g + b

def _forward(x, params, edge_index):
    src = edge_index[0]
    dst = edge_index[1]
    h = x
    hidden_rep = [h]
    for l in range(2):
        agg = jax.ops.segment_sum(h[src], dst, num_segments=N)
        pooled = (1.0 + params['eps_%d' % l]) * h + agg
        t = pooled @ params['W1_%d' % l] + params['b1_%d' % l]
        t = jax.nn.relu(_bn(t, params['g1_%d' % l], params['be1_%d' % l]))
        t = t @ params['W2_%d' % l] + params['b2_%d' % l]
        h = jax.nn.relu(_bn(t, params['g_%d' % l], params['be_%d' % l]))
        hidden_rep.append(h)
    score = jnp.zeros((1, OUT), dtype=jnp.float32)
    for l in range(len(hidden_rep)):
        pg = jnp.sum(hidden_rep[l], axis=0, keepdims=True)
        score = score + pg @ params['P_%d' % l] + params['pb_%d' % l]
    f = score.reshape(1, -1)
    for j in range(2):
        f = jax.nn.relu(f @ params['M_%d' % j] + params['mb_%d' % j])
    mean = f @ params['Wm'] + params['bm']
    logvar = f @ params['Wv'] + params['bv']
    return (mean, logvar)

def reference(x, edge_index, params):
    return _forward(x, params, edge_index)

if __name__ == "__main__":
    import jax
    _d = setup_inputs()
    print(jax.jit(kernel)(*tuple(_d.values())))

</pallas_src>

<mosaic_0001>
#map = affine_map<(d0, d1) -> (0, 0)>
#map1 = affine_map<(d0, d1) -> (0, 0, 0)>
module attributes {stable_mosaic.version = 14 : i64} {
  func.func @k(%arg0: i32, %arg1: i32, %arg2: memref<6400x128xi32, #tpu.memory_space<hbm>>, %arg3: memref<6400x128xi32, #tpu.memory_space<hbm>>, %arg4: memref<50000x32xf32, #tpu.memory_space<hbm>>, %arg5: memref<50000x32xf32, #tpu.memory_space<hbm>>, %arg6: memref<3200x32xf32, #tpu.memory_space<hbm>>, %arg7: memref<2x51200x32xf32, #tpu.memory_space<hbm>>, %arg8: memref<20x128xi32, #tpu.memory_space<vmem>>, %arg9: memref<20x128xi32, #tpu.memory_space<vmem>>, %arg10: memref<5x128x32xf32, #tpu.memory_space<vmem>>, %arg11: memref<51200x32xf32, #tpu.memory_space<vmem_shared>>, %arg12: memref<!tpu.dma_semaphore, #tpu.memory_space<semaphore_mem>>, %arg13: memref<!tpu.dma_semaphore, #tpu.memory_space<semaphore_mem>>) attributes {dimension_semantics = [#tpu.dimension_semantics<core_parallel>, #tpu.dimension_semantics<subcore_parallel>], iteration_bounds = array<i64: 2, 16>, scalar_prefetch = 0 : i64, scratch_operands = 6 : i64, tpu.core_type = #tpu.core_type<sc_vector_subcore>, window_params = [{transform_indices = #map}, {transform_indices = #map}, {transform_indices = #map}, {transform_indices = #map}, {transform_indices = #map}, {transform_indices = #map1}]} {
    %mul3A = arith.constant 3200 : i32
    %mul3A_0 = arith.muli %arg1, %mul3A : i32
    "tpu.region"() ({
      %run_scoped3A = tpu.sem_alloc : memref<!tpu.dma_semaphore, #tpu.memory_space<semaphore_mem>>
      %dma_start3A = arith.constant 0 : i32
      %dma_start3A_8 = tpu.memref_slice %arg11[%mul3A_0, %dma_start3A] : memref<51200x32xf32, #tpu.memory_space<vmem_shared>> -> memref<3200x32xf32, #tpu.memory_space<vmem_shared>>
      tpu.enqueue_dma source(%arg6 : memref<3200x32xf32, #tpu.memory_space<hbm>>) target(%dma_start3A_8 : memref<3200x32xf32, #tpu.memory_space<vmem_shared>>) target_semaphore(%run_scoped3A : memref<!tpu.dma_semaphore, #tpu.memory_space<semaphore_mem>>)
      %dma_wait3A = arith.constant 0 : i32
      %dma_wait3A_9 = tpu.memref_slice %arg11[%mul3A_0, %dma_wait3A] : memref<51200x32xf32, #tpu.memory_space<vmem_shared>> -> memref<3200x32xf32, #tpu.memory_space<vmem_shared>>
      tpu.wait_dma2 semaphore(%run_scoped3A : memref<!tpu.dma_semaphore, #tpu.memory_space<semaphore_mem>>) src(%arg6 : memref<3200x32xf32, #tpu.memory_space<hbm>>) dst(%dma_wait3A_9 : memref<3200x32xf32, #tpu.memory_space<vmem_shared>>)
      tpu.yield
    }) : () -> ()
    %barrier3A = arith.constant 0 : index
    tpu.barrier barrier_id(%barrier3A)
    %mul3A_1 = arith.constant 400 : i32
    %mul3A_2 = arith.muli %arg1, %mul3A_1 : i32
    %scan3A = arith.constant 0 : i32
    %scan3A_3 = arith.constant 20 : i32
    %scan3A_4 = arith.addi %scan3A, %scan3A_3 : i32
    %scan3A_5 = arith.constant 1 : i32
    scf.for %scan3A_8 = %scan3A to %scan3A_4 step %scan3A_5  : i32 {
      %mul3A_9 = arith.constant 1 : i32
      %mul3A_10 = arith.muli %scan3A_8, %mul3A_9 : i32
      %add3A = arith.constant 0 : i32
      %add3A_11 = arith.addi %add3A, %mul3A_10 : i32
      %mul3A_12 = arith.constant 20 : i32
      %mul3A_13 = arith.muli %add3A_11, %mul3A_12 : i32
      %add3A_14 = arith.addi %mul3A_2, %mul3A_13 : i32
      "tpu.region"() ({
        %run_scoped3A = tpu.sem_alloc : memref<!tpu.dma_semaphore, #tpu.memory_space<semaphore_mem>>
        %dma_start3A = arith.constant 0 : i32
        %dma_start3A_23 = tpu.memref_slice %arg2[%add3A_14, %dma_start3A] : memref<6400x128xi32, #tpu.memory_space<hbm>> -> memref<20x128xi32, #tpu.memory_space<hbm>>
        %dma_start3A_24 = arith.constant 0 : i32
        %dma_start3A_25 = tpu.memref_slice %arg2[%add3A_14, %dma_start3A_24] : memref<6400x128xi32, #tpu.memory_space<hbm>> -> memref<20x128xi32, #tpu.memory_space<hbm>>
        tpu.enqueue_dma source(%dma_start3A_25 : memref<20x128xi32, #tpu.memory_space<hbm>>) target(%arg8 : memref<20x128xi32, #tpu.memory_space<vmem>>) target_semaphore(%run_scoped3A : memref<!tpu.dma_semaphore, #tpu.memory_space<semaphore_mem>>)
        %dma_wait3A = arith.constant 0 : i32
        %dma_wait3A_26 = tpu.memref_slice %arg2[%add3A_14, %dma_wait3A] : memref<6400x128xi32, #tpu.memory_space<hbm>> -> memref<20x128xi32, #tpu.memory_space<hbm>>
        %dma_wait3A_27 = arith.constant 0 : i32
        %dma_wait3A_28 = tpu.memref_slice %arg2[%add3A_14, %dma_wait3A_27] : memref<6400x128xi32, #tpu.memory_space<hbm>> -> memref<20x128xi32, #tpu.memory_space<hbm>>
        tpu.wait_dma2 semaphore(%run_scoped3A : memref<!tpu.dma_semaphore, #tpu.memory_space<semaphore_mem>>) src(%dma_wait3A_28 : memref<20x128xi32, #tpu.memory_space<hbm>>) dst(%arg8 : memref<20x128xi32, #tpu.memory_space<vmem>>)
        tpu.yield
      }) : () -> ()
      %mul3A_15 = arith.constant 20 : i32
      %mul3A_16 = arith.muli %add3A_11, %mul3A_15 : i32
      %add3A_17 = arith.addi %mul3A_2, %mul3A_16 : i32
      "tpu.region"() ({
        %run_scoped3A = tpu.sem_alloc : memref<!tpu.dma_semaphore, #tpu.memory_space<semaphore_mem>>
        %dma_start3A = arith.constant 0 : i32
        %dma_start3A_23 = tpu.memref_slice %arg3[%add3A_17, %dma_start3A] : memref<6400x128xi32, #tpu.memory_space<hbm>> -> memref<20x128xi32, #tpu.memory_space<hbm>>
        %dma_start3A_24 = arith.constant 0 : i32
        %dma_start3A_25 = tpu.memref_slice %arg3[%add3A_17, %dma_start3A_24] : memref<6400x128xi32, #tpu.memory_space<hbm>> -> memref<20x128xi32, #tpu.memory_space<hbm>>
        tpu.enqueue_dma source(%dma_start3A_25 : memref<20x128xi32, #tpu.memory_space<hbm>>) target(%arg9 : memref<20x128xi32, #tpu.memory_space<vmem>>) target_semaphore(%run_scoped3A : memref<!tpu.dma_semaphore, #tpu.memory_space<semaphore_mem>>)
        %dma_wait3A = arith.constant 0 : i32
        %dma_wait3A_26 = tpu.memref_slice %arg3[%add3A_17, %dma_wait3A] : memref<6400x128xi32, #tpu.memory_space<hbm>> -> memref<20x128xi32, #tpu.memory_space<hbm>>
        %dma_wait3A_27 = arith.constant 0 : i32
        %dma_wait3A_28 = tpu.memref_slice %arg3[%add3A_17, %dma_wait3A_27] : memref<6400x128xi32, #tpu.memory_space<hbm>> -> memref<20x128xi32, #tpu.memory_space<hbm>>
        tpu.wait_dma2 semaphore(%run_scoped3A : memref<!tpu.dma_semaphore, #tpu.memory_space<semaphore_mem>>) src(%dma_wait3A_28 : memref<20x128xi32, #tpu.memory_space<hbm>>) dst(%arg9 : memref<20x128xi32, #tpu.memory_space<vmem>>)
        tpu.yield
      }) : () -> ()
      %scan3A_18 = arith.constant 0 : i32
      %scan3A_19 = arith.constant 4 : i32
      %scan3A_20 = arith.addi %scan3A_18, %scan3A_19 : i32
      %scan3A_21 = arith.constant 1 : i32
      scf.for %scan3A_23 = %scan3A_18 to %scan3A_20 step %scan3A_21  : i32 {
        %mul3A_24 = arith.constant 1 : i32
        %mul3A_25 = arith.muli %scan3A_23, %mul3A_24 : i32
        %add3A_26 = arith.constant 0 : i32
        %add3A_27 = arith.addi %add3A_26, %mul3A_25 : i32
        %eq3A = arith.constant 0 : i32
        %eq3A_28 = arith.cmpi eq, %arg0, %eq3A : i32
        %convert_element_type3A = arith.extui %eq3A_28 : i1 to i32
        %cond3A = arith.constant 0 : i32
        %cond3A_29 = arith.cmpi ne, %convert_element_type3A, %cond3A : i32
        scf.if %cond3A_29 {
          %mul3A_163 = arith.constant 5 : i32
          %mul3A_164 = arith.muli %add3A_27, %mul3A_163 : i32
          %add3A_165 = arith.constant 0 : i32
          %add3A_166 = arith.addi %mul3A_164, %add3A_165 : i32
          %dma_start3A_167 = arith.constant 0 : i32
          %dma_start3A_168 = arith.constant 0 : i32
          %dma_start3A_169 = arith.constant 0 : i32
          %dma_start3A_170 = tpu.memref_slice %arg10[%dma_start3A_167, %dma_start3A_168, %dma_start3A_169] : memref<5x128x32xf32, #tpu.memory_space<vmem>> -> memref<1x128x32xf32, #tpu.memory_space<vmem>>
          %dma_start3A_171 = tpu.memref_squeeze %dma_start3A_170 : memref<1x128x32xf32, #tpu.memory_space<vmem>> -> memref<128x32xf32, #tpu.memory_space<vmem>>
          %dma_start3A_172 = arith.constant 0 : i32
          %dma_start3A_173 = tpu.memref_slice %arg8[%add3A_166, %dma_start3A_172] : memref<20x128xi32, #tpu.memory_space<vmem>> -> memref<1x128xi32, #tpu.memory_space<vmem>>
          %dma_start3A_174 = tpu.memref_squeeze %dma_start3A_173 : memref<1x128xi32, #tpu.memory_space<vmem>> -> memref<128xi32, #tpu.memory_space<vmem>>
          %dma_start3A_175 = arith.constant 0 : i32
          %dma_start3A_176 = arith.constant 0 : i32
          %dma_start3A_177 = tpu.memref_slice %arg4[%dma_start3A_175, %dma_start3A_176] : memref<50000x32xf32, #tpu.memory_space<hbm>> -> memref<50000x32xf32, #tpu.memory_space<hbm>>
          tpu.enqueue_indirect_dma source(%dma_start3A_177 : memref<50000x32xf32, #tpu.memory_space<hbm>>) target(%dma_start3A_171 : memref<128x32xf32, #tpu.memory_space<vmem>>) offsets(%dma_start3A_174 : memref<128xi32, #tpu.memory_space<vmem>>) semaphore(%arg12 : memref<!tpu.dma_semaphore, #tpu.memory_space<semaphore_mem>>)
          %mul3A_178 = arith.constant 5 : i32
          %mul3A_179 = arith.muli %add3A_27, %mul3A_178 : i32
          %add3A_180 = arith.constant 1 : i32
          %add3A_181 = arith.addi %mul3A_179, %add3A_180 : i32
          %dma_start3A_182 = arith.constant 1 : i32
          %dma_start3A_183 = arith.constant 0 : i32
          %dma_start3A_184 = arith.constant 0 : i32
          %dma_start3A_185 = tpu.memref_slice %arg10[%dma_start3A_182, %dma_start3A_183, %dma_start3A_184] : memref<5x128x32xf32, #tpu.memory_space<vmem>> -> memref<1x128x32xf32, #tpu.memory_space<vmem>>
          %dma_start3A_186 = tpu.memref_squeeze %dma_start3A_185 : memref<1x128x32xf32, #tpu.memory_space<vmem>> -> memref<128x32xf32, #tpu.memory_space<vmem>>
          %dma_start3A_187 = arith.constant 0 : i32
          %dma_start3A_188 = tpu.memref_slice %arg8[%add3A_181, %dma_start3A_187] : memref<20x128xi32, #tpu.memory_space<vmem>> -> memref<1x128xi32, #tpu.memory_space<vmem>>
          %dma_start3A_189 = tpu.memref_squeeze %dma_start3A_188 : memref<1x128xi32, #tpu.memory_space<vmem>> -> memref<128xi32, #tpu.memory_space<vmem>>
          %dma_start3A_190 = arith.constant 0 : i32
          %dma_start3A_191 = arith.constant 0 : i32
          %dma_start3A_192 = tpu.memref_slice %arg4[%dma_start3A_190, %dma_start3A_191] : memref<50000x32xf32, #tpu.memory_space<hbm>> -> memref<50000x32xf32, #tpu.memory_space<hbm>>
          tpu.enqueue_indirect_dma source(%dma_start3A_192 : memref<50000x32xf32, #tpu.memory_space<hbm>>) target(%dma_start3A_186 : memref<128x32xf32, #tpu.memory_space<vmem>>) offsets(%dma_start3A_189 : memref<128xi32, #tpu.memory_space<vmem>>) semaphore(%arg12 : memref<!tpu.dma_semaphore, #tpu.memory_space<semaphore_mem>>)
          %mul3A_193 = arith.constant 5 : i32
          %mul3A_194 = arith.muli %add3A_27, %mul3A_193 : i32
          %add3A_195 = arith.constant 2 : i32
          %add3A_196 = arith.addi %mul3A_194, %add3A_195 : i32
          %dma_start3A_197 = arith.constant 2 : i32
          %dma_start3A_198 = arith.constant 0 : i32
          %dma_start3A_199 = arith.constant 0 : i32
          %dma_start3A_200 = tpu.memref_slice %arg10[%dma_start3A_197, %dma_start3A_198, %dma_start3A_199] : memref<5x128x32xf32, #tpu.memory_space<vmem>> -> memref<1x128x32xf32, #tpu.memory_space<vmem>>
          %dma_start3A_201 = tpu.memref_squeeze %dma_start3A_200 : memref<1x128x32xf32, #tpu.memory_space<vmem>> -> memref<128x32xf32, #tpu.memory_space<vmem>>
          %dma_start3A_202 = arith.constant 0 : i32
          %dma_start3A_203 = tpu.memref_slice %arg8[%add3A_196, %dma_start3A_202] : memref<20x128xi32, #tpu.memory_space<vmem>> -> memref<1x128xi32, #tpu.memory_space<vmem>>
          %dma_start3A_204 = tpu.memref_squeeze %dma_start3A_203 : memref<1x128xi32, #tpu.memory_space<vmem>> -> memref<128xi32, #tpu.memory_space<vmem>>
          %dma_start3A_205 = arith.constant 0 : i32
          %dma_start3A_206 = arith.constant 0 : i32
          %dma_start3A_207 = tpu.memref_slice %arg4[%dma_start3A_205, %dma_start3A_206] : memref<50000x32xf32, #tpu.memory_space<hbm>> -> memref<50000x32xf32, #tpu.memory_space<hbm>>
          tpu.enqueue_indirect_dma source(%dma_start3A_207 : memref<50000x32xf32, #tpu.memory_space<hbm>>) target(%dma_start3A_201 : memref<128x32xf32, #tpu.memory_space<vmem>>) offsets(%dma_start3A_204 : memref<128xi32, #tpu.memory_space<vmem>>) semaphore(%arg12 : memref<!tpu.dma_semaphore, #tpu.memory_space<semaphore_mem>>)
          %mul3A_208 = arith.constant 5 : i32
          %mul3A_209 = arith.muli %add3A_27, %mul3A_208 : i32
          %add3A_210 = arith.constant 3 : i32
          %add3A_211 = arith.addi %mul3A_209, %add3A_210 : i32
          %dma_start3A_212 = arith.constant 3 : i32
          %dma_start3A_213 = arith.constant 0 : i32
          %dma_start3A_214 = arith.constant 0 : i32
          %dma_start3A_215 = tpu.memref_slice %arg10[%dma_start3A_212, %dma_start3A_213, %dma_start3A_214] : memref<5x128x32xf32, #tpu.memory_space<vmem>> -> memref<1x128x32xf32, #tpu.memory_space<vmem>>
          %dma_start3A_216 = tpu.memref_squeeze %dma_start3A_215 : memref<1x128x32xf32, #tpu.memory_space<vmem>> -> memref<128x32xf32, #tpu.memory_space<vmem>>
          %dma_start3A_217 = arith.constant 0 : i32
          %dma_start3A_218 = tpu.memref_slice %arg8[%add3A_211, %dma_start3A_217] : memref<20x128xi32, #tpu.memory_space<vmem>> -> memref<1x128xi32, #tpu.memory_space<vmem>>
          %dma_start3A_219 = tpu.memref_squeeze %dma_start3A_218 : memref<1x128xi32, #tpu.memory_space<vmem>> -> memref<128xi32, #tpu.memory_space<vmem>>
          %dma_start3A_220 = arith.constant 0 : i32
          %dma_start3A_221 = arith.constant 0 : i32
          %dma_start3A_222 = tpu.memref_slice %arg4[%dma_start3A_220, %dma_start3A_221] : memref<50000x32xf32, #tpu.memory_space<hbm>> -> memref<50000x32xf32, #tpu.memory_space<hbm>>
          tpu.enqueue_indirect_dma source(%dma_start3A_222 : memref<50000x32xf32, #tpu.memory_space<hbm>>) target(%dma_start3A_216 : memref<128x32xf32, #tpu.memory_space<vmem>>) offsets(%dma_start3A_219 : memref<128xi32, #tpu.memory_space<vmem>>) semaphore(%arg12 : memref<!tpu.dma_semaphore, #tpu.memory_space<semaphore_mem>>)
          %mul3A_223 = arith.constant 5 : i32
          %mul3A_224 = arith.muli %add3A_27, %mul3A_223 : i32
          %add3A_225 = arith.constant 4 : i32
          %add3A_226 = arith.addi %mul3A_224, %add3A_225 : i32
          %dma_start3A_227 = arith.constant 4 : i32
          %dma_start3A_228 = arith.constant 0 : i32
          %dma_start3A_229 = arith.constant 0 : i32
          %dma_start3A_230 = tpu.memref_slice %arg10[%dma_start3A_227, %dma_start3A_228, %dma_start3A_229] : memref<5x128x32xf32, #tpu.memory_space<vmem>> -> memref<1x128x32xf32, #tpu.memory_space<vmem>>
          %dma_start3A_231 = tpu.memref_squeeze %dma_start3A_230 : memref<1x128x32xf32, #tpu.memory_space<vmem>> -> memref<128x32xf32, #tpu.memory_space<vmem>>
          %dma_start3A_232 = arith.constant 0 : i32
          %dma_start3A_233 = tpu.memref_slice %arg8[%add3A_226, %dma_start3A_232] : memref<20x128xi32, #tpu.memory_space<vmem>> -> memref<1x128xi32, #tpu.memory_space<vmem>>
          %dma_start3A_234 = tpu.memref_squeeze %dma_start3A_233 : memref<1x128xi32, #tpu.memory_space<vmem>> -> memref<128xi32, #tpu.memory_space<vmem>>
          %dma_start3A_235 = arith.constant 0 : i32
          %dma_start3A_236 = arith.constant 0 : i32
          %dma_start3A_237 = tpu.memref_slice %arg4[%dma_start3A_235, %dma_start3A_236] : memref<50000x32xf32, #tpu.memory_space<hbm>> -> memref<50000x32xf32, #tpu.memory_space<hbm>>
          tpu.enqueue_indirect_dma source(%dma_start3A_237 : memref<50000x32xf32, #tpu.memory_space<hbm>>) target(%dma_start3A_231 : memref<128x32xf32, #tpu.memory_space<vmem>>) offsets(%dma_start3A_234 : memref<128xi32, #tpu.memory_space<vmem>>) semaphore(%arg12 : memref<!tpu.dma_semaphore, #tpu.memory_space<semaphore_mem>>)
          %dma_wait3A_238 = arith.constant 0 : i32
          %dma_wait3A_239 = arith.constant 0 : i32
          %dma_wait3A_240 = arith.constant 0 : i32
          %dma_wait3A_241 = tpu.memref_slice %arg10[%dma_wait3A_238, %dma_wait3A_239, %dma_wait3A_240] : memref<5x128x32xf32, #tpu.memory_space<vmem>> -> memref<1x128x32xf32, #tpu.memory_space<vmem>>
          %dma_wait3A_242 = tpu.memref_squeeze %dma_wait3A_241 : memref<1x128x32xf32, #tpu.memory_space<vmem>> -> memref<128x32xf32, #tpu.memory_space<vmem>>
          %dma_wait3A_243 = arith.constant 0 : i32
          %dma_wait3A_244 = tpu.memref_slice %arg8[%add3A_166, %dma_wait3A_243] : memref<20x128xi32, #tpu.memory_space<vmem>> -> memref<1x128xi32, #tpu.memory_space<vmem>>
          %dma_wait3A_245 = tpu.memref_squeeze %dma_wait3A_244 : memref<1x128xi32, #tpu.memory_space<vmem>> -> memref<128xi32, #tpu.memory_space<vmem>>
          %dma_wait3A_246 = arith.constant 0 : i32
          %dma_wait3A_247 = arith.constant 0 : i32
          %dma_wait3A_248 = tpu.memref_slice %arg4[%dma_wait3A_246, %dma_wait3A_247] : memref<50000x32xf32, #tpu.memory_space<hbm>> -> memref<50000x32xf32, #tpu.memory_space<hbm>>
          tpu.wait_indirect_dma semaphore(%arg12 : memref<!tpu.dma_semaphore, #tpu.memory_space<semaphore_mem>>) src(%dma_wait3A_248 : memref<50000x32xf32, #tpu.memory_space<hbm>>) dst(%dma_wait3A_242 : memref<128x32xf32, #tpu.memory_space<vmem>>)
          %dma_wait3A_249 = arith.constant 1 : i32
          %dma_wait3A_250 = arith.constant 0 : i32
          %dma_wait3A_251 = arith.constant 0 : i32
          %dma_wait3A_252 = tpu.memref_slice %arg10[%dma_wait3A_249, %dma_wait3A_250, %dma_wait3A_251] : memref<5x128x32xf32, #tpu.memory_space<vmem>> -> memref<1x128x32xf32, #tpu.memory_space<vmem>>
          %dma_wait3A_253 = tpu.memref_squeeze %dma_wait3A_252 : memref<1x128x32xf32, #tpu.memory_space<vmem>> -> memref<128x32xf32, #tpu.memory_space<vmem>>
          %dma_wait3A_254 = arith.constant 0 : i32
          %dma_wait3A_255 = tpu.memref_slice %arg8[%add3A_181, %dma_wait3A_254] : memref<20x128xi32, #tpu.memory_space<vmem>> -> memref<1x128xi32, #tpu.memory_space<vmem>>
          %dma_wait3A_256 = tpu.memref_squeeze %dma_wait3A_255 : memref<1x128xi32, #tpu.memory_space<vmem>> -> memref<128xi32, #tpu.memory_space<vmem>>
          %dma_wait3A_257 = arith.constant 0 : i32
          %dma_wait3A_258 = arith.constant 0 : i32
          %dma_wait3A_259 = tpu.memref_slice %arg4[%dma_wait3A_257, %dma_wait3A_258] : memref<50000x32xf32, #tpu.memory_space<hbm>> -> memref<50000x32xf32, #tpu.memory_space<hbm>>
          tpu.wait_indirect_dma semaphore(%arg12 : memref<!tpu.dma_semaphore, #tpu.memory_space<semaphore_mem>>) src(%dma_wait3A_259 : memref<50000x32xf32, #tpu.memory_space<hbm>>) dst(%dma_wait3A_253 : memref<128x32xf32, #tpu.memory_space<vmem>>)
          %dma_wait3A_260 = arith.constant 2 : i32
          %dma_wait3A_261 = arith.constant 0 : i32
          %dma_wait3A_262 = arith.constant 0 : i32
          %dma_wait3A_263 = tpu.memref_slice %arg10[%dma_wait3A_260, %dma_wait3A_261, %dma_wait3A_262] : memref<5x128x32xf32, #tpu.memory_space<vmem>> -> memref<1x128x32xf32, #tpu.memory_space<vmem>>
          %dma_wait3A_264 = tpu.memref_squeeze %dma_wait3A_263 : memref<1x128x32xf32, #tpu.memory_space<vmem>> -> memref<128x32xf32, #tpu.memory_space<vmem>>
          %dma_wait3A_265 = arith.constant 0 : i32
          %dma_wait3A_266 = tpu.memref_slice %arg8[%add3A_196, %dma_wait3A_265] : memref<20x128xi32, #tpu.memory_space<vmem>> -> memref<1x128xi32, #tpu.memory_space<vmem>>
          %dma_wait3A_267 = tpu.memref_squeeze %dma_wait3A_266 : memref<1x128xi32, #tpu.memory_space<vmem>> -> memref<128xi32, #tpu.memory_space<vmem>>
          %dma_wait3A_268 = arith.constant 0 : i32
          %dma_wait3A_269 = arith.constant 0 : i32
          %dma_wait3A_270 = tpu.memref_slice %arg4[%dma_wait3A_268, %dma_wait3A_269] : memref<50000x32xf32, #tpu.memory_space<hbm>> -> memref<50000x32xf32, #tpu.memory_space<hbm>>
          tpu.wait_indirect_dma semaphore(%arg12 : memref<!tpu.dma_semaphore, #tpu.memory_space<semaphore_mem>>) src(%dma_wait3A_270 : memref<50000x32xf32, #tpu.memory_space<hbm>>) dst(%dma_wait3A_264 : memref<128x32xf32, #tpu.memory_space<vmem>>)
          %dma_wait3A_271 = arith.constant 3 : i32
          %dma_wait3A_272 = arith.constant 0 : i32
          %dma_wait3A_273 = arith.constant 0 : i32
          %dma_wait3A_274 = tpu.memref_slice %arg10[%dma_wait3A_271, %dma_wait3A_272, %dma_wait3A_273] : memref<5x128x32xf32, #tpu.memory_space<vmem>> -> memref<1x128x32xf32, #tpu.memory_space<vmem>>
          %dma_wait3A_275 = tpu.memref_squeeze %dma_wait3A_274 : memref<1x128x32xf32, #tpu.memory_space<vmem>> -> memref<128x32xf32, #tpu.memory_space<vmem>>
          %dma_wait3A_276 = arith.constant 0 : i32
          %dma_wait3A_277 = tpu.memref_slice %arg8[%add3A_211, %dma_wait3A_276] : memref<20x128xi32, #tpu.memory_space<vmem>> -> memref<1x128xi32, #tpu.memory_space<vmem>>
          %dma_wait3A_278 = tpu.memref_squeeze %dma_wait3A_277 : memref<1x128xi32, #tpu.memory_space<vmem>> -> memref<128xi32, #tpu.memory_space<vmem>>
          %dma_wait3A_279 = arith.constant 0 : i32
          %dma_wait3A_280 = arith.constant 0 : i32
          %dma_wait3A_281 = tpu.memref_slice %arg4[%dma_wait3A_279, %dma_wait3A_280] : memref<50000x32xf32, #tpu.memory_space<hbm>> -> memref<50000x32xf32, #tpu.memory_space<hbm>>
          tpu.wait_indirect_dma semaphore(%arg12 : memref<!tpu.dma_semaphore, #tpu.memory_space<semaphore_mem>>) src(%dma_wait3A_281 : memref<50000x32xf32, #tpu.memory_space<hbm>>) dst(%dma_wait3A_275 : memref<128x32xf32, #tpu.memory_space<vmem>>)
          %dma_wait3A_282 = arith.constant 4 : i32
          %dma_wait3A_283 = arith.constant 0 : i32
          %dma_wait3A_284 = arith.constant 0 : i32
          %dma_wait3A_285 = tpu.memref_slice %arg10[%dma_wait3A_282, %dma_wait3A_283, %dma_wait3A_284] : memref<5x128x32xf32, #tpu.memory_space<vmem>> -> memref<1x128x32xf32, #tpu.memory_space<vmem>>
          %dma_wait3A_286 = tpu.memref_squeeze %dma_wait3A_285 : memref<1x128x32xf32, #tpu.memory_space<vmem>> -> memref<128x32xf32, #tpu.memory_space<vmem>>
          %dma_wait3A_287 = arith.constant 0 : i32
          %dma_wait3A_288 = tpu.memref_slice %arg8[%add3A_226, %dma_wait3A_287] : memref<20x128xi32, #tpu.memory_space<vmem>> -> memref<1x128xi32, #tpu.memory_space<vmem>>
          %dma_wait3A_289 = tpu.memref_squeeze %dma_wait3A_288 : memref<1x128xi32, #tpu.memory_space<vmem>> -> memref<128xi32, #tpu.memory_space<vmem>>
          %dma_wait3A_290 = arith.constant 0 : i32
          %dma_wait3A_291 = arith.constant 0 : i32
          %dma_wait3A_292 = tpu.memref_slice %arg4[%dma_wait3A_290, %dma_wait3A_291] : memref<50000x32xf32, #tpu.memory_space<hbm>> -> memref<50000x32xf32, #tpu.memory_space<hbm>>
          tpu.wait_indirect_dma semaphore(%arg12 : memref<!tpu.dma_semaphore, #tpu.memory_space<semaphore_mem>>) src(%dma_wait3A_292 : memref<50000x32xf32, #tpu.memory_space<hbm>>) dst(%dma_wait3A_286 : memref<128x32xf32, #tpu.memory_space<vmem>>)
        } else {
        }
        %eq3A_30 = arith.constant 1 : i32
        %eq3A_31 = arith.cmpi eq, %arg0, %eq3A_30 : i32
        %convert_element_type3A_32 = arith.extui %eq3A_31 : i1 to i32
        %cond3A_33 = arith.constant 0 : i32
        %cond3A_34 = arith.cmpi ne, %convert_element_type3A_32, %cond3A_33 : i32
        scf.if %cond3A_34 {
          %mul3A_163 = arith.constant 5 : i32
          %mul3A_164 = arith.muli %add3A_27, %mul3A_163 : i32
          %add3A_165 = arith.constant 0 : i32
          %add3A_166 = arith.addi %mul3A_164, %add3A_165 : i32
          %dma_start3A_167 = arith.constant 0 : i32
          %dma_start3A_168 = arith.constant 0 : i32
          %dma_start3A_169 = arith.constant 0 : i32
          %dma_start3A_170 = tpu.memref_slice %arg10[%dma_start3A_167, %dma_start3A_168, %dma_start3A_169] : memref<5x128x32xf32, #tpu.memory_space<vmem>> -> memref<1x128x32xf32, #tpu.memory_space<vmem>>
          %dma_start3A_171 = tpu.memref_squeeze %dma_start3A_170 : memref<1x128x32xf32, #tpu.memory_space<vmem>> -> memref<128x32xf32, #tpu.memory_space<vmem>>
          %dma_start3A_172 = arith.constant 0 : i32
          %dma_start3A_173 = tpu.memref_slice %arg8[%add3A_166, %dma_start3A_172] : memref<20x128xi32, #tpu.memory_space<vmem>> -> memref<1x128xi32, #tpu.memory_space<vmem>>
          %dma_start3A_174 = tpu.memref_squeeze %dma_start3A_173 : memref<1x128xi32, #tpu.memory_space<vmem>> -> memref<128xi32, #tpu.memory_space<vmem>>
          %dma_start3A_175 = arith.constant 0 : i32
          %dma_start3A_176 = arith.constant 0 : i32
          %dma_start3A_177 = tpu.memref_slice %arg5[%dma_start3A_175, %dma_start3A_176] : memref<50000x32xf32, #tpu.memory_space<hbm>> -> memref<50000x32xf32, #tpu.memory_space<hbm>>
          tpu.enqueue_indirect_dma source(%dma_start3A_177 : memref<50000x32xf32, #tpu.memory_space<hbm>>) target(%dma_start3A_171 : memref<128x32xf32, #tpu.memory_space<vmem>>) offsets(%dma_start3A_174 : memref<128xi32, #tpu.memory_space<vmem>>) semaphore(%arg12 : memref<!tpu.dma_semaphore, #tpu.memory_space<semaphore_mem>>)
          %mul3A_178 = arith.constant 5 : i32
          %mul3A_179 = arith.muli %add3A_27, %mul3A_178 : i32
          %add3A_180 = arith.constant 1 : i32
          %add3A_181 = arith.addi %mul3A_179, %add3A_180 : i32
          %dma_start3A_182 = arith.constant 1 : i32
          %dma_start3A_183 = arith.constant 0 : i32
          %dma_start3A_184 = arith.constant 0 : i32
          %dma_start3A_185 = tpu.memref_slice %arg10[%dma_start3A_182, %dma_start3A_183, %dma_start3A_184] : memref<5x128x32xf32, #tpu.memory_space<vmem>> -> memref<1x128x32xf32, #tpu.memory_space<vmem>>
          %dma_start3A_186 = tpu.memref_squeeze %dma_start3A_185 : memref<1x128x32xf32, #tpu.memory_space<vmem>> -> memref<128x32xf32, #tpu.memory_space<vmem>>
          %dma_start3A_187 = arith.constant 0 : i32
          %dma_start3A_188 = tpu.memref_slice %arg8[%add3A_181, %dma_start3A_187] : memref<20x128xi32, #tpu.memory_space<vmem>> -> memref<1x128xi32, #tpu.memory_space<vmem>>
          %dma_start3A_189 = tpu.memref_squeeze %dma_start3A_188 : memref<1x128xi32, #tpu.memory_space<vmem>> -> memref<128xi32, #tpu.memory_space<vmem>>
          %dma_start3A_190 = arith.constant 0 : i32
          %dma_start3A_191 = arith.constant 0 : i32
          %dma_start3A_192 = tpu.memref_slice %arg5[%dma_start3A_190, %dma_start3A_191] : memref<50000x32xf32, #tpu.memory_space<hbm>> -> memref<50000x32xf32, #tpu.memory_space<hbm>>
          tpu.enqueue_indirect_dma source(%dma_start3A_192 : memref<50000x32xf32, #tpu.memory_space<hbm>>) target(%dma_start3A_186 : memref<128x32xf32, #tpu.memory_space<vmem>>) offsets(%dma_start3A_189 : memref<128xi32, #tpu.memory_space<vmem>>) semaphore(%arg12 : memref<!tpu.dma_semaphore, #tpu.memory_space<semaphore_mem>>)
          %mul3A_193 = arith.constant 5 : i32
          %mul3A_194 = arith.muli %add3A_27, %mul3A_193 : i32
          %add3A_195 = arith.constant 2 : i32
          %add3A_196 = arith.addi %mul3A_194, %add3A_195 : i32
          %dma_start3A_197 = arith.constant 2 : i32
          %dma_start3A_198 = arith.constant 0 : i32
          %dma_start3A_199 = arith.constant 0 : i32
          %dma_start3A_200 = tpu.memref_slice %arg10[%dma_start3A_197, %dma_start3A_198, %dma_start3A_199] : memref<5x128x32xf32, #tpu.memory_space<vmem>> -> memref<1x128x32xf32, #tpu.memory_space<vmem>>
          %dma_start3A_201 = tpu.memref_squeeze %dma_start3A_200 : memref<1x128x32xf32, #tpu.memory_space<vmem>> -> memref<128x32xf32, #tpu.memory_space<vmem>>
          %dma_start3A_202 = arith.constant 0 : i32
          %dma_start3A_203 = tpu.memref_slice %arg8[%add3A_196, %dma_start3A_202] : memref<20x128xi32, #tpu.memory_space<vmem>> -> memref<1x128xi32, #tpu.memory_space<vmem>>
          %dma_start3A_204 = tpu.memref_squeeze %dma_start3A_203 : memref<1x128xi32, #tpu.memory_space<vmem>> -> memref<128xi32, #tpu.memory_space<vmem>>
          %dma_start3A_205 = arith.constant 0 : i32
          %dma_start3A_206 = arith.constant 0 : i32
          %dma_start3A_207 = tpu.memref_slice %arg5[%dma_start3A_205, %dma_start3A_206] : memref<50000x32xf32, #tpu.memory_space<hbm>> -> memref<50000x32xf32, #tpu.memory_space<hbm>>
          tpu.enqueue_indirect_dma source(%dma_start3A_207 : memref<50000x32xf32, #tpu.memory_space<hbm>>) target(%dma_start3A_201 : memref<128x32xf32, #tpu.memory_space<vmem>>) offsets(%dma_start3A_204 : memref<128xi32, #tpu.memory_space<vmem>>) semaphore(%arg12 : memref<!tpu.dma_semaphore, #tpu.memory_space<semaphore_mem>>)
          %mul3A_208 = arith.constant 5 : i32
          %mul3A_209 = arith.muli %add3A_27, %mul3A_208 : i32
          %add3A_210 = arith.constant 3 : i32
          %add3A_211 = arith.addi %mul3A_209, %add3A_210 : i32
          %dma_start3A_212 = arith.constant 3 : i32
          %dma_start3A_213 = arith.constant 0 : i32
          %dma_start3A_214 = arith.constant 0 : i32
          %dma_start3A_215 = tpu.memref_slice %arg10[%dma_start3A_212, %dma_start3A_213, %dma_start3A_214] : memref<5x128x32xf32, #tpu.memory_space<vmem>> -> memref<1x128x32xf32, #tpu.memory_space<vmem>>
          %dma_start3A_216 = tpu.memref_squeeze %dma_start3A_215 : memref<1x128x32xf32, #tpu.memory_space<vmem>> -> memref<128x32xf32, #tpu.memory_space<vmem>>
          %dma_start3A_217 = arith.constant 0 : i32
          %dma_start3A_218 = tpu.memref_slice %arg8[%add3A_211, %dma_start3A_217] : memref<20x128xi32, #tpu.memory_space<vmem>> -> memref<1x128xi32, #tpu.memory_space<vmem>>
          %dma_start3A_219 = tpu.memref_squeeze %dma_start3A_218 : memref<1x128xi32, #tpu.memory_space<vmem>> -> memref<128xi32, #tpu.memory_space<vmem>>
          %dma_start3A_220 = arith.constant 0 : i32
          %dma_start3A_221 = arith.constant 0 : i32
          %dma_start3A_222 = tpu.memref_slice %arg5[%dma_start3A_220, %dma_start3A_221] : memref<50000x32xf32, #tpu.memory_space<hbm>> -> memref<50000x32xf32, #tpu.memory_space<hbm>>
          tpu.enqueue_indirect_dma source(%dma_start3A_222 : memref<50000x32xf32, #tpu.memory_space<hbm>>) target(%dma_start3A_216 : memref<128x32xf32, #tpu.memory_space<vmem>>) offsets(%dma_start3A_219 : memref<128xi32, #tpu.memory_space<vmem>>) semaphore(%arg12 : memref<!tpu.dma_semaphore, #tpu.memory_space<semaphore_mem>>)
          %mul3A_223 = arith.constant 5 : i32
          %mul3A_224 = arith.muli %add3A_27, %mul3A_223 : i32
          %add3A_225 = arith.constant 4 : i32
          %add3A_226 = arith.addi %mul3A_224, %add3A_225 : i32
          %dma_start3A_227 = arith.constant 4 : i32
          %dma_start3A_228 = arith.constant 0 : i32
          %dma_start3A_229 = arith.constant 0 : i32
          %dma_start3A_230 = tpu.memref_slice %arg10[%dma_start3A_227, %dma_start3A_228, %dma_start3A_229] : memref<5x128x32xf32, #tpu.memory_space<vmem>> -> memref<1x128x32xf32, #tpu.memory_space<vmem>>
          %dma_start3A_231 = tpu.memref_squeeze %dma_start3A_230 : memref<1x128x32xf32, #tpu.memory_space<vmem>> -> memref<128x32xf32, #tpu.memory_space<vmem>>
          %dma_start3A_232 = arith.constant 0 : i32
          %dma_start3A_233 = tpu.memref_slice %arg8[%add3A_226, %dma_start3A_232] : memref<20x128xi32, #tpu.memory_space<vmem>> -> memref<1x128xi32, #tpu.memory_space<vmem>>
          %dma_start3A_234 = tpu.memref_squeeze %dma_start3A_233 : memref<1x128xi32, #tpu.memory_space<vmem>> -> memref<128xi32, #tpu.memory_space<vmem>>
          %dma_start3A_235 = arith.constant 0 : i32
          %dma_start3A_236 = arith.constant 0 : i32
          %dma_start3A_237 = tpu.memref_slice %arg5[%dma_start3A_235, %dma_start3A_236] : memref<50000x32xf32, #tpu.memory_space<hbm>> -> memref<50000x32xf32, #tpu.memory_space<hbm>>
          tpu.enqueue_indirect_dma source(%dma_start3A_237 : memref<50000x32xf32, #tpu.memory_space<hbm>>) target(%dma_start3A_231 : memref<128x32xf32, #tpu.memory_space<vmem>>) offsets(%dma_start3A_234 : memref<128xi32, #tpu.memory_space<vmem>>) semaphore(%arg12 : memref<!tpu.dma_semaphore, #tpu.memory_space<semaphore_mem>>)
          %dma_wait3A_238 = arith.constant 0 : i32
          %dma_wait3A_239 = arith.constant 0 : i32
          %dma_wait3A_240 = arith.constant 0 : i32
          %dma_wait3A_241 = tpu.memref_slice %arg10[%dma_wait3A_238, %dma_wait3A_239, %dma_wait3A_240] : memref<5x128x32xf32, #tpu.memory_space<vmem>> -> memref<1x128x32xf32, #tpu.memory_space<vmem>>
          %dma_wait3A_242 = tpu.memref_squeeze %dma_wait3A_241 : memref<1x128x32xf32, #tpu.memory_space<vmem>> -> memref<128x32xf32, #tpu.memory_space<vmem>>
          %dma_wait3A_243 = arith.constant 0 : i32
          %dma_wait3A_244 = tpu.memref_slice %arg8[%add3A_166, %dma_wait3A_243] : memref<20x128xi32, #tpu.memory_space<vmem>> -> memref<1x128xi32, #tpu.memory_space<vmem>>
          %dma_wait3A_245 = tpu.memref_squeeze %dma_wait3A_244 : memref<1x128xi32, #tpu.memory_space<vmem>> -> memref<128xi32, #tpu.memory_space<vmem>>
          %dma_wait3A_246 = arith.constant 0 : i32
          %dma_wait3A_247 = arith.constant 0 : i32
          %dma_wait3A_248 = tpu.memref_slice %arg5[%dma_wait3A_246, %dma_wait3A_247] : memref<50000x32xf32, #tpu.memory_space<hbm>> -> memref<50000x32xf32, #tpu.memory_space<hbm>>
          tpu.wait_indirect_dma semaphore(%arg12 : memref<!tpu.dma_semaphore, #tpu.memory_space<semaphore_mem>>) src(%dma_wait3A_248 : memref<50000x32xf32, #tpu.memory_space<hbm>>) dst(%dma_wait3A_242 : memref<128x32xf32, #tpu.memory_space<vmem>>)
          %dma_wait3A_249 = arith.constant 1 : i32
          %dma_wait3A_250 = arith.constant 0 : i32
          %dma_wait3A_251 = arith.constant 0 : i32
          %dma_wait3A_252 = tpu.memref_slice %arg10[%dma_wait3A_249, %dma_wait3A_250, %dma_wait3A_251] : memref<5x128x32xf32, #tpu.memory_space<vmem>> -> memref<1x128x32xf32, #tpu.memory_space<vmem>>
          %dma_wait3A_253 = tpu.memref_squeeze %dma_wait3A_252 : memref<1x128x32xf32, #tpu.memory_space<vmem>> -> memref<128x32xf32, #tpu.memory_space<vmem>>
          %dma_wait3A_254 = arith.constant 0 : i32
          %dma_wait3A_255 = tpu.memref_slice %arg8[%add3A_181, %dma_wait3A_254] : memref<20x128xi32, #tpu.memory_space<vmem>> -> memref<1x128xi32, #tpu.memory_space<vmem>>
          %dma_wait3A_256 = tpu.memref_squeeze %dma_wait3A_255 : memref<1x128xi32, #tpu.memory_space<vmem>> -> memref<128xi32, #tpu.memory_space<vmem>>
          %dma_wait3A_257 = arith.constant 0 : i32
          %dma_wait3A_258 = arith.constant 0 : i32
          %dma_wait3A_259 = tpu.memref_slice %arg5[%dma_wait3A_257, %dma_wait3A_258] : memref<50000x32xf32, #tpu.memory_space<hbm>> -> memref<50000x32xf32, #tpu.memory_space<hbm>>
          tpu.wait_indirect_dma semaphore(%arg12 : memref<!tpu.dma_semaphore, #tpu.memory_space<semaphore_mem>>) src(%dma_wait3A_259 : memref<50000x32xf32, #tpu.memory_space<hbm>>) dst(%dma_wait3A_253 : memref<128x32xf32, #tpu.memory_space<vmem>>)
          %dma_wait3A_260 = arith.constant 2 : i32
          %dma_wait3A_261 = arith.constant 0 : i32
          %dma_wait3A_262 = arith.constant 0 : i32
          %dma_wait3A_263 = tpu.memref_slice %arg10[%dma_wait3A_260, %dma_wait3A_261, %dma_wait3A_262] : memref<5x128x32xf32, #tpu.memory_space<vmem>> -> memref<1x128x32xf32, #tpu.memory_space<vmem>>
          %dma_wait3A_264 = tpu.memref_squeeze %dma_wait3A_263 : memref<1x128x32xf32, #tpu.memory_space<vmem>> -> memref<128x32xf32, #tpu.memory_space<vmem>>
          %dma_wait3A_265 = arith.constant 0 : i32
          %dma_wait3A_266 = tpu.memref_slice %arg8[%add3A_196, %dma_wait3A_265] : memref<20x128xi32, #tpu.memory_space<vmem>> -> memref<1x128xi32, #tpu.memory_space<vmem>>
          %dma_wait3A_267 = tpu.memref_squeeze %dma_wait3A_266 : memref<1x128xi32, #tpu.memory_space<vmem>> -> memref<128xi32, #tpu.memory_space<vmem>>
          %dma_wait3A_268 = arith.constant 0 : i32
          %dma_wait3A_269 = arith.constant 0 : i32
          %dma_wait3A_270 = tpu.memref_slice %arg5[%dma_wait3A_268, %dma_wait3A_269] : memref<50000x32xf32, #tpu.memory_space<hbm>> -> memref<50000x32xf32, #tpu.memory_space<hbm>>
          tpu.wait_indirect_dma semaphore(%arg12 : memref<!tpu.dma_semaphore, #tpu.memory_space<semaphore_mem>>) src(%dma_wait3A_270 : memref<50000x32xf32, #tpu.memory_space<hbm>>) dst(%dma_wait3A_264 : memref<128x32xf32, #tpu.memory_space<vmem>>)
          %dma_wait3A_271 = arith.constant 3 : i32
          %dma_wait3A_272 = arith.constant 0 : i32
          %dma_wait3A_273 = arith.constant 0 : i32
          %dma_wait3A_274 = tpu.memref_slice %arg10[%dma_wait3A_271, %dma_wait3A_272, %dma_wait3A_273] : memref<5x128x32xf32, #tpu.memory_space<vmem>> -> memref<1x128x32xf32, #tpu.memory_space<vmem>>
          %dma_wait3A_275 = tpu.memref_squeeze %dma_wait3A_274 : memref<1x128x32xf32, #tpu.memory_space<vmem>> -> memref<128x32xf32, #tpu.memory_space<vmem>>
          %dma_wait3A_276 = arith.constant 0 : i32
          %dma_wait3A_277 = tpu.memref_slice %arg8[%add3A_211, %dma_wait3A_276] : memref<20x128xi32, #tpu.memory_space<vmem>> -> memref<1x128xi32, #tpu.memory_space<vmem>>
          %dma_wait3A_278 = tpu.memref_squeeze %dma_wait3A_277 : memref<1x128xi32, #tpu.memory_space<vmem>> -> memref<128xi32, #tpu.memory_space<vmem>>
          %dma_wait3A_279 = arith.constant 0 : i32
          %dma_wait3A_280 = arith.constant 0 : i32
          %dma_wait3A_281 = tpu.memref_slice %arg5[%dma_wait3A_279, %dma_wait3A_280] : memref<50000x32xf32, #tpu.memory_space<hbm>> -> memref<50000x32xf32, #tpu.memory_space<hbm>>
          tpu.wait_indirect_dma semaphore(%arg12 : memref<!tpu.dma_semaphore, #tpu.memory_space<semaphore_mem>>) src(%dma_wait3A_281 : memref<50000x32xf32, #tpu.memory_space<hbm>>) dst(%dma_wait3A_275 : memref<128x32xf32, #tpu.memory_space<vmem>>)
          %dma_wait3A_282 = arith.constant 4 : i32
          %dma_wait3A_283 = arith.constant 0 : i32
          %dma_wait3A_284 = arith.constant 0 : i32
          %dma_wait3A_285 = tpu.memref_slice %arg10[%dma_wait3A_282, %dma_wait3A_283, %dma_wait3A_284] : memref<5x128x32xf32, #tpu.memory_space<vmem>> -> memref<1x128x32xf32, #tpu.memory_space<vmem>>
          %dma_wait3A_286 = tpu.memref_squeeze %dma_wait3A_285 : memref<1x128x32xf32, #tpu.memory_space<vmem>> -> memref<128x32xf32, #tpu.memory_space<vmem>>
          %dma_wait3A_287 = arith.constant 0 : i32
          %dma_wait3A_288 = tpu.memref_slice %arg8[%add3A_226, %dma_wait3A_287] : memref<20x128xi32, #tpu.memory_space<vmem>> -> memref<1x128xi32, #tpu.memory_space<vmem>>
          %dma_wait3A_289 = tpu.memref_squeeze %dma_wait3A_288 : memref<1x128xi32, #tpu.memory_space<vmem>> -> memref<128xi32, #tpu.memory_space<vmem>>
          %dma_wait3A_290 = arith.constant 0 : i32
          %dma_wait3A_291 = arith.constant 0 : i32
          %dma_wait3A_292 = tpu.memref_slice %arg5[%dma_wait3A_290, %dma_wait3A_291] : memref<50000x32xf32, #tpu.memory_space<hbm>> -> memref<50000x32xf32, #tpu.memory_space<hbm>>
          tpu.wait_indirect_dma semaphore(%arg12 : memref<!tpu.dma_semaphore, #tpu.memory_space<semaphore_mem>>) src(%dma_wait3A_292 : memref<50000x32xf32, #tpu.memory_space<hbm>>) dst(%dma_wait3A_286 : memref<128x32xf32, #tpu.memory_space<vmem>>)
        } else {
        }
        %mul3A_35 = arith.constant 5 : i32
        %mul3A_36 = arith.muli %add3A_27, %mul3A_35 : i32
        %add3A_37 = arith.constant 0 : i32
        %add3A_38 = arith.addi %mul3A_36, %add3A_37 : i32
        %dma_start3A = arith.constant 0 : i32
        %dma_start3A_39 = arith.constant 0 : i32
        %dma_start3A_40 = arith.constant 0 : i32
        %dma_start3A_41 = tpu.memref_slice %arg10[%dma_start3A, %dma_start3A_39, %dma_start3A_40] : memref<5x128x32xf32, #tpu.memory_space<vmem>> -> memref<1x128x32xf32, #tpu.memory_space<vmem>>
        %dma_start3A_42 = tpu.memref_squeeze %dma_start3A_41 : memref<1x128x32xf32, #tpu.memory_space<vmem>> -> memref<128x32xf32, #tpu.memory_space<vmem>>
        %dma_start3A_43 = arith.constant 0 : i32
        %dma_start3A_44 = tpu.memref_slice %arg9[%add3A_38, %dma_start3A_43] : memref<20x128xi32, #tpu.memory_space<vmem>> -> memref<1x128xi32, #tpu.memory_space<vmem>>
        %dma_start3A_45 = tpu.memref_squeeze %dma_start3A_44 : memref<1x128xi32, #tpu.memory_space<vmem>> -> memref<128xi32, #tpu.memory_space<vmem>>
        %dma_start3A_46 = arith.constant 0 : i32
        %dma_start3A_47 = arith.constant 0 : i32
        %dma_start3A_48 = tpu.memref_slice %arg11[%dma_start3A_46, %dma_start3A_47] : memref<51200x32xf32, #tpu.memory_space<vmem_shared>> -> memref<51200x32xf32, #tpu.memory_space<vmem_shared>>
        tpu.enqueue_indirect_dma source(%dma_start3A_42 : memref<128x32xf32, #tpu.memory_space<vmem>>) target(%dma_start3A_48 : memref<51200x32xf32, #tpu.memory_space<vmem_shared>>) offsets(%dma_start3A_45 : memref<128xi32, #tpu.memory_space<vmem>>) semaphore(%arg13 : memref<!tpu.dma_semaphore, #tpu.memory_space<semaphore_mem>>) {add = true}
        %mul3A_49 = arith.constant 5 : i32
        %mul3A_50 = arith.muli %add3A_27, %mul3A_49 : i32
        %add3A_51 = arith.constant 1 : i32
        %add3A_52 = arith.addi %mul3A_50, %add3A_51 : i32
        %dma_start3A_53 = arith.constant 1 : i32
        %dma_start3A_54 = arith.constant 0 : i32
        %dma_start3A_55 = arith.constant 0 : i32
        %dma_start3A_56 = tpu.memref_slice %arg10[%dma_start3A_53, %dma_start3A_54, %dma_start3A_55] : memref<5x128x32xf32, #tpu.memory_space<vmem>> -> memref<1x128x32xf32, #tpu.memory_space<vmem>>
        %dma_start3A_57 = tpu.memref_squeeze %dma_start3A_56 : memref<1x128x32xf32, #tpu.memory_space<vmem>> -> memref<128x32xf32, #tpu.memory_space<vmem>>
        %dma_start3A_58 = arith.constant 0 : i32
        %dma_start3A_59 = tpu.memref_slice %arg9[%add3A_52, %dma_start3A_58] : memref<20x128xi32, #tpu.memory_space<vmem>> -> memref<1x128xi32, #tpu.memory_space<vmem>>
        %dma_start3A_60 = tpu.memref_squeeze %dma_start3A_59 : memref<1x128xi32, #tpu.memory_space<vmem>> -> memref<128xi32, #tpu.memory_space<vmem>>
        %dma_start3A_61 = arith.constant 0 : i32
        %dma_start3A_62 = arith.constant 0 : i32
        %dma_start3A_63 = tpu.memref_slice %arg11[%dma_start3A_61, %dma_start3A_62] : memref<51200x32xf32, #tpu.memory_space<vmem_shared>> -> memref<51200x32xf32, #tpu.memory_space<vmem_shared>>
        tpu.enqueue_indirect_dma source(%dma_start3A_57 : memref<128x32xf32, #tpu.memory_space<vmem>>) target(%dma_start3A_63 : memref<51200x32xf32, #tpu.memory_space<vmem_shared>>) offsets(%dma_start3A_60 : memref<128xi32, #tpu.memory_space<vmem>>) semaphore(%arg13 : memref<!tpu.dma_semaphore, #tpu.memory_space<semaphore_mem>>) {add = true}
        %mul3A_64 = arith.constant 5 : i32
        %mul3A_65 = arith.muli %add3A_27, %mul3A_64 : i32
        %add3A_66 = arith.constant 2 : i32
        %add3A_67 = arith.addi %mul3A_65, %add3A_66 : i32
        %dma_start3A_68 = arith.constant 2 : i32
        %dma_start3A_69 = arith.constant 0 : i32
        %dma_start3A_70 = arith.constant 0 : i32
        %dma_start3A_71 = tpu.memref_slice %arg10[%dma_start3A_68, %dma_start3A_69, %dma_start3A_70] : memref<5x128x32xf32, #tpu.memory_space<vmem>> -> memref<1x128x32xf32, #tpu.memory_space<vmem>>
        %dma_start3A_72 = tpu.memref_squeeze %dma_start3A_71 : memref<1x128x32xf32, #tpu.memory_space<vmem>> -> memref<128x32xf32, #tpu.memory_space<vmem>>
        %dma_start3A_73 = arith.constant 0 : i32
        %dma_start3A_74 = tpu.memref_slice %arg9[%add3A_67, %dma_start3A_73] : memref<20x128xi32, #tpu.memory_space<vmem>> -> memref<1x128xi32, #tpu.memory_space<vmem>>
        %dma_start3A_75 = tpu.memref_squeeze %dma_start3A_74 : memref<1x128xi32, #tpu.memory_space<vmem>> -> memref<128xi32, #tpu.memory_space<vmem>>
        %dma_start3A_76 = arith.constant 0 : i32
        %dma_start3A_77 = arith.constant 0 : i32
        %dma_start3A_78 = tpu.memref_slice %arg11[%dma_start3A_76, %dma_start3A_77] : memref<51200x32xf32, #tpu.memory_space<vmem_shared>> -> memref<51200x32xf32, #tpu.memory_space<vmem_shared>>
        tpu.enqueue_indirect_dma source(%dma_start3A_72 : memref<128x32xf32, #tpu.memory_space<vmem>>) target(%dma_start3A_78 : memref<51200x32xf32, #tpu.memory_space<vmem_shared>>) offsets(%dma_start3A_75 : memref<128xi32, #tpu.memory_space<vmem>>) semaphore(%arg13 : memref<!tpu.dma_semaphore, #tpu.memory_space<semaphore_mem>>) {add = true}
        %mul3A_79 = arith.constant 5 : i32
        %mul3A_80 = arith.muli %add3A_27, %mul3A_79 : i32
        %add3A_81 = arith.constant 3 : i32
        %add3A_82 = arith.addi %mul3A_80, %add3A_81 : i32
        %dma_start3A_83 = arith.constant 3 : i32
        %dma_start3A_84 = arith.constant 0 : i32
        %dma_start3A_85 = arith.constant 0 : i32
        %dma_start3A_86 = tpu.memref_slice %arg10[%dma_start3A_83, %dma_start3A_84, %dma_start3A_85] : memref<5x128x32xf32, #tpu.memory_space<vmem>> -> memref<1x128x32xf32, #tpu.memory_space<vmem>>
        %dma_start3A_87 = tpu.memref_squeeze %dma_start3A_86 : memref<1x128x32xf32, #tpu.memory_space<vmem>> -> memref<128x32xf32, #tpu.memory_space<vmem>>
        %dma_start3A_88 = arith.constant 0 : i32
        %dma_start3A_89 = tpu.memref_slice %arg9[%add3A_82, %dma_start3A_88] : memref<20x128xi32, #tpu.memory_space<vmem>> -> memref<1x128xi32, #tpu.memory_space<vmem>>
        %dma_start3A_90 = tpu.memref_squeeze %dma_start3A_89 : memref<1x128xi32, #tpu.memory_space<vmem>> -> memref<128xi32, #tpu.memory_space<vmem>>
        %dma_start3A_91 = arith.constant 0 : i32
        %dma_start3A_92 = arith.constant 0 : i32
        %dma_start3A_93 = tpu.memref_slice %arg11[%dma_start3A_91, %dma_start3A_92] : memref<51200x32xf32, #tpu.memory_space<vmem_shared>> -> memref<51200x32xf32, #tpu.memory_space<vmem_shared>>
        tpu.enqueue_indirect_dma source(%dma_start3A_87 : memref<128x32xf32, #tpu.memory_space<vmem>>) target(%dma_start3A_93 : memref<51200x32xf32, #tpu.memory_space<vmem_shared>>) offsets(%dma_start3A_90 : memref<128xi32, #tpu.memory_space<vmem>>) semaphore(%arg13 : memref<!tpu.dma_semaphore, #tpu.memory_space<semaphore_mem>>) {add = true}
        %mul3A_94 = arith.constant 5 : i32
        %mul3A_95 = arith.muli %add3A_27, %mul3A_94 : i32
        %add3A_96 = arith.constant 4 : i32
        %add3A_97 = arith.addi %mul3A_95, %add3A_96 : i32
        %dma_start3A_98 = arith.constant 4 : i32
        %dma_start3A_99 = arith.constant 0 : i32
        %dma_start3A_100 = arith.constant 0 : i32
        %dma_start3A_101 = tpu.memref_slice %arg10[%dma_start3A_98, %dma_start3A_99, %dma_start3A_100] : memref<5x128x32xf32, #tpu.memory_space<vmem>> -> memref<1x128x32xf32, #tpu.memory_space<vmem>>
        %dma_start3A_102 = tpu.memref_squeeze %dma_start3A_101 : memref<1x128x32xf32, #tpu.memory_space<vmem>> -> memref<128x32xf32, #tpu.memory_space<vmem>>
        %dma_start3A_103 = arith.constant 0 : i32
        %dma_start3A_104 = tpu.memref_slice %arg9[%add3A_97, %dma_start3A_103] : memref<20x128xi32, #tpu.memory_space<vmem>> -> memref<1x128xi32, #tpu.memory_space<vmem>>
        %dma_start3A_105 = tpu.memref_squeeze %dma_start3A_104 : memref<1x128xi32, #tpu.memory_space<vmem>> -> memref<128xi32, #tpu.memory_space<vmem>>
        %dma_start3A_106 = arith.constant 0 : i32
        %dma_start3A_107 = arith.constant 0 : i32
        %dma_start3A_108 = tpu.memref_slice %arg11[%dma_start3A_106, %dma_start3A_107] : memref<51200x32xf32, #tpu.memory_space<vmem_shared>> -> memref<51200x32xf32, #tpu.memory_space<vmem_shared>>
        tpu.enqueue_indirect_dma source(%dma_start3A_102 : memref<128x32xf32, #tpu.memory_space<vmem>>) target(%dma_start3A_108 : memref<51200x32xf32, #tpu.memory_space<vmem_shared>>) offsets(%dma_start3A_105 : memref<128xi32, #tpu.memory_space<vmem>>) semaphore(%arg13 : memref<!tpu.dma_semaphore, #tpu.memory_space<semaphore_mem>>) {add = true}
        %dma_wait3A = arith.constant 0 : i32
        %dma_wait3A_109 = arith.constant 0 : i32
        %dma_wait3A_110 = arith.constant 0 : i32
        %dma_wait3A_111 = tpu.memref_slice %arg10[%dma_wait3A, %dma_wait3A_109, %dma_wait3A_110] : memref<5x128x32xf32, #tpu.memory_space<vmem>> -> memref<1x128x32xf32, #tpu.memory_space<vmem>>
        %dma_wait3A_112 = tpu.memref_squeeze %dma_wait3A_111 : memref<1x128x32xf32, #tpu.memory_space<vmem>> -> memref<128x32xf32, #tpu.memory_space<vmem>>
        %dma_wait3A_113 = arith.constant 0 : i32
        %dma_wait3A_114 = tpu.memref_slice %arg9[%add3A_38, %dma_wait3A_113] : memref<20x128xi32, #tpu.memory_space<vmem>> -> memref<1x128xi32, #tpu.memory_space<vmem>>
        %dma_wait3A_115 = tpu.memref_squeeze %dma_wait3A_114 : memref<1x128xi32, #tpu.memory_space<vmem>> -> memref<128xi32, #tpu.memory_space<vmem>>
        %dma_wait3A_116 = arith.constant 0 : i32
        %dma_wait3A_117 = arith.constant 0 : i32
        %dma_wait3A_118 = tpu.memref_slice %arg11[%dma_wait3A_116, %dma_wait3A_117] : memref<51200x32xf32, #tpu.memory_space<vmem_shared>> -> memref<51200x32xf32, #tpu.memory_space<vmem_shared>>
        tpu.wait_indirect_dma semaphore(%arg13 : memref<!tpu.dma_semaphore, #tpu.memory_space<semaphore_mem>>) src(%dma_wait3A_112 : memref<128x32xf32, #tpu.memory_space<vmem>>) dst(%dma_wait3A_118 : memref<51200x32xf32, #tpu.memory_space<vmem_shared>>)
        %dma_wait3A_119 = arith.constant 1 : i32
        %dma_wait3A_120 = arith.constant 0 : i32
        %dma_wait3A_121 = arith.constant 0 : i32
        %dma_wait3A_122 = tpu.memref_slice %arg10[%dma_wait3A_119, %dma_wait3A_120, %dma_wait3A_121] : memref<5x128x32xf32, #tpu.memory_space<vmem>> -> memref<1x128x32xf32, #tpu.memory_space<vmem>>
        %dma_wait3A_123 = tpu.memref_squeeze %dma_wait3A_122 : memref<1x128x32xf32, #tpu.memory_space<vmem>> -> memref<128x32xf32, #tpu.memory_space<vmem>>
        %dma_wait3A_124 = arith.constant 0 : i32
        %dma_wait3A_125 = tpu.memref_slice %arg9[%add3A_52, %dma_wait3A_124] : memref<20x128xi32, #tpu.memory_space<vmem>> -> memref<1x128xi32, #tpu.memory_space<vmem>>
        %dma_wait3A_126 = tpu.memref_squeeze %dma_wait3A_125 : memref<1x128xi32, #tpu.memory_space<vmem>> -> memref<128xi32, #tpu.memory_space<vmem>>
        %dma_wait3A_127 = arith.constant 0 : i32
        %dma_wait3A_128 = arith.constant 0 : i32
        %dma_wait3A_129 = tpu.memref_slice %arg11[%dma_wait3A_127, %dma_wait3A_128] : memref<51200x32xf32, #tpu.memory_space<vmem_shared>> -> memref<51200x32xf32, #tpu.memory_space<vmem_shared>>
        tpu.wait_indirect_dma semaphore(%arg13 : memref<!tpu.dma_semaphore, #tpu.memory_space<semaphore_mem>>) src(%dma_wait3A_123 : memref<128x32xf32, #tpu.memory_space<vmem>>) dst(%dma_wait3A_129 : memref<51200x32xf32, #tpu.memory_space<vmem_shared>>)
        %dma_wait3A_130 = arith.constant 2 : i32
        %dma_wait3A_131 = arith.constant 0 : i32
        %dma_wait3A_132 = arith.constant 0 : i32
        %dma_wait3A_133 = tpu.memref_slice %arg10[%dma_wait3A_130, %dma_wait3A_131, %dma_wait3A_132] : memref<5x128x32xf32, #tpu.memory_space<vmem>> -> memref<1x128x32xf32, #tpu.memory_space<vmem>>
        %dma_wait3A_134 = tpu.memref_squeeze %dma_wait3A_133 : memref<1x128x32xf32, #tpu.memory_space<vmem>> -> memref<128x32xf32, #tpu.memory_space<vmem>>
        %dma_wait3A_135 = arith.constant 0 : i32
        %dma_wait3A_136 = tpu.memref_slice %arg9[%add3A_67, %dma_wait3A_135] : memref<20x128xi32, #tpu.memory_space<vmem>> -> memref<1x128xi32, #tpu.memory_space<vmem>>
        %dma_wait3A_137 = tpu.memref_squeeze %dma_wait3A_136 : memref<1x128xi32, #tpu.memory_space<vmem>> -> memref<128xi32, #tpu.memory_space<vmem>>
        %dma_wait3A_138 = arith.constant 0 : i32
        %dma_wait3A_139 = arith.constant 0 : i32
        %dma_wait3A_140 = tpu.memref_slice %arg11[%dma_wait3A_138, %dma_wait3A_139] : memref<51200x32xf32, #tpu.memory_space<vmem_shared>> -> memref<51200x32xf32, #tpu.memory_space<vmem_shared>>
        tpu.wait_indirect_dma semaphore(%arg13 : memref<!tpu.dma_semaphore, #tpu.memory_space<semaphore_mem>>) src(%dma_wait3A_134 : memref<128x32xf32, #tpu.memory_space<vmem>>) dst(%dma_wait3A_140 : memref<51200x32xf32, #tpu.memory_space<vmem_shared>>)
        %dma_wait3A_141 = arith.constant 3 : i32
        %dma_wait3A_142 = arith.constant 0 : i32
        %dma_wait3A_143 = arith.constant 0 : i32
        %dma_wait3A_144 = tpu.memref_slice %arg10[%dma_wait3A_141, %dma_wait3A_142, %dma_wait3A_143] : memref<5x128x32xf32, #tpu.memory_space<vmem>> -> memref<1x128x32xf32, #tpu.memory_space<vmem>>
        %dma_wait3A_145 = tpu.memref_squeeze %dma_wait3A_144 : memref<1x128x32xf32, #tpu.memory_space<vmem>> -> memref<128x32xf32, #tpu.memory_space<vmem>>
        %dma_wait3A_146 = arith.constant 0 : i32
        %dma_wait3A_147 = tpu.memref_slice %arg9[%add3A_82, %dma_wait3A_146] : memref<20x128xi32, #tpu.memory_space<vmem>> -> memref<1x128xi32, #tpu.memory_space<vmem>>
        %dma_wait3A_148 = tpu.memref_squeeze %dma_wait3A_147 : memref<1x128xi32, #tpu.memory_space<vmem>> -> memref<128xi32, #tpu.memory_space<vmem>>
        %dma_wait3A_149 = arith.constant 0 : i32
        %dma_wait3A_150 = arith.constant 0 : i32
        %dma_wait3A_151 = tpu.memref_slice %arg11[%dma_wait3A_149, %dma_wait3A_150] : memref<51200x32xf32, #tpu.memory_space<vmem_shared>> -> memref<51200x32xf32, #tpu.memory_space<vmem_shared>>
        tpu.wait_indirect_dma semaphore(%arg13 : memref<!tpu.dma_semaphore, #tpu.memory_space<semaphore_mem>>) src(%dma_wait3A_145 : memref<128x32xf32, #tpu.memory_space<vmem>>) dst(%dma_wait3A_151 : memref<51200x32xf32, #tpu.memory_space<vmem_shared>>)
        %dma_wait3A_152 = arith.constant 4 : i32
        %dma_wait3A_153 = arith.constant 0 : i32
        %dma_wait3A_154 = arith.constant 0 : i32
        %dma_wait3A_155 = tpu.memref_slice %arg10[%dma_wait3A_152, %dma_wait3A_153, %dma_wait3A_154] : memref<5x128x32xf32, #tpu.memory_space<vmem>> -> memref<1x128x32xf32, #tpu.memory_space<vmem>>
        %dma_wait3A_156 = tpu.memref_squeeze %dma_wait3A_155 : memref<1x128x32xf32, #tpu.memory_space<vmem>> -> memref<128x32xf32, #tpu.memory_space<vmem>>
        %dma_wait3A_157 = arith.constant 0 : i32
        %dma_wait3A_158 = tpu.memref_slice %arg9[%add3A_97, %dma_wait3A_157] : memref<20x128xi32, #tpu.memory_space<vmem>> -> memref<1x128xi32, #tpu.memory_space<vmem>>
        %dma_wait3A_159 = tpu.memref_squeeze %dma_wait3A_158 : memref<1x128xi32, #tpu.memory_space<vmem>> -> memref<128xi32, #tpu.memory_space<vmem>>
        %dma_wait3A_160 = arith.constant 0 : i32
        %dma_wait3A_161 = arith.constant 0 : i32
        %dma_wait3A_162 = tpu.memref_slice %arg11[%dma_wait3A_160, %dma_wait3A_161] : memref<51200x32xf32, #tpu.memory_space<vmem_shared>> -> memref<51200x32xf32, #tpu.memory_space<vmem_shared>>
        tpu.wait_indirect_dma semaphore(%arg13 : memref<!tpu.dma_semaphore, #tpu.memory_space<semaphore_mem>>) src(%dma_wait3A_156 : memref<128x32xf32, #tpu.memory_space<vmem>>) dst(%dma_wait3A_162 : memref<51200x32xf32, #tpu.memory_space<vmem_shared>>)
      }
      %scan3A_22 = arith.constant 4 : i32
    }
    %scan3A_6 = arith.constant 20 : i32
    %barrier3A_7 = arith.constant 0 : index
    tpu.barrier barrier_id(%barrier3A_7)
    "tpu.region"() ({
      %run_scoped3A = tpu.sem_alloc : memref<!tpu.dma_semaphore, #tpu.memory_space<semaphore_mem>>
      %dma_start3A = arith.constant 0 : i32
      %dma_start3A_8 = tpu.memref_slice %arg7[%arg0, %mul3A_0, %dma_start3A] : memref<2x51200x32xf32, #tpu.memory_space<hbm>> -> memref<1x3200x32xf32, #tpu.memory_space<hbm>>
      %dma_start3A_9 = tpu.memref_squeeze %dma_start3A_8 : memref<1x3200x32xf32, #tpu.memory_space<hbm>> -> memref<3200x32xf32, #tpu.memory_space<hbm>>
      %dma_start3A_10 = arith.constant 0 : i32
      %dma_start3A_11 = tpu.memref_slice %arg11[%mul3A_0, %dma_start3A_10] : memref<51200x32xf32, #tpu.memory_space<vmem_shared>> -> memref<3200x32xf32, #tpu.memory_space<vmem_shared>>
      tpu.enqueue_dma source(%dma_start3A_11 : memref<3200x32xf32, #tpu.memory_space<vmem_shared>>) target(%dma_start3A_9 : memref<3200x32xf32, #tpu.memory_space<hbm>>) target_semaphore(%run_scoped3A : memref<!tpu.dma_semaphore, #tpu.memory_space<semaphore_mem>>)
      %dma_wait3A = arith.constant 0 : i32
      %dma_wait3A_12 = tpu.memref_slice %arg7[%arg0, %mul3A_0, %dma_wait3A] : memref<2x51200x32xf32, #tpu.memory_space<hbm>> -> memref<1x3200x32xf32, #tpu.memory_space<hbm>>
      %dma_wait3A_13 = tpu.memref_squeeze %dma_wait3A_12 : memref<1x3200x32xf32, #tpu.memory_space<hbm>> -> memref<3200x32xf32, #tpu.memory_space<hbm>>
      %dma_wait3A_14 = arith.constant 0 : i32
      %dma_wait3A_15 = tpu.memref_slice %arg11[%mul3A_0, %dma_wait3A_14] : memref<51200x32xf32, #tpu.memory_space<vmem_shared>> -> memref<3200x32xf32, #tpu.memory_space<vmem_shared>>
      tpu.wait_dma2 semaphore(%run_scoped3A : memref<!tpu.dma_semaphore, #tpu.memory_space<semaphore_mem>>) src(%dma_wait3A_15 : memref<3200x32xf32, #tpu.memory_space<vmem_shared>>) dst(%dma_wait3A_13 : memref<3200x32xf32, #tpu.memory_space<hbm>>)
      tpu.yield
    }) : () -> ()
    return
  }
}

#map = affine_map<(d0, d1) -> (0, 0)>
#map1 = affine_map<(d0, d1) -> (0, 0, 0)>
module attributes {stable_mosaic.version = 14 : i64} {
  func.func @k(%arg0: i32, %arg1: i32, %arg2: memref<6400x128xi32, #tpu.memory_space<hbm>>, %arg3: memref<6400x128xi32, #tpu.memory_space<hbm>>, %arg4: memref<50000x16xf32, #tpu.memory_space<hbm>>, %arg5: memref<3200x16xf32, #tpu.memory_space<hbm>>, %arg6: memref<2x51200x16xf32, #tpu.memory_space<hbm>>, %arg7: memref<40x128xi32, #tpu.memory_space<vmem>>, %arg8: memref<40x128xi32, #tpu.memory_space<vmem>>, %arg9: memref<8x128x16xf32, #tpu.memory_space<vmem>>, %arg10: memref<51200x16xf32, #tpu.memory_space<vmem_shared>>, %arg11: memref<!tpu.dma_semaphore, #tpu.memory_space<semaphore_mem>>, %arg12: memref<!tpu.dma_semaphore, #tpu.memory_space<semaphore_mem>>) attributes {dimension_semantics = [#tpu.dimension_semantics<core_parallel>, #tpu.dimension_semantics<subcore_parallel>], iteration_bounds = array<i64: 2, 16>, scalar_prefetch = 0 : i64, scratch_operands = 6 : i64, tpu.core_type = #tpu.core_type<sc_vector_subcore>, window_params = [{transform_indices = #map}, {transform_indices = #map}, {transform_indices = #map}, {transform_indices = #map}, {transform_indices = #map1}]} {
    %mul3A = arith.constant 3200 : i32
    %mul3A_0 = arith.muli %arg1, %mul3A : i32
    "tpu.region"() ({
      %run_scoped3A = tpu.sem_alloc : memref<!tpu.dma_semaphore, #tpu.memory_space<semaphore_mem>>
      %dma_start3A = arith.constant 0 : i32
      %dma_start3A_10 = tpu.memref_slice %arg10[%mul3A_0, %dma_start3A] : memref<51200x16xf32, #tpu.memory_space<vmem_shared>> -> memref<3200x16xf32, #tpu.memory_space<vmem_shared>>
      tpu.enqueue_dma source(%arg5 : memref<3200x16xf32, #tpu.memory_space<hbm>>) target(%dma_start3A_10 : memref<3200x16xf32, #tpu.memory_space<vmem_shared>>) target_semaphore(%run_scoped3A : memref<!tpu.dma_semaphore, #tpu.memory_space<semaphore_mem>>)
      %dma_wait3A = arith.constant 0 : i32
      %dma_wait3A_11 = tpu.memref_slice %arg10[%mul3A_0, %dma_wait3A] : memref<51200x16xf32, #tpu.memory_space<vmem_shared>> -> memref<3200x16xf32, #tpu.memory_space<vmem_shared>>
      tpu.wait_dma2 semaphore(%run_scoped3A : memref<!tpu.dma_semaphore, #tpu.memory_space<semaphore_mem>>) src(%arg5 : memref<3200x16xf32, #tpu.memory_space<hbm>>) dst(%dma_wait3A_11 : memref<3200x16xf32, #tpu.memory_space<vmem_shared>>)
      tpu.yield
    }) : () -> ()
    %barrier3A = arith.constant 0 : index
    tpu.barrier barrier_id(%barrier3A)
    %mul3A_1 = arith.constant 2 : i32
    %mul3A_2 = arith.muli %arg1, %mul3A_1 : i32
    %add3A = arith.addi %mul3A_2, %arg0 : i32
    %mul3A_3 = arith.constant 200 : i32
    %mul3A_4 = arith.muli %add3A, %mul3A_3 : i32
    %scan3A = arith.constant 0 : i32
    %scan3A_5 = arith.constant 5 : i32
    %scan3A_6 = arith.addi %scan3A, %scan3A_5 : i32
    %scan3A_7 = arith.constant 1 : i32
    scf.for %scan3A_10 = %scan3A to %scan3A_6 step %scan3A_7  : i32 {
      %mul3A_11 = arith.constant 1 : i32
      %mul3A_12 = arith.muli %scan3A_10, %mul3A_11 : i32
      %add3A_13 = arith.constant 0 : i32
      %add3A_14 = arith.addi %add3A_13, %mul3A_12 : i32
      %mul3A_15 = arith.constant 40 : i32
      %mul3A_16 = arith.muli %add3A_14, %mul3A_15 : i32
      %add3A_17 = arith.addi %mul3A_4, %mul3A_16 : i32
      "tpu.region"() ({
        %run_scoped3A = tpu.sem_alloc : memref<!tpu.dma_semaphore, #tpu.memory_space<semaphore_mem>>
        %dma_start3A = arith.constant 0 : i32
        %dma_start3A_26 = tpu.memref_slice %arg2[%add3A_17, %dma_start3A] : memref<6400x128xi32, #tpu.memory_space<hbm>> -> memref<40x128xi32, #tpu.memory_space<hbm>>
        %dma_start3A_27 = arith.constant 0 : i32
        %dma_start3A_28 = tpu.memref_slice %arg2[%add3A_17, %dma_start3A_27] : memref<6400x128xi32, #tpu.memory_space<hbm>> -> memref<40x128xi32, #tpu.memory_space<hbm>>
        tpu.enqueue_dma source(%dma_start3A_28 : memref<40x128xi32, #tpu.memory_space<hbm>>) target(%arg7 : memref<40x128xi32, #tpu.memory_space<vmem>>) target_semaphore(%run_scoped3A : memref<!tpu.dma_semaphore, #tpu.memory_space<semaphore_mem>>)
        %dma_wait3A = arith.constant 0 : i32
        %dma_wait3A_29 = tpu.memref_slice %arg2[%add3A_17, %dma_wait3A] : memref<6400x128xi32, #tpu.memory_space<hbm>> -> memref<40x128xi32, #tpu.memory_space<hbm>>
        %dma_wait3A_30 = arith.constant 0 : i32
        %dma_wait3A_31 = tpu.memref_slice %arg2[%add3A_17, %dma_wait3A_30] : memref<6400x128xi32, #tpu.memory_space<hbm>> -> memref<40x128xi32, #tpu.memory_space<hbm>>
        tpu.wait_dma2 semaphore(%run_scoped3A : memref<!tpu.dma_semaphore, #tpu.memory_space<semaphore_mem>>) src(%dma_wait3A_31 : memref<40x128xi32, #tpu.memory_space<hbm>>) dst(%arg7 : memref<40x128xi32, #tpu.memory_space<vmem>>)
        tpu.yield
      }) : () -> ()
      %mul3A_18 = arith.constant 40 : i32
      %mul3A_19 = arith.muli %add3A_14, %mul3A_18 : i32
      %add3A_20 = arith.addi %mul3A_4, %mul3A_19 : i32
      "tpu.region"() ({
        %run_scoped3A = tpu.sem_alloc : memref<!tpu.dma_semaphore, #tpu.memory_space<semaphore_mem>>
        %dma_start3A = arith.constant 0 : i32
        %dma_start3A_26 = tpu.memref_slice %arg3[%add3A_20, %dma_start3A] : memref<6400x128xi32, #tpu.memory_space<hbm>> -> memref<40x128xi32, #tpu.memory_space<hbm>>
        %dma_start3A_27 = arith.constant 0 : i32
        %dma_start3A_28 = tpu.memref_slice %arg3[%add3A_20, %dma_start3A_27] : memref<6400x128xi32, #tpu.memory_space<hbm>> -> memref<40x128xi32, #tpu.memory_space<hbm>>
        tpu.enqueue_dma source(%dma_start3A_28 : memref<40x128xi32, #tpu.memory_space<hbm>>) target(%arg8 : memref<40x128xi32, #tpu.memory_space<vmem>>) target_semaphore(%run_scoped3A : memref<!tpu.dma_semaphore, #tpu.memory_space<semaphore_mem>>)
        %dma_wait3A = arith.constant 0 : i32
        %dma_wait3A_29 = tpu.memref_slice %arg3[%add3A_20, %dma_wait3A] : memref<6400x128xi32, #tpu.memory_space<hbm>> -> memref<40x128xi32, #tpu.memory_space<hbm>>
        %dma_wait3A_30 = arith.constant 0 : i32
        %dma_wait3A_31 = tpu.memref_slice %arg3[%add3A_20, %dma_wait3A_30] : memref<6400x128xi32, #tpu.memory_space<hbm>> -> memref<40x128xi32, #tpu.memory_space<hbm>>
        tpu.wait_dma2 semaphore(%run_scoped3A : memref<!tpu.dma_semaphore, #tpu.memory_space<semaphore_mem>>) src(%dma_wait3A_31 : memref<40x128xi32, #tpu.memory_space<hbm>>) dst(%arg8 : memref<40x128xi32, #tpu.memory_space<vmem>>)
        tpu.yield
      }) : () -> ()
      %scan3A_21 = arith.constant 0 : i32
      %scan3A_22 = arith.constant 5 : i32
      %scan3A_23 = arith.addi %scan3A_21, %scan3A_22 : i32
      %scan3A_24 = arith.constant 1 : i32
      scf.for %scan3A_26 = %scan3A_21 to %scan3A_23 step %scan3A_24  : i32 {
        %mul3A_27 = arith.constant 1 : i32
        %mul3A_28 = arith.muli %scan3A_26, %mul3A_27 : i32
        %add3A_29 = arith.constant 0 : i32
        %add3A_30 = arith.addi %add3A_29, %mul3A_28 : i32
        %mul3A_31 = arith.constant 8 : i32
        %mul3A_32 = arith.muli %add3A_30, %mul3A_31 : i32
        %add3A_33 = arith.constant 0 : i32
        %add3A_34 = arith.addi %mul3A_32, %add3A_33 : i32
        %dma_start3A = arith.constant 0 : i32
        %dma_start3A_35 = arith.constant 0 : i32
        %dma_start3A_36 = arith.constant 0 : i32
        %dma_start3A_37 = tpu.memref_slice %arg9[%dma_start3A, %dma_start3A_35, %dma_start3A_36] : memref<8x128x16xf32, #tpu.memory_space<vmem>> -> memref<1x128x16xf32, #tpu.memory_space<vmem>>
        %dma_start3A_38 = tpu.memref_squeeze %dma_start3A_37 : memref<1x128x16xf32, #tpu.memory_space<vmem>> -> memref<128x16xf32, #tpu.memory_space<vmem>>
        %dma_start3A_39 = arith.constant 0 : i32
        %dma_start3A_40 = tpu.memref_slice %arg7[%add3A_34, %dma_start3A_39] : memref<40x128xi32, #tpu.memory_space<vmem>> -> memref<1x128xi32, #tpu.memory_space<vmem>>
        %dma_start3A_41 = tpu.memref_squeeze %dma_start3A_40 : memref<1x128xi32, #tpu.memory_space<vmem>> -> memref<128xi32, #tpu.memory_space<vmem>>
        %dma_start3A_42 = arith.constant 0 : i32
        %dma_start3A_43 = arith.constant 0 : i32
        %dma_start3A_44 = tpu.memref_slice %arg4[%dma_start3A_42, %dma_start3A_43] : memref<50000x16xf32, #tpu.memory_space<hbm>> -> memref<50000x16xf32, #tpu.memory_space<hbm>>
        tpu.enqueue_indirect_dma source(%dma_start3A_44 : memref<50000x16xf32, #tpu.memory_space<hbm>>) target(%dma_start3A_38 : memref<128x16xf32, #tpu.memory_space<vmem>>) offsets(%dma_start3A_41 : memref<128xi32, #tpu.memory_space<vmem>>) semaphore(%arg11 : memref<!tpu.dma_semaphore, #tpu.memory_space<semaphore_mem>>)
        %mul3A_45 = arith.constant 8 : i32
        %mul3A_46 = arith.muli %add3A_30, %mul3A_45 : i32
        %add3A_47 = arith.constant 1 : i32
        %add3A_48 = arith.addi %mul3A_46, %add3A_47 : i32
        %dma_start3A_49 = arith.constant 1 : i32
        %dma_start3A_50 = arith.constant 0 : i32
        %dma_start3A_51 = arith.constant 0 : i32
        %dma_start3A_52 = tpu.memref_slice %arg9[%dma_start3A_49, %dma_start3A_50, %dma_start3A_51] : memref<8x128x16xf32, #tpu.memory_space<vmem>> -> memref<1x128x16xf32, #tpu.memory_space<vmem>>
        %dma_start3A_53 = tpu.memref_squeeze %dma_start3A_52 : memref<1x128x16xf32, #tpu.memory_space<vmem>> -> memref<128x16xf32, #tpu.memory_space<vmem>>
        %dma_start3A_54 = arith.constant 0 : i32
        %dma_start3A_55 = tpu.memref_slice %arg7[%add3A_48, %dma_start3A_54] : memref<40x128xi32, #tpu.memory_space<vmem>> -> memref<1x128xi32, #tpu.memory_space<vmem>>
        %dma_start3A_56 = tpu.memref_squeeze %dma_start3A_55 : memref<1x128xi32, #tpu.memory_space<vmem>> -> memref<128xi32, #tpu.memory_space<vmem>>
        %dma_start3A_57 = arith.constant 0 : i32
        %dma_start3A_58 = arith.constant 0 : i32
        %dma_start3A_59 = tpu.memref_slice %arg4[%dma_start3A_57, %dma_start3A_58] : memref<50000x16xf32, #tpu.memory_space<hbm>> -> memref<50000x16xf32, #tpu.memory_space<hbm>>
        tpu.enqueue_indirect_dma source(%dma_start3A_59 : memref<50000x16xf32, #tpu.memory_space<hbm>>) target(%dma_start3A_53 : memref<128x16xf32, #tpu.memory_space<vmem>>) offsets(%dma_start3A_56 : memref<128xi32, #tpu.memory_space<vmem>>) semaphore(%arg11 : memref<!tpu.dma_semaphore, #tpu.memory_space<semaphore_mem>>)
        %mul3A_60 = arith.constant 8 : i32
        %mul3A_61 = arith.muli %add3A_30, %mul3A_60 : i32
        %add3A_62 = arith.constant 2 : i32
        %add3A_63 = arith.addi %mul3A_61, %add3A_62 : i32
        %dma_start3A_64 = arith.constant 2 : i32
        %dma_start3A_65 = arith.constant 0 : i32
        %dma_start3A_66 = arith.constant 0 : i32
        %dma_start3A_67 = tpu.memref_slice %arg9[%dma_start3A_64, %dma_start3A_65, %dma_start3A_66] : memref<8x128x16xf32, #tpu.memory_space<vmem>> -> memref<1x128x16xf32, #tpu.memory_space<vmem>>
        %dma_start3A_68 = tpu.memref_squeeze %dma_start3A_67 : memref<1x128x16xf32, #tpu.memory_space<vmem>> -> memref<128x16xf32, #tpu.memory_space<vmem>>
        %dma_start3A_69 = arith.constant 0 : i32
        %dma_start3A_70 = tpu.memref_slice %arg7[%add3A_63, %dma_start3A_69] : memref<40x128xi32, #tpu.memory_space<vmem>> -> memref<1x128xi32, #tpu.memory_space<vmem>>
        %dma_start3A_71 = tpu.memref_squeeze %dma_start3A_70 : memref<1x128xi32, #tpu.memory_space<vmem>> -> memref<128xi32, #tpu.memory_space<vmem>>
        %dma_start3A_72 = arith.constant 0 : i32
        %dma_start3A_73 = arith.constant 0 : i32
        %dma_start3A_74 = tpu.memref_slice %arg4[%dma_start3A_72, %dma_start3A_73] : memref<50000x16xf32, #tpu.memory_space<hbm>> -> memref<50000x16xf32, #tpu.memory_space<hbm>>
        tpu.enqueue_indirect_dma source(%dma_start3A_74 : memref<50000x16xf32, #tpu.memory_space<hbm>>) target(%dma_start3A_68 : memref<128x16xf32, #tpu.memory_space<vmem>>) offsets(%dma_start3A_71 : memref<128xi32, #tpu.memory_space<vmem>>) semaphore(%arg11 : memref<!tpu.dma_semaphore, #tpu.memory_space<semaphore_mem>>)
        %mul3A_75 = arith.constant 8 : i32
        %mul3A_76 = arith.muli %add3A_30, %mul3A_75 : i32
        %add3A_77 = arith.constant 3 : i32
        %add3A_78 = arith.addi %mul3A_76, %add3A_77 : i32
        %dma_start3A_79 = arith.constant 3 : i32
        %dma_start3A_80 = arith.constant 0 : i32
        %dma_start3A_81 = arith.constant 0 : i32
        %dma_start3A_82 = tpu.memref_slice %arg9[%dma_start3A_79, %dma_start3A_80, %dma_start3A_81] : memref<8x128x16xf32, #tpu.memory_space<vmem>> -> memref<1x128x16xf32, #tpu.memory_space<vmem>>
        %dma_start3A_83 = tpu.memref_squeeze %dma_start3A_82 : memref<1x128x16xf32, #tpu.memory_space<vmem>> -> memref<128x16xf32, #tpu.memory_space<vmem>>
        %dma_start3A_84 = arith.constant 0 : i32
        %dma_start3A_85 = tpu.memref_slice %arg7[%add3A_78, %dma_start3A_84] : memref<40x128xi32, #tpu.memory_space<vmem>> -> memref<1x128xi32, #tpu.memory_space<vmem>>
        %dma_start3A_86 = tpu.memref_squeeze %dma_start3A_85 : memref<1x128xi32, #tpu.memory_space<vmem>> -> memref<128xi32, #tpu.memory_space<vmem>>
        %dma_start3A_87 = arith.constant 0 : i32
        %dma_start3A_88 = arith.constant 0 : i32
        %dma_start3A_89 = tpu.memref_slice %arg4[%dma_start3A_87, %dma_start3A_88] : memref<50000x16xf32, #tpu.memory_space<hbm>> -> memref<50000x16xf32, #tpu.memory_space<hbm>>
        tpu.enqueue_indirect_dma source(%dma_start3A_89 : memref<50000x16xf32, #tpu.memory_space<hbm>>) target(%dma_start3A_83 : memref<128x16xf32, #tpu.memory_space<vmem>>) offsets(%dma_start3A_86 : memref<128xi32, #tpu.memory_space<vmem>>) semaphore(%arg11 : memref<!tpu.dma_semaphore, #tpu.memory_space<semaphore_mem>>)
        %mul3A_90 = arith.constant 8 : i32
        %mul3A_91 = arith.muli %add3A_30, %mul3A_90 : i32
        %add3A_92 = arith.constant 4 : i32
        %add3A_93 = arith.addi %mul3A_91, %add3A_92 : i32
        %dma_start3A_94 = arith.constant 4 : i32
        %dma_start3A_95 = arith.constant 0 : i32
        %dma_start3A_96 = arith.constant 0 : i32
        %dma_start3A_97 = tpu.memref_slice %arg9[%dma_start3A_94, %dma_start3A_95, %dma_start3A_96] : memref<8x128x16xf32, #tpu.memory_space<vmem>> -> memref<1x128x16xf32, #tpu.memory_space<vmem>>
        %dma_start3A_98 = tpu.memref_squeeze %dma_start3A_97 : memref<1x128x16xf32, #tpu.memory_space<vmem>> -> memref<128x16xf32, #tpu.memory_space<vmem>>
        %dma_start3A_99 = arith.constant 0 : i32
        %dma_start3A_100 = tpu.memref_slice %arg7[%add3A_93, %dma_start3A_99] : memref<40x128xi32, #tpu.memory_space<vmem>> -> memref<1x128xi32, #tpu.memory_space<vmem>>
        %dma_start3A_101 = tpu.memref_squeeze %dma_start3A_100 : memref<1x128xi32, #tpu.memory_space<vmem>> -> memref<128xi32, #tpu.memory_space<vmem>>
        %dma_start3A_102 = arith.constant 0 : i32
        %dma_start3A_103 = arith.constant 0 : i32
        %dma_start3A_104 = tpu.memref_slice %arg4[%dma_start3A_102, %dma_start3A_103] : memref<50000x16xf32, #tpu.memory_space<hbm>> -> memref<50000x16xf32, #tpu.memory_space<hbm>>
        tpu.enqueue_indirect_dma source(%dma_start3A_104 : memref<50000x16xf32, #tpu.memory_space<hbm>>) target(%dma_start3A_98 : memref<128x16xf32, #tpu.memory_space<vmem>>) offsets(%dma_start3A_101 : memref<128xi32, #tpu.memory_space<vmem>>) semaphore(%arg11 : memref<!tpu.dma_semaphore, #tpu.memory_space<semaphore_mem>>)
        %mul3A_105 = arith.constant 8 : i32
        %mul3A_106 = arith.muli %add3A_30, %mul3A_105 : i32
        %add3A_107 = arith.constant 5 : i32
        %add3A_108 = arith.addi %mul3A_106, %add3A_107 : i32
        %dma_start3A_109 = arith.constant 5 : i32
        %dma_start3A_110 = arith.constant 0 : i32
        %dma_start3A_111 = arith.constant 0 : i32
        %dma_start3A_112 = tpu.memref_slice %arg9[%dma_start3A_109, %dma_start3A_110, %dma_start3A_111] : memref<8x128x16xf32, #tpu.memory_space<vmem>> -> memref<1x128x16xf32, #tpu.memory_space<vmem>>
        %dma_start3A_113 = tpu.memref_squeeze %dma_start3A_112 : memref<1x128x16xf32, #tpu.memory_space<vmem>> -> memref<128x16xf32, #tpu.memory_space<vmem>>
        %dma_start3A_114 = arith.constant 0 : i32
        %dma_start3A_115 = tpu.memref_slice %arg7[%add3A_108, %dma_start3A_114] : memref<40x128xi32, #tpu.memory_space<vmem>> -> memref<1x128xi32, #tpu.memory_space<vmem>>
        %dma_start3A_116 = tpu.memref_squeeze %dma_start3A_115 : memref<1x128xi32, #tpu.memory_space<vmem>> -> memref<128xi32, #tpu.memory_space<vmem>>
        %dma_start3A_117 = arith.constant 0 : i32
        %dma_start3A_118 = arith.constant 0 : i32
        %dma_start3A_119 = tpu.memref_slice %arg4[%dma_start3A_117, %dma_start3A_118] : memref<50000x16xf32, #tpu.memory_space<hbm>> -> memref<50000x16xf32, #tpu.memory_space<hbm>>
        tpu.enqueue_indirect_dma source(%dma_start3A_119 : memref<50000x16xf32, #tpu.memory_space<hbm>>) target(%dma_start3A_113 : memref<128x16xf32, #tpu.memory_space<vmem>>) offsets(%dma_start3A_116 : memref<128xi32, #tpu.memory_space<vmem>>) semaphore(%arg11 : memref<!tpu.dma_semaphore, #tpu.memory_space<semaphore_mem>>)
        %mul3A_120 = arith.constant 8 : i32
        %mul3A_121 = arith.muli %add3A_30, %mul3A_120 : i32
        %add3A_122 = arith.constant 6 : i32
        %add3A_123 = arith.addi %mul3A_121, %add3A_122 : i32
        %dma_start3A_124 = arith.constant 6 : i32
        %dma_start3A_125 = arith.constant 0 : i32
        %dma_start3A_126 = arith.constant 0 : i32
        %dma_start3A_127 = tpu.memref_slice %arg9[%dma_start3A_124, %dma_start3A_125, %dma_start3A_126] : memref<8x128x16xf32, #tpu.memory_space<vmem>> -> memref<1x128x16xf32, #tpu.memory_space<vmem>>
        %dma_start3A_128 = tpu.memref_squeeze %dma_start3A_127 : memref<1x128x16xf32, #tpu.memory_space<vmem>> -> memref<128x16xf32, #tpu.memory_space<vmem>>
        %dma_start3A_129 = arith.constant 0 : i32
        %dma_start3A_130 = tpu.memref_slice %arg7[%add3A_123, %dma_start3A_129] : memref<40x128xi32, #tpu.memory_space<vmem>> -> memref<1x128xi32, #tpu.memory_space<vmem>>
        %dma_start3A_131 = tpu.memref_squeeze %dma_start3A_130 : memref<1x128xi32, #tpu.memory_space<vmem>> -> memref<128xi32, #tpu.memory_space<vmem>>
        %dma_start3A_132 = arith.constant 0 : i32
        %dma_start3A_133 = arith.constant 0 : i32
        %dma_start3A_134 = tpu.memref_slice %arg4[%dma_start3A_132, %dma_start3A_133] : memref<50000x16xf32, #tpu.memory_space<hbm>> -> memref<50000x16xf32, #tpu.memory_space<hbm>>
        tpu.enqueue_indirect_dma source(%dma_start3A_134 : memref<50000x16xf32, #tpu.memory_space<hbm>>) target(%dma_start3A_128 : memref<128x16xf32, #tpu.memory_space<vmem>>) offsets(%dma_start3A_131 : memref<128xi32, #tpu.memory_space<vmem>>) semaphore(%arg11 : memref<!tpu.dma_semaphore, #tpu.memory_space<semaphore_mem>>)
        %mul3A_135 = arith.constant 8 : i32
        %mul3A_136 = arith.muli %add3A_30, %mul3A_135 : i32
        %add3A_137 = arith.constant 7 : i32
        %add3A_138 = arith.addi %mul3A_136, %add3A_137 : i32
        %dma_start3A_139 = arith.constant 7 : i32
        %dma_start3A_140 = arith.constant 0 : i32
        %dma_start3A_141 = arith.constant 0 : i32
        %dma_start3A_142 = tpu.memref_slice %arg9[%dma_start3A_139, %dma_start3A_140, %dma_start3A_141] : memref<8x128x16xf32, #tpu.memory_space<vmem>> -> memref<1x128x16xf32, #tpu.memory_space<vmem>>
        %dma_start3A_143 = tpu.memref_squeeze %dma_start3A_142 : memref<1x128x16xf32, #tpu.memory_space<vmem>> -> memref<128x16xf32, #tpu.memory_space<vmem>>
        %dma_start3A_144 = arith.constant 0 : i32
        %dma_start3A_145 = tpu.memref_slice %arg7[%add3A_138, %dma_start3A_144] : memref<40x128xi32, #tpu.memory_space<vmem>> -> memref<1x128xi32, #tpu.memory_space<vmem>>
        %dma_start3A_146 = tpu.memref_squeeze %dma_start3A_145 : memref<1x128xi32, #tpu.memory_space<vmem>> -> memref<128xi32, #tpu.memory_space<vmem>>
        %dma_start3A_147 = arith.constant 0 : i32
        %dma_start3A_148 = arith.constant 0 : i32
        %dma_start3A_149 = tpu.memref_slice %arg4[%dma_start3A_147, %dma_start3A_148] : memref<50000x16xf32, #tpu.memory_space<hbm>> -> memref<50000x16xf32, #tpu.memory_space<hbm>>
        tpu.enqueue_indirect_dma source(%dma_start3A_149 : memref<50000x16xf32, #tpu.memory_space<hbm>>) target(%dma_start3A_143 : memref<128x16xf32, #tpu.memory_space<vmem>>) offsets(%dma_start3A_146 : memref<128xi32, #tpu.memory_space<vmem>>) semaphore(%arg11 : memref<!tpu.dma_semaphore, #tpu.memory_space<semaphore_mem>>)
        %dma_wait3A = arith.constant 0 : i32
        %dma_wait3A_150 = arith.constant 0 : i32
        %dma_wait3A_151 = arith.constant 0 : i32
        %dma_wait3A_152 = tpu.memref_slice %arg9[%dma_wait3A, %dma_wait3A_150, %dma_wait3A_151] : memref<8x128x16xf32, #tpu.memory_space<vmem>> -> memref<1x128x16xf32, #tpu.memory_space<vmem>>
        %dma_wait3A_153 = tpu.memref_squeeze %dma_wait3A_152 : memref<1x128x16xf32, #tpu.memory_space<vmem>> -> memref<128x16xf32, #tpu.memory_space<vmem>>
        %dma_wait3A_154 = arith.constant 0 : i32
        %dma_wait3A_155 = tpu.memref_slice %arg7[%add3A_34, %dma_wait3A_154] : memref<40x128xi32, #tpu.memory_space<vmem>> -> memref<1x128xi32, #tpu.memory_space<vmem>>
        %dma_wait3A_156 = tpu.memref_squeeze %dma_wait3A_155 : memref<1x128xi32, #tpu.memory_space<vmem>> -> memref<128xi32, #tpu.memory_space<vmem>>
        %dma_wait3A_157 = arith.constant 0 : i32
        %dma_wait3A_158 = arith.constant 0 : i32
        %dma_wait3A_159 = tpu.memref_slice %arg4[%dma_wait3A_157, %dma_wait3A_158] : memref<50000x16xf32, #tpu.memory_space<hbm>> -> memref<50000x16xf32, #tpu.memory_space<hbm>>
        tpu.wait_indirect_dma semaphore(%arg11 : memref<!tpu.dma_semaphore, #tpu.memory_space<semaphore_mem>>) src(%dma_wait3A_159 : memref<50000x16xf32, #tpu.memory_space<hbm>>) dst(%dma_wait3A_153 : memref<128x16xf32, #tpu.memory_space<vmem>>)
        %dma_wait3A_160 = arith.constant 1 : i32
        %dma_wait3A_161 = arith.constant 0 : i32
        %dma_wait3A_162 = arith.constant 0 : i32
        %dma_wait3A_163 = tpu.memref_slice %arg9[%dma_wait3A_160, %dma_wait3A_161, %dma_wait3A_162] : memref<8x128x16xf32, #tpu.memory_space<vmem>> -> memref<1x128x16xf32, #tpu.memory_space<vmem>>
        %dma_wait3A_164 = tpu.memref_squeeze %dma_wait3A_163 : memref<1x128x16xf32, #tpu.memory_space<vmem>> -> memref<128x16xf32, #tpu.memory_space<vmem>>
        %dma_wait3A_165 = arith.constant 0 : i32
        %dma_wait3A_166 = tpu.memref_slice %arg7[%add3A_48, %dma_wait3A_165] : memref<40x128xi32, #tpu.memory_space<vmem>> -> memref<1x128xi32, #tpu.memory_space<vmem>>
        %dma_wait3A_167 = tpu.memref_squeeze %dma_wait3A_166 : memref<1x128xi32, #tpu.memory_space<vmem>> -> memref<128xi32, #tpu.memory_space<vmem>>
        %dma_wait3A_168 = arith.constant 0 : i32
        %dma_wait3A_169 = arith.constant 0 : i32
        %dma_wait3A_170 = tpu.memref_slice %arg4[%dma_wait3A_168, %dma_wait3A_169] : memref<50000x16xf32, #tpu.memory_space<hbm>> -> memref<50000x16xf32, #tpu.memory_space<hbm>>
        tpu.wait_indirect_dma semaphore(%arg11 : memref<!tpu.dma_semaphore, #tpu.memory_space<semaphore_mem>>) src(%dma_wait3A_170 : memref<50000x16xf32, #tpu.memory_space<hbm>>) dst(%dma_wait3A_164 : memref<128x16xf32, #tpu.memory_space<vmem>>)
        %dma_wait3A_171 = arith.constant 2 : i32
        %dma_wait3A_172 = arith.constant 0 : i32
        %dma_wait3A_173 = arith.constant 0 : i32
        %dma_wait3A_174 = tpu.memref_slice %arg9[%dma_wait3A_171, %dma_wait3A_172, %dma_wait3A_173] : memref<8x128x16xf32, #tpu.memory_space<vmem>> -> memref<1x128x16xf32, #tpu.memory_space<vmem>>
        %dma_wait3A_175 = tpu.memref_squeeze %dma_wait3A_174 : memref<1x128x16xf32, #tpu.memory_space<vmem>> -> memref<128x16xf32, #tpu.memory_space<vmem>>
        %dma_wait3A_176 = arith.constant 0 : i32
        %dma_wait3A_177 = tpu.memref_slice %arg7[%add3A_63, %dma_wait3A_176] : memref<40x128xi32, #tpu.memory_space<vmem>> -> memref<1x128xi32, #tpu.memory_space<vmem>>
        %dma_wait3A_178 = tpu.memref_squeeze %dma_wait3A_177 : memref<1x128xi32, #tpu.memory_space<vmem>> -> memref<128xi32, #tpu.memory_space<vmem>>
        %dma_wait3A_179 = arith.constant 0 : i32
        %dma_wait3A_180 = arith.constant 0 : i32
        %dma_wait3A_181 = tpu.memref_slice %arg4[%dma_wait3A_179, %dma_wait3A_180] : memref<50000x16xf32, #tpu.memory_space<hbm>> -> memref<50000x16xf32, #tpu.memory_space<hbm>>
        tpu.wait_indirect_dma semaphore(%arg11 : memref<!tpu.dma_semaphore, #tpu.memory_space<semaphore_mem>>) src(%dma_wait3A_181 : memref<50000x16xf32, #tpu.memory_space<hbm>>) dst(%dma_wait3A_175 : memref<128x16xf32, #tpu.memory_space<vmem>>)
        %dma_wait3A_182 = arith.constant 3 : i32
        %dma_wait3A_183 = arith.constant 0 : i32
        %dma_wait3A_184 = arith.constant 0 : i32
        %dma_wait3A_185 = tpu.memref_slice %arg9[%dma_wait3A_182, %dma_wait3A_183, %dma_wait3A_184] : memref<8x128x16xf32, #tpu.memory_space<vmem>> -> memref<1x128x16xf32, #tpu.memory_space<vmem>>
        %dma_wait3A_186 = tpu.memref_squeeze %dma_wait3A_185 : memref<1x128x16xf32, #tpu.memory_space<vmem>> -> memref<128x16xf32, #tpu.memory_space<vmem>>
        %dma_wait3A_187 = arith.constant 0 : i32
        %dma_wait3A_188 = tpu.memref_slice %arg7[%add3A_78, %dma_wait3A_187] : memref<40x128xi32, #tpu.memory_space<vmem>> -> memref<1x128xi32, #tpu.memory_space<vmem>>
        %dma_wait3A_189 = tpu.memref_squeeze %dma_wait3A_188 : memref<1x128xi32, #tpu.memory_space<vmem>> -> memref<128xi32, #tpu.memory_space<vmem>>
        %dma_wait3A_190 = arith.constant 0 : i32
        %dma_wait3A_191 = arith.constant 0 : i32
        %dma_wait3A_192 = tpu.memref_slice %arg4[%dma_wait3A_190, %dma_wait3A_191] : memref<50000x16xf32, #tpu.memory_space<hbm>> -> memref<50000x16xf32, #tpu.memory_space<hbm>>
        tpu.wait_indirect_dma semaphore(%arg11 : memref<!tpu.dma_semaphore, #tpu.memory_space<semaphore_mem>>) src(%dma_wait3A_192 : memref<50000x16xf32, #tpu.memory_space<hbm>>) dst(%dma_wait3A_186 : memref<128x16xf32, #tpu.memory_space<vmem>>)
        %dma_wait3A_193 = arith.constant 4 : i32
        %dma_wait3A_194 = arith.constant 0 : i32
        %dma_wait3A_195 = arith.constant 0 : i32
        %dma_wait3A_196 = tpu.memref_slice %arg9[%dma_wait3A_193, %dma_wait3A_194, %dma_wait3A_195] : memref<8x128x16xf32, #tpu.memory_space<vmem>> -> memref<1x128x16xf32, #tpu.memory_space<vmem>>
        %dma_wait3A_197 = tpu.memref_squeeze %dma_wait3A_196 : memref<1x128x16xf32, #tpu.memory_space<vmem>> -> memref<128x16xf32, #tpu.memory_space<vmem>>
        %dma_wait3A_198 = arith.constant 0 : i32
        %dma_wait3A_199 = tpu.memref_slice %arg7[%add3A_93, %dma_wait3A_198] : memref<40x128xi32, #tpu.memory_space<vmem>> -> memref<1x128xi32, #tpu.memory_space<vmem>>
        %dma_wait3A_200 = tpu.memref_squeeze %dma_wait3A_199 : memref<1x128xi32, #tpu.memory_space<vmem>> -> memref<128xi32, #tpu.memory_space<vmem>>
        %dma_wait3A_201 = arith.constant 0 : i32
        %dma_wait3A_202 = arith.constant 0 : i32
        %dma_wait3A_203 = tpu.memref_slice %arg4[%dma_wait3A_201, %dma_wait3A_202] : memref<50000x16xf32, #tpu.memory_space<hbm>> -> memref<50000x16xf32, #tpu.memory_space<hbm>>
        tpu.wait_indirect_dma semaphore(%arg11 : memref<!tpu.dma_semaphore, #tpu.memory_space<semaphore_mem>>) src(%dma_wait3A_203 : memref<50000x16xf32, #tpu.memory_space<hbm>>) dst(%dma_wait3A_197 : memref<128x16xf32, #tpu.memory_space<vmem>>)
        %dma_wait3A_204 = arith.constant 5 : i32
        %dma_wait3A_205 = arith.constant 0 : i32
        %dma_wait3A_206 = arith.constant 0 : i32
        %dma_wait3A_207 = tpu.memref_slice %arg9[%dma_wait3A_204, %dma_wait3A_205, %dma_wait3A_206] : memref<8x128x16xf32, #tpu.memory_space<vmem>> -> memref<1x128x16xf32, #tpu.memory_space<vmem>>
        %dma_wait3A_208 = tpu.memref_squeeze %dma_wait3A_207 : memref<1x128x16xf32, #tpu.memory_space<vmem>> -> memref<128x16xf32, #tpu.memory_space<vmem>>
        %dma_wait3A_209 = arith.constant 0 : i32
        %dma_wait3A_210 = tpu.memref_slice %arg7[%add3A_108, %dma_wait3A_209] : memref<40x128xi32, #tpu.memory_space<vmem>> -> memref<1x128xi32, #tpu.memory_space<vmem>>
        %dma_wait3A_211 = tpu.memref_squeeze %dma_wait3A_210 : memref<1x128xi32, #tpu.memory_space<vmem>> -> memref<128xi32, #tpu.memory_space<vmem>>
        %dma_wait3A_212 = arith.constant 0 : i32
        %dma_wait3A_213 = arith.constant 0 : i32
        %dma_wait3A_214 = tpu.memref_slice %arg4[%dma_wait3A_212, %dma_wait3A_213] : memref<50000x16xf32, #tpu.memory_space<hbm>> -> memref<50000x16xf32, #tpu.memory_space<hbm>>
        tpu.wait_indirect_dma semaphore(%arg11 : memref<!tpu.dma_semaphore, #tpu.memory_space<semaphore_mem>>) src(%dma_wait3A_214 : memref<50000x16xf32, #tpu.memory_space<hbm>>) dst(%dma_wait3A_208 : memref<128x16xf32, #tpu.memory_space<vmem>>)
        %dma_wait3A_215 = arith.constant 6 : i32
        %dma_wait3A_216 = arith.constant 0 : i32
        %dma_wait3A_217 = arith.constant 0 : i32
        %dma_wait3A_218 = tpu.memref_slice %arg9[%dma_wait3A_215, %dma_wait3A_216, %dma_wait3A_217] : memref<8x128x16xf32, #tpu.memory_space<vmem>> -> memref<1x128x16xf32, #tpu.memory_space<vmem>>
        %dma_wait3A_219 = tpu.memref_squeeze %dma_wait3A_218 : memref<1x128x16xf32, #tpu.memory_space<vmem>> -> memref<128x16xf32, #tpu.memory_space<vmem>>
        %dma_wait3A_220 = arith.constant 0 : i32
        %dma_wait3A_221 = tpu.memref_slice %arg7[%add3A_123, %dma_wait3A_220] : memref<40x128xi32, #tpu.memory_space<vmem>> -> memref<1x128xi32, #tpu.memory_space<vmem>>
        %dma_wait3A_222 = tpu.memref_squeeze %dma_wait3A_221 : memref<1x128xi32, #tpu.memory_space<vmem>> -> memref<128xi32, #tpu.memory_space<vmem>>
        %dma_wait3A_223 = arith.constant 0 : i32
        %dma_wait3A_224 = arith.constant 0 : i32
        %dma_wait3A_225 = tpu.memref_slice %arg4[%dma_wait3A_223, %dma_wait3A_224] : memref<50000x16xf32, #tpu.memory_space<hbm>> -> memref<50000x16xf32, #tpu.memory_space<hbm>>
        tpu.wait_indirect_dma semaphore(%arg11 : memref<!tpu.dma_semaphore, #tpu.memory_space<semaphore_mem>>) src(%dma_wait3A_225 : memref<50000x16xf32, #tpu.memory_space<hbm>>) dst(%dma_wait3A_219 : memref<128x16xf32, #tpu.memory_space<vmem>>)
        %dma_wait3A_226 = arith.constant 7 : i32
        %dma_wait3A_227 = arith.constant 0 : i32
        %dma_wait3A_228 = arith.constant 0 : i32
        %dma_wait3A_229 = tpu.memref_slice %arg9[%dma_wait3A_226, %dma_wait3A_227, %dma_wait3A_228] : memref<8x128x16xf32, #tpu.memory_space<vmem>> -> memref<1x128x16xf32, #tpu.memory_space<vmem>>
        %dma_wait3A_230 = tpu.memref_squeeze %dma_wait3A_229 : memref<1x128x16xf32, #tpu.memory_space<vmem>> -> memref<128x16xf32, #tpu.memory_space<vmem>>
        %dma_wait3A_231 = arith.constant 0 : i32
        %dma_wait3A_232 = tpu.memref_slice %arg7[%add3A_138, %dma_wait3A_231] : memref<40x128xi32, #tpu.memory_space<vmem>> -> memref<1x128xi32, #tpu.memory_space<vmem>>
        %dma_wait3A_233 = tpu.memref_squeeze %dma_wait3A_232 : memref<1x128xi32, #tpu.memory_space<vmem>> -> memref<128xi32, #tpu.memory_space<vmem>>
        %dma_wait3A_234 = arith.constant 0 : i32
        %dma_wait3A_235 = arith.constant 0 : i32
        %dma_wait3A_236 = tpu.memref_slice %arg4[%dma_wait3A_234, %dma_wait3A_235] : memref<50000x16xf32, #tpu.memory_space<hbm>> -> memref<50000x16xf32, #tpu.memory_space<hbm>>
        tpu.wait_indirect_dma semaphore(%arg11 : memref<!tpu.dma_semaphore, #tpu.memory_space<semaphore_mem>>) src(%dma_wait3A_236 : memref<50000x16xf32, #tpu.memory_space<hbm>>) dst(%dma_wait3A_230 : memref<128x16xf32, #tpu.memory_space<vmem>>)
        %mul3A_237 = arith.constant 8 : i32
        %mul3A_238 = arith.muli %add3A_30, %mul3A_237 : i32
        %add3A_239 = arith.constant 0 : i32
        %add3A_240 = arith.addi %mul3A_238, %add3A_239 : i32
        %dma_start3A_241 = arith.constant 0 : i32
        %dma_start3A_242 = arith.constant 0 : i32
        %dma_start3A_243 = arith.constant 0 : i32
        %dma_start3A_244 = tpu.memref_slice %arg9[%dma_start3A_241, %dma_start3A_242, %dma_start3A_243] : memref<8x128x16xf32, #tpu.memory_space<vmem>> -> memref<1x128x16xf32, #tpu.memory_space<vmem>>
        %dma_start3A_245 = tpu.memref_squeeze %dma_start3A_244 : memref<1x128x16xf32, #tpu.memory_space<vmem>> -> memref<128x16xf32, #tpu.memory_space<vmem>>
        %dma_start3A_246 = arith.constant 0 : i32
        %dma_start3A_247 = tpu.memref_slice %arg8[%add3A_240, %dma_start3A_246] : memref<40x128xi32, #tpu.memory_space<vmem>> -> memref<1x128xi32, #tpu.memory_space<vmem>>
        %dma_start3A_248 = tpu.memref_squeeze %dma_start3A_247 : memref<1x128xi32, #tpu.memory_space<vmem>> -> memref<128xi32, #tpu.memory_space<vmem>>
        %dma_start3A_249 = arith.constant 0 : i32
        %dma_start3A_250 = arith.constant 0 : i32
        %dma_start3A_251 = tpu.memref_slice %arg10[%dma_start3A_249, %dma_start3A_250] : memref<51200x16xf32, #tpu.memory_space<vmem_shared>> -> memref<51200x16xf32, #tpu.memory_space<vmem_shared>>
        tpu.enqueue_indirect_dma source(%dma_start3A_245 : memref<128x16xf32, #tpu.memory_space<vmem>>) target(%dma_start3A_251 : memref<51200x16xf32, #tpu.memory_space<vmem_shared>>) offsets(%dma_start3A_248 : memref<128xi32, #tpu.memory_space<vmem>>) semaphore(%arg12 : memref<!tpu.dma_semaphore, #tpu.memory_space<semaphore_mem>>) {add = true}
        %mul3A_252 = arith.constant 8 : i32
        %mul3A_253 = arith.muli %add3A_30, %mul3A_252 : i32
        %add3A_254 = arith.constant 1 : i32
        %add3A_255 = arith.addi %mul3A_253, %add3A_254 : i32
        %dma_start3A_256 = arith.constant 1 : i32
        %dma_start3A_257 = arith.constant 0 : i32
        %dma_start3A_258 = arith.constant 0 : i32
        %dma_start3A_259 = tpu.memref_slice %arg9[%dma_start3A_256, %dma_start3A_257, %dma_start3A_258] : memref<8x128x16xf32, #tpu.memory_space<vmem>> -> memref<1x128x16xf32, #tpu.memory_space<vmem>>
        %dma_start3A_260 = tpu.memref_squeeze %dma_start3A_259 : memref<1x128x16xf32, #tpu.memory_space<vmem>> -> memref<128x16xf32, #tpu.memory_space<vmem>>
        %dma_start3A_261 = arith.constant 0 : i32
        %dma_start3A_262 = tpu.memref_slice %arg8[%add3A_255, %dma_start3A_261] : memref<40x128xi32, #tpu.memory_space<vmem>> -> memref<1x128xi32, #tpu.memory_space<vmem>>
        %dma_start3A_263 = tpu.memref_squeeze %dma_start3A_262 : memref<1x128xi32, #tpu.memory_space<vmem>> -> memref<128xi32, #tpu.memory_space<vmem>>
        %dma_start3A_264 = arith.constant 0 : i32
        %dma_start3A_265 = arith.constant 0 : i32
        %dma_start3A_266 = tpu.memref_slice %arg10[%dma_start3A_264, %dma_start3A_265] : memref<51200x16xf32, #tpu.memory_space<vmem_shared>> -> memref<51200x16xf32, #tpu.memory_space<vmem_shared>>
        tpu.enqueue_indirect_dma source(%dma_start3A_260 : memref<128x16xf32, #tpu.memory_space<vmem>>) target(%dma_start3A_266 : memref<51200x16xf32, #tpu.memory_space<vmem_shared>>) offsets(%dma_start3A_263 : memref<128xi32, #tpu.memory_space<vmem>>) semaphore(%arg12 : memref<!tpu.dma_semaphore, #tpu.memory_space<semaphore_mem>>) {add = true}
        %mul3A_267 = arith.constant 8 : i32
        %mul3A_268 = arith.muli %add3A_30, %mul3A_267 : i32
        %add3A_269 = arith.constant 2 : i32
        %add3A_270 = arith.addi %mul3A_268, %add3A_269 : i32
        %dma_start3A_271 = arith.constant 2 : i32
        %dma_start3A_272 = arith.constant 0 : i32
        %dma_start3A_273 = arith.constant 0 : i32
        %dma_start3A_274 = tpu.memref_slice %arg9[%dma_start3A_271, %dma_start3A_272, %dma_start3A_273] : memref<8x128x16xf32, #tpu.memory_space<vmem>> -> memref<1x128x16xf32, #tpu.memory_space<vmem>>
        %dma_start3A_275 = tpu.memref_squeeze %dma_start3A_274 : memref<1x128x16xf32, #tpu.memory_space<vmem>> -> memref<128x16xf32, #tpu.memory_space<vmem>>
        %dma_start3A_276 = arith.constant 0 : i32
        %dma_start3A_277 = tpu.memref_slice %arg8[%add3A_270, %dma_start3A_276] : memref<40x128xi32, #tpu.memory_space<vmem>> -> memref<1x128xi32, #tpu.memory_space<vmem>>
        %dma_start3A_278 = tpu.memref_squeeze %dma_start3A_277 : memref<1x128xi32, #tpu.memory_space<vmem>> -> memref<128xi32, #tpu.memory_space<vmem>>
        %dma_start3A_279 = arith.constant 0 : i32
        %dma_start3A_280 = arith.constant 0 : i32
        %dma_start3A_281 = tpu.memref_slice %arg10[%dma_start3A_279, %dma_start3A_280] : memref<51200x16xf32, #tpu.memory_space<vmem_shared>> -> memref<51200x16xf32, #tpu.memory_space<vmem_shared>>
        tpu.enqueue_indirect_dma source(%dma_start3A_275 : memref<128x16xf32, #tpu.memory_space<vmem>>) target(%dma_start3A_281 : memref<51200x16xf32, #tpu.memory_space<vmem_shared>>) offsets(%dma_start3A_278 : memref<128xi32, #tpu.memory_space<vmem>>) semaphore(%arg12 : memref<!tpu.dma_semaphore, #tpu.memory_space<semaphore_mem>>) {add = true}
        %mul3A_282 = arith.constant 8 : i32
        %mul3A_283 = arith.muli %add3A_30, %mul3A_282 : i32
        %add3A_284 = arith.constant 3 : i32
        %add3A_285 = arith.addi %mul3A_283, %add3A_284 : i32
        %dma_start3A_286 = arith.constant 3 : i32
        %dma_start3A_287 = arith.constant 0 : i32
        %dma_start3A_288 = arith.constant 0 : i32
        %dma_start3A_289 = tpu.memref_slice %arg9[%dma_start3A_286, %dma_start3A_287, %dma_start3A_288] : memref<8x128x16xf32, #tpu.memory_space<vmem>> -> memref<1x128x16xf32, #tpu.memory_space<vmem>>
        %dma_start3A_290 = tpu.memref_squeeze %dma_start3A_289 : memref<1x128x16xf32, #tpu.memory_space<vmem>> -> memref<128x16xf32, #tpu.memory_space<vmem>>
        %dma_start3A_291 = arith.constant 0 : i32
        %dma_start3A_292 = tpu.memref_slice %arg8[%add3A_285, %dma_start3A_291] : memref<40x128xi32, #tpu.memory_space<vmem>> -> memref<1x128xi32, #tpu.memory_space<vmem>>
        %dma_start3A_293 = tpu.memref_squeeze %dma_start3A_292 : memref<1x128xi32, #tpu.memory_space<vmem>> -> memref<128xi32, #tpu.memory_space<vmem>>
        %dma_start3A_294 = arith.constant 0 : i32
        %dma_start3A_295 = arith.constant 0 : i32
        %dma_start3A_296 = tpu.memref_slice %arg10[%dma_start3A_294, %dma_start3A_295] : memref<51200x16xf32, #tpu.memory_space<vmem_shared>> -> memref<51200x16xf32, #tpu.memory_space<vmem_shared>>
        tpu.enqueue_indirect_dma source(%dma_start3A_290 : memref<128x16xf32, #tpu.memory_space<vmem>>) target(%dma_start3A_296 : memref<51200x16xf32, #tpu.memory_space<vmem_shared>>) offsets(%dma_start3A_293 : memref<128xi32, #tpu.memory_space<vmem>>) semaphore(%arg12 : memref<!tpu.dma_semaphore, #tpu.memory_space<semaphore_mem>>) {add = true}
        %mul3A_297 = arith.constant 8 : i32
        %mul3A_298 = arith.muli %add3A_30, %mul3A_297 : i32
        %add3A_299 = arith.constant 4 : i32
        %add3A_300 = arith.addi %mul3A_298, %add3A_299 : i32
        %dma_start3A_301 = arith.constant 4 : i32
        %dma_start3A_302 = arith.constant 0 : i32
        %dma_start3A_303 = arith.constant 0 : i32
        %dma_start3A_304 = tpu.memref_slice %arg9[%dma_start3A_301, %dma_start3A_302, %dma_start3A_303] : memref<8x128x16xf32, #tpu.memory_space<vmem>> -> memref<1x128x16xf32, #tpu.memory_space<vmem>>
        %dma_start3A_305 = tpu.memref_squeeze %dma_start3A_304 : memref<1x128x16xf32, #tpu.memory_space<vmem>> -> memref<128x16xf32, #tpu.memory_space<vmem>>
        %dma_start3A_306 = arith.constant 0 : i32
        %dma_start3A_307 = tpu.memref_slice %arg8[%add3A_300, %dma_start3A_306] : memref<40x128xi32, #tpu.memory_space<vmem>> -> memref<1x128xi32, #tpu.memory_space<vmem>>
        %dma_start3A_308 = tpu.memref_squeeze %dma_start3A_307 : memref<1x128xi32, #tpu.memory_space<vmem>> -> memref<128xi32, #tpu.memory_space<vmem>>
        %dma_start3A_309 = arith.constant 0 : i32
        %dma_start3A_310 = arith.constant 0 : i32
        %dma_start3A_311 = tpu.memref_slice %arg10[%dma_start3A_309, %dma_start3A_310] : memref<51200x16xf32, #tpu.memory_space<vmem_shared>> -> memref<51200x16xf32, #tpu.memory_space<vmem_shared>>
        tpu.enqueue_indirect_dma source(%dma_start3A_305 : memref<128x16xf32, #tpu.memory_space<vmem>>) target(%dma_start3A_311 : memref<51200x16xf32, #tpu.memory_space<vmem_shared>>) offsets(%dma_start3A_308 : memref<128xi32, #tpu.memory_space<vmem>>) semaphore(%arg12 : memref<!tpu.dma_semaphore, #tpu.memory_space<semaphore_mem>>) {add = true}
        %mul3A_312 = arith.constant 8 : i32
        %mul3A_313 = arith.muli %add3A_30, %mul3A_312 : i32
        %add3A_314 = arith.constant 5 : i32
        %add3A_315 = arith.addi %mul3A_313, %add3A_314 : i32
        %dma_start3A_316 = arith.constant 5 : i32
        %dma_start3A_317 = arith.constant 0 : i32
        %dma_start3A_318 = arith.constant 0 : i32
        %dma_start3A_319 = tpu.memref_slice %arg9[%dma_start3A_316, %dma_start3A_317, %dma_start3A_318] : memref<8x128x16xf32, #tpu.memory_space<vmem>> -> memref<1x128x16xf32, #tpu.memory_space<vmem>>
        %dma_start3A_320 = tpu.memref_squeeze %dma_start3A_319 : memref<1x128x16xf32, #tpu.memory_space<vmem>> -> memref<128x16xf32, #tpu.memory_space<vmem>>
        %dma_start3A_321 = arith.constant 0 : i32
        %dma_start3A_322 = tpu.memref_slice %arg8[%add3A_315, %dma_start3A_321] : memref<40x128xi32, #tpu.memory_space<vmem>> -> memref<1x128xi32, #tpu.memory_space<vmem>>
        %dma_start3A_323 = tpu.memref_squeeze %dma_start3A_322 : memref<1x128xi32, #tpu.memory_space<vmem>> -> memref<128xi32, #tpu.memory_space<vmem>>
        %dma_start3A_324 = arith.constant 0 : i32
        %dma_start3A_325 = arith.constant 0 : i32
        %dma_start3A_326 = tpu.memref_slice %arg10[%dma_start3A_324, %dma_start3A_325] : memref<51200x16xf32, #tpu.memory_space<vmem_shared>> -> memref<51200x16xf32, #tpu.memory_space<vmem_shared>>
        tpu.enqueue_indirect_dma source(%dma_start3A_320 : memref<128x16xf32, #tpu.memory_space<vmem>>) target(%dma_start3A_326 : memref<51200x16xf32, #tpu.memory_space<vmem_shared>>) offsets(%dma_start3A_323 : memref<128xi32, #tpu.memory_space<vmem>>) semaphore(%arg12 : memref<!tpu.dma_semaphore, #tpu.memory_space<semaphore_mem>>) {add = true}
        %mul3A_327 = arith.constant 8 : i32
        %mul3A_328 = arith.muli %add3A_30, %mul3A_327 : i32
        %add3A_329 = arith.constant 6 : i32
        %add3A_330 = arith.addi %mul3A_328, %add3A_329 : i32
        %dma_start3A_331 = arith.constant 6 : i32
        %dma_start3A_332 = arith.constant 0 : i32
        %dma_start3A_333 = arith.constant 0 : i32
        %dma_start3A_334 = tpu.memref_slice %arg9[%dma_start3A_331, %dma_start3A_332, %dma_start3A_333] : memref<8x128x16xf32, #tpu.memory_space<vmem>> -> memref<1x128x16xf32, #tpu.memory_space<vmem>>
        %dma_start3A_335 = tpu.memref_squeeze %dma_start3A_334 : memref<1x128x16xf32, #tpu.memory_space<vmem>> -> memref<128x16xf32, #tpu.memory_space<vmem>>
        %dma_start3A_336 = arith.constant 0 : i32
        %dma_start3A_337 = tpu.memref_slice %arg8[%add3A_330, %dma_start3A_336] : memref<40x128xi32, #tpu.memory_space<vmem>> -> memref<1x128xi32, #tpu.memory_space<vmem>>
        %dma_start3A_338 = tpu.memref_squeeze %dma_start3A_337 : memref<1x128xi32, #tpu.memory_space<vmem>> -> memref<128xi32, #tpu.memory_space<vmem>>
        %dma_start3A_339 = arith.constant 0 : i32
        %dma_start3A_340 = arith.constant 0 : i32
        %dma_start3A_341 = tpu.memref_slice %arg10[%dma_start3A_339, %dma_start3A_340] : memref<51200x16xf32, #tpu.memory_space<vmem_shared>> -> memref<51200x16xf32, #tpu.memory_space<vmem_shared>>
        tpu.enqueue_indirect_dma source(%dma_start3A_335 : memref<128x16xf32, #tpu.memory_space<vmem>>) target(%dma_start3A_341 : memref<51200x16xf32, #tpu.memory_space<vmem_shared>>) offsets(%dma_start3A_338 : memref<128xi32, #tpu.memory_space<vmem>>) semaphore(%arg12 : memref<!tpu.dma_semaphore, #tpu.memory_space<semaphore_mem>>) {add = true}
        %mul3A_342 = arith.constant 8 : i32
        %mul3A_343 = arith.muli %add3A_30, %mul3A_342 : i32
        %add3A_344 = arith.constant 7 : i32
        %add3A_345 = arith.addi %mul3A_343, %add3A_344 : i32
        %dma_start3A_346 = arith.constant 7 : i32
        %dma_start3A_347 = arith.constant 0 : i32
        %dma_start3A_348 = arith.constant 0 : i32
        %dma_start3A_349 = tpu.memref_slice %arg9[%dma_start3A_346, %dma_start3A_347, %dma_start3A_348] : memref<8x128x16xf32, #tpu.memory_space<vmem>> -> memref<1x128x16xf32, #tpu.memory_space<vmem>>
        %dma_start3A_350 = tpu.memref_squeeze %dma_start3A_349 : memref<1x128x16xf32, #tpu.memory_space<vmem>> -> memref<128x16xf32, #tpu.memory_space<vmem>>
        %dma_start3A_351 = arith.constant 0 : i32
        %dma_start3A_352 = tpu.memref_slice %arg8[%add3A_345, %dma_start3A_351] : memref<40x128xi32, #tpu.memory_space<vmem>> -> memref<1x128xi32, #tpu.memory_space<vmem>>
        %dma_start3A_353 = tpu.memref_squeeze %dma_start3A_352 : memref<1x128xi32, #tpu.memory_space<vmem>> -> memref<128xi32, #tpu.memory_space<vmem>>
        %dma_start3A_354 = arith.constant 0 : i32
        %dma_start3A_355 = arith.constant 0 : i32
        %dma_start3A_356 = tpu.memref_slice %arg10[%dma_start3A_354, %dma_start3A_355] : memref<51200x16xf32, #tpu.memory_space<vmem_shared>> -> memref<51200x16xf32, #tpu.memory_space<vmem_shared>>
        tpu.enqueue_indirect_dma source(%dma_start3A_350 : memref<128x16xf32, #tpu.memory_space<vmem>>) target(%dma_start3A_356 : memref<51200x16xf32, #tpu.memory_space<vmem_shared>>) offsets(%dma_start3A_353 : memref<128xi32, #tpu.memory_space<vmem>>) semaphore(%arg12 : memref<!tpu.dma_semaphore, #tpu.memory_space<semaphore_mem>>) {add = true}
        %dma_wait3A_357 = arith.constant 0 : i32
        %dma_wait3A_358 = arith.constant 0 : i32
        %dma_wait3A_359 = arith.constant 0 : i32
        %dma_wait3A_360 = tpu.memref_slice %arg9[%dma_wait3A_357, %dma_wait3A_358, %dma_wait3A_359] : memref<8x128x16xf32, #tpu.memory_space<vmem>> -> memref<1x128x16xf32, #tpu.memory_space<vmem>>
        %dma_wait3A_361 = tpu.memref_squeeze %dma_wait3A_360 : memref<1x128x16xf32, #tpu.memory_space<vmem>> -> memref<128x16xf32, #tpu.memory_space<vmem>>
        %dma_wait3A_362 = arith.constant 0 : i32
        %dma_wait3A_363 = tpu.memref_slice %arg8[%add3A_240, %dma_wait3A_362] : memref<40x128xi32, #tpu.memory_space<vmem>> -> memref<1x128xi32, #tpu.memory_space<vmem>>
        %dma_wait3A_364 = tpu.memref_squeeze %dma_wait3A_363 : memref<1x128xi32, #tpu.memory_space<vmem>> -> memref<128xi32, #tpu.memory_space<vmem>>
        %dma_wait3A_365 = arith.constant 0 : i32
        %dma_wait3A_366 = arith.constant 0 : i32
        %dma_wait3A_367 = tpu.memref_slice %arg10[%dma_wait3A_365, %dma_wait3A_366] : memref<51200x16xf32, #tpu.memory_space<vmem_shared>> -> memref<51200x16xf32, #tpu.memory_space<vmem_shared>>
        tpu.wait_indirect_dma semaphore(%arg12 : memref<!tpu.dma_semaphore, #tpu.memory_space<semaphore_mem>>) src(%dma_wait3A_361 : memref<128x16xf32, #tpu.memory_space<vmem>>) dst(%dma_wait3A_367 : memref<51200x16xf32, #tpu.memory_space<vmem_shared>>)
        %dma_wait3A_368 = arith.constant 1 : i32
        %dma_wait3A_369 = arith.constant 0 : i32
        %dma_wait3A_370 = arith.constant 0 : i32
        %dma_wait3A_371 = tpu.memref_slice %arg9[%dma_wait3A_368, %dma_wait3A_369, %dma_wait3A_370] : memref<8x128x16xf32, #tpu.memory_space<vmem>> -> memref<1x128x16xf32, #tpu.memory_space<vmem>>
        %dma_wait3A_372 = tpu.memref_squeeze %dma_wait3A_371 : memref<1x128x16xf32, #tpu.memory_space<vmem>> -> memref<128x16xf32, #tpu.memory_space<vmem>>
        %dma_wait3A_373 = arith.constant 0 : i32
        %dma_wait3A_374 = tpu.memref_slice %arg8[%add3A_255, %dma_wait3A_373] : memref<40x128xi32, #tpu.memory_space<vmem>> -> memref<1x128xi32, #tpu.memory_space<vmem>>
        %dma_wait3A_375 = tpu.memref_squeeze %dma_wait3A_374 : memref<1x128xi32, #tpu.memory_space<vmem>> -> memref<128xi32, #tpu.memory_space<vmem>>
        %dma_wait3A_376 = arith.constant 0 : i32
        %dma_wait3A_377 = arith.constant 0 : i32
        %dma_wait3A_378 = tpu.memref_slice %arg10[%dma_wait3A_376, %dma_wait3A_377] : memref<51200x16xf32, #tpu.memory_space<vmem_shared>> -> memref<51200x16xf32, #tpu.memory_space<vmem_shared>>
        tpu.wait_indirect_dma semaphore(%arg12 : memref<!tpu.dma_semaphore, #tpu.memory_space<semaphore_mem>>) src(%dma_wait3A_372 : memref<128x16xf32, #tpu.memory_space<vmem>>) dst(%dma_wait3A_378 : memref<51200x16xf32, #tpu.memory_space<vmem_shared>>)
        %dma_wait3A_379 = arith.constant 2 : i32
        %dma_wait3A_380 = arith.constant 0 : i32
        %dma_wait3A_381 = arith.constant 0 : i32
        %dma_wait3A_382 = tpu.memref_slice %arg9[%dma_wait3A_379, %dma_wait3A_380, %dma_wait3A_381] : memref<8x128x16xf32, #tpu.memory_space<vmem>> -> memref<1x128x16xf32, #tpu.memory_space<vmem>>
        %dma_wait3A_383 = tpu.memref_squeeze %dma_wait3A_382 : memref<1x128x16xf32, #tpu.memory_space<vmem>> -> memref<128x16xf32, #tpu.memory_space<vmem>>
        %dma_wait3A_384 = arith.constant 0 : i32
        %dma_wait3A_385 = tpu.memref_slice %arg8[%add3A_270, %dma_wait3A_384] : memref<40x128xi32, #tpu.memory_space<vmem>> -> memref<1x128xi32, #tpu.memory_space<vmem>>
        %dma_wait3A_386 = tpu.memref_squeeze %dma_wait3A_385 : memref<1x128xi32, #tpu.memory_space<vmem>> -> memref<128xi32, #tpu.memory_space<vmem>>
        %dma_wait3A_387 = arith.constant 0 : i32
        %dma_wait3A_388 = arith.constant 0 : i32
        %dma_wait3A_389 = tpu.memref_slice %arg10[%dma_wait3A_387, %dma_wait3A_388] : memref<51200x16xf32, #tpu.memory_space<vmem_shared>> -> memref<51200x16xf32, #tpu.memory_space<vmem_shared>>
        tpu.wait_indirect_dma semaphore(%arg12 : memref<!tpu.dma_semaphore, #tpu.memory_space<semaphore_mem>>) src(%dma_wait3A_383 : memref<128x16xf32, #tpu.memory_space<vmem>>) dst(%dma_wait3A_389 : memref<51200x16xf32, #tpu.memory_space<vmem_shared>>)
        %dma_wait3A_390 = arith.constant 3 : i32
        %dma_wait3A_391 = arith.constant 0 : i32
        %dma_wait3A_392 = arith.constant 0 : i32
        %dma_wait3A_393 = tpu.memref_slice %arg9[%dma_wait3A_390, %dma_wait3A_391, %dma_wait3A_392] : memref<8x128x16xf32, #tpu.memory_space<vmem>> -> memref<1x128x16xf32, #tpu.memory_space<vmem>>
        %dma_wait3A_394 = tpu.memref_squeeze %dma_wait3A_393 : memref<1x128x16xf32, #tpu.memory_space<vmem>> -> memref<128x16xf32, #tpu.memory_space<vmem>>
        %dma_wait3A_395 = arith.constant 0 : i32
        %dma_wait3A_396 = tpu.memref_slice %arg8[%add3A_285, %dma_wait3A_395] : memref<40x128xi32, #tpu.memory_space<vmem>> -> memref<1x128xi32, #tpu.memory_space<vmem>>
        %dma_wait3A_397 = tpu.memref_squeeze %dma_wait3A_396 : memref<1x128xi32, #tpu.memory_space<vmem>> -> memref<128xi32, #tpu.memory_space<vmem>>
        %dma_wait3A_398 = arith.constant 0 : i32
        %dma_wait3A_399 = arith.constant 0 : i32
        %dma_wait3A_400 = tpu.memref_slice %arg10[%dma_wait3A_398, %dma_wait3A_399] : memref<51200x16xf32, #tpu.memory_space<vmem_shared>> -> memref<51200x16xf32, #tpu.memory_space<vmem_shared>>
        tpu.wait_indirect_dma semaphore(%arg12 : memref<!tpu.dma_semaphore, #tpu.memory_space<semaphore_mem>>) src(%dma_wait3A_394 : memref<128x16xf32, #tpu.memory_space<vmem>>) dst(%dma_wait3A_400 : memref<51200x16xf32, #tpu.memory_space<vmem_shared>>)
        %dma_wait3A_401 = arith.constant 4 : i32
        %dma_wait3A_402 = arith.constant 0 : i32
        %dma_wait3A_403 = arith.constant 0 : i32
        %dma_wait3A_404 = tpu.memref_slice %arg9[%dma_wait3A_401, %dma_wait3A_402, %dma_wait3A_403] : memref<8x128x16xf32, #tpu.memory_space<vmem>> -> memref<1x128x16xf32, #tpu.memory_space<vmem>>
        %dma_wait3A_405 = tpu.memref_squeeze %dma_wait3A_404 : memref<1x128x16xf32, #tpu.memory_space<vmem>> -> memref<128x16xf32, #tpu.memory_space<vmem>>
        %dma_wait3A_406 = arith.constant 0 : i32
        %dma_wait3A_407 = tpu.memref_slice %arg8[%add3A_300, %dma_wait3A_406] : memref<40x128xi32, #tpu.memory_space<vmem>> -> memref<1x128xi32, #tpu.memory_space<vmem>>
        %dma_wait3A_408 = tpu.memref_squeeze %dma_wait3A_407 : memref<1x128xi32, #tpu.memory_space<vmem>> -> memref<128xi32, #tpu.memory_space<vmem>>
        %dma_wait3A_409 = arith.constant 0 : i32
        %dma_wait3A_410 = arith.constant 0 : i32
        %dma_wait3A_411 = tpu.memref_slice %arg10[%dma_wait3A_409, %dma_wait3A_410] : memref<51200x16xf32, #tpu.memory_space<vmem_shared>> -> memref<51200x16xf32, #tpu.memory_space<vmem_shared>>
        tpu.wait_indirect_dma semaphore(%arg12 : memref<!tpu.dma_semaphore, #tpu.memory_space<semaphore_mem>>) src(%dma_wait3A_405 : memref<128x16xf32, #tpu.memory_space<vmem>>) dst(%dma_wait3A_411 : memref<51200x16xf32, #tpu.memory_space<vmem_shared>>)
        %dma_wait3A_412 = arith.constant 5 : i32
        %dma_wait3A_413 = arith.constant 0 : i32
        %dma_wait3A_414 = arith.constant 0 : i32
        %dma_wait3A_415 = tpu.memref_slice %arg9[%dma_wait3A_412, %dma_wait3A_413, %dma_wait3A_414] : memref<8x128x16xf32, #tpu.memory_space<vmem>> -> memref<1x128x16xf32, #tpu.memory_space<vmem>>
        %dma_wait3A_416 = tpu.memref_squeeze %dma_wait3A_415 : memref<1x128x16xf32, #tpu.memory_space<vmem>> -> memref<128x16xf32, #tpu.memory_space<vmem>>
        %dma_wait3A_417 = arith.constant 0 : i32
        %dma_wait3A_418 = tpu.memref_slice %arg8[%add3A_315, %dma_wait3A_417] : memref<40x128xi32, #tpu.memory_space<vmem>> -> memref<1x128xi32, #tpu.memory_space<vmem>>
        %dma_wait3A_419 = tpu.memref_squeeze %dma_wait3A_418 : memref<1x128xi32, #tpu.memory_space<vmem>> -> memref<128xi32, #tpu.memory_space<vmem>>
        %dma_wait3A_420 = arith.constant 0 : i32
        %dma_wait3A_421 = arith.constant 0 : i32
        %dma_wait3A_422 = tpu.memref_slice %arg10[%dma_wait3A_420, %dma_wait3A_421] : memref<51200x16xf32, #tpu.memory_space<vmem_shared>> -> memref<51200x16xf32, #tpu.memory_space<vmem_shared>>
        tpu.wait_indirect_dma semaphore(%arg12 : memref<!tpu.dma_semaphore, #tpu.memory_space<semaphore_mem>>) src(%dma_wait3A_416 : memref<128x16xf32, #tpu.memory_space<vmem>>) dst(%dma_wait3A_422 : memref<51200x16xf32, #tpu.memory_space<vmem_shared>>)
        %dma_wait3A_423 = arith.constant 6 : i32
        %dma_wait3A_424 = arith.constant 0 : i32
        %dma_wait3A_425 = arith.constant 0 : i32
        %dma_wait3A_426 = tpu.memref_slice %arg9[%dma_wait3A_423, %dma_wait3A_424, %dma_wait3A_425] : memref<8x128x16xf32, #tpu.memory_space<vmem>> -> memref<1x128x16xf32, #tpu.memory_space<vmem>>
        %dma_wait3A_427 = tpu.memref_squeeze %dma_wait3A_426 : memref<1x128x16xf32, #tpu.memory_space<vmem>> -> memref<128x16xf32, #tpu.memory_space<vmem>>
        %dma_wait3A_428 = arith.constant 0 : i32
        %dma_wait3A_429 = tpu.memref_slice %arg8[%add3A_330, %dma_wait3A_428] : memref<40x128xi32, #tpu.memory_space<vmem>> -> memref<1x128xi32, #tpu.memory_space<vmem>>
        %dma_wait3A_430 = tpu.memref_squeeze %dma_wait3A_429 : memref<1x128xi32, #tpu.memory_space<vmem>> -> memref<128xi32, #tpu.memory_space<vmem>>
        %dma_wait3A_431 = arith.constant 0 : i32
        %dma_wait3A_432 = arith.constant 0 : i32
        %dma_wait3A_433 = tpu.memref_slice %arg10[%dma_wait3A_431, %dma_wait3A_432] : memref<51200x16xf32, #tpu.memory_space<vmem_shared>> -> memref<51200x16xf32, #tpu.memory_space<vmem_shared>>
        tpu.wait_indirect_dma semaphore(%arg12 : memref<!tpu.dma_semaphore, #tpu.memory_space<semaphore_mem>>) src(%dma_wait3A_427 : memref<128x16xf32, #tpu.memory_space<vmem>>) dst(%dma_wait3A_433 : memref<51200x16xf32, #tpu.memory_space<vmem_shared>>)
        %dma_wait3A_434 = arith.constant 7 : i32
        %dma_wait3A_435 = arith.constant 0 : i32
        %dma_wait3A_436 = arith.constant 0 : i32
        %dma_wait3A_437 = tpu.memref_slice %arg9[%dma_wait3A_434, %dma_wait3A_435, %dma_wait3A_436] : memref<8x128x16xf32, #tpu.memory_space<vmem>> -> memref<1x128x16xf32, #tpu.memory_space<vmem>>
        %dma_wait3A_438 = tpu.memref_squeeze %dma_wait3A_437 : memref<1x128x16xf32, #tpu.memory_space<vmem>> -> memref<128x16xf32, #tpu.memory_space<vmem>>
        %dma_wait3A_439 = arith.constant 0 : i32
        %dma_wait3A_440 = tpu.memref_slice %arg8[%add3A_345, %dma_wait3A_439] : memref<40x128xi32, #tpu.memory_space<vmem>> -> memref<1x128xi32, #tpu.memory_space<vmem>>
        %dma_wait3A_441 = tpu.memref_squeeze %dma_wait3A_440 : memref<1x128xi32, #tpu.memory_space<vmem>> -> memref<128xi32, #tpu.memory_space<vmem>>
        %dma_wait3A_442 = arith.constant 0 : i32
        %dma_wait3A_443 = arith.constant 0 : i32
        %dma_wait3A_444 = tpu.memref_slice %arg10[%dma_wait3A_442, %dma_wait3A_443] : memref<51200x16xf32, #tpu.memory_space<vmem_shared>> -> memref<51200x16xf32, #tpu.memory_space<vmem_shared>>
        tpu.wait_indirect_dma semaphore(%arg12 : memref<!tpu.dma_semaphore, #tpu.memory_space<semaphore_mem>>) src(%dma_wait3A_438 : memref<128x16xf32, #tpu.memory_space<vmem>>) dst(%dma_wait3A_444 : memref<51200x16xf32, #tpu.memory_space<vmem_shared>>)
      }
      %scan3A_25 = arith.constant 5 : i32
    }
    %scan3A_8 = arith.constant 5 : i32
    %barrier3A_9 = arith.constant 0 : index
    tpu.barrier barrier_id(%barrier3A_9)
    "tpu.region"() ({
      %run_scoped3A = tpu.sem_alloc : memref<!tpu.dma_semaphore, #tpu.memory_space<semaphore_mem>>
      %dma_start3A = arith.constant 0 : i32
      %dma_start3A_10 = tpu.memref_slice %arg6[%arg0, %mul3A_0, %dma_start3A] : memref<2x51200x16xf32, #tpu.memory_space<hbm>> -> memref<1x3200x16xf32, #tpu.memory_space<hbm>>
      %dma_start3A_11 = tpu.memref_squeeze %dma_start3A_10 : memref<1x3200x16xf32, #tpu.memory_space<hbm>> -> memref<3200x16xf32, #tpu.memory_space<hbm>>
      %dma_start3A_12 = arith.constant 0 : i32
      %dma_start3A_13 = tpu.memref_slice %arg10[%mul3A_0, %dma_start3A_12] : memref<51200x16xf32, #tpu.memory_space<vmem_shared>> -> memref<3200x16xf32, #tpu.memory_space<vmem_shared>>
      tpu.enqueue_dma source(%dma_start3A_13 : memref<3200x16xf32, #tpu.memory_space<vmem_shared>>) target(%dma_start3A_11 : memref<3200x16xf32, #tpu.memory_space<hbm>>) target_semaphore(%run_scoped3A : memref<!tpu.dma_semaphore, #tpu.memory_space<semaphore_mem>>)
      %dma_wait3A = arith.constant 0 : i32
      %dma_wait3A_14 = tpu.memref_slice %arg6[%arg0, %mul3A_0, %dma_wait3A] : memref<2x51200x16xf32, #tpu.memory_space<hbm>> -> memref<1x3200x16xf32, #tpu.memory_space<hbm>>
      %dma_wait3A_15 = tpu.memref_squeeze %dma_wait3A_14 : memref<1x3200x16xf32, #tpu.memory_space<hbm>> -> memref<3200x16xf32, #tpu.memory_space<hbm>>
      %dma_wait3A_16 = arith.constant 0 : i32
      %dma_wait3A_17 = tpu.memref_slice %arg10[%mul3A_0, %dma_wait3A_16] : memref<51200x16xf32, #tpu.memory_space<vmem_shared>> -> memref<3200x16xf32, #tpu.memory_space<vmem_shared>>
      tpu.wait_dma2 semaphore(%run_scoped3A : memref<!tpu.dma_semaphore, #tpu.memory_space<semaphore_mem>>) src(%dma_wait3A_17 : memref<3200x16xf32, #tpu.memory_space<vmem_shared>>) dst(%dma_wait3A_15 : memref<3200x16xf32, #tpu.memory_space<hbm>>)
      tpu.yield
    }) : () -> ()
    return
  }
}

module attributes {stable_mosaic.version = 14 : i64} {
  func.func @body(%arg0: i32, %arg1: memref<5000x16xf32, #tpu.memory_space<vmem>>, %arg2: memref<2x5000x16xf32, #tpu.memory_space<vmem>>, %arg3: memref<1x1xf32, #tpu.memory_space<vmem>>, %arg4: memref<1x16xf32, #tpu.memory_space<vmem>>, %arg5: memref<16x16xf32, #tpu.memory_space<vmem>>, %arg6: memref<1x16xf32, #tpu.memory_space<vmem>>, %arg7: memref<5000x16xf32, #tpu.memory_space<vmem>>) attributes {dimension_semantics = [#tpu.dimension_semantics<arbitrary>], iteration_bounds = array<i64: 10>, scalar_prefetch = 0 : i64, scratch_operands = 0 : i64, tpu.core_type = #tpu.core_type<tc>, window_params = [{transform_indices = @transform_0, window_bounds = array<i64: 5000, 16>}, {transform_indices = @transform_1, window_bounds = array<i64: 2, 5000, 16>}, {pipeline_mode = #tpu.pipeline_mode<synchronous>, transform_indices = @transform_2, window_bounds = array<i64: 1, 1>}, {pipeline_mode = #tpu.pipeline_mode<synchronous>, transform_indices = @transform_3, window_bounds = array<i64: 1, 16>}, {pipeline_mode = #tpu.pipeline_mode<synchronous>, transform_indices = @transform_4, window_bounds = array<i64: 16, 16>}, {pipeline_mode = #tpu.pipeline_mode<synchronous>, transform_indices = @transform_5, window_bounds = array<i64: 1, 16>}, {transform_indices = @transform_6, window_bounds = array<i64: 5000, 16>}]} {
    %get3A = arith.constant 0 : index
    %get3A_0 = arith.constant 0 : index
    %get3A_1 = vector.load %arg3[%get3A, %get3A_0] : memref<1x1xf32, #tpu.memory_space<vmem>>, vector<1x1xf32>
    %get3A_2 = vector.extract %get3A_1[0, 0] : f32 from vector<1x1xf32>
    %add3A = arith.constant 1.000000e+00 : f32
    %add3A_3 = arith.addf %add3A, %get3A_2 : f32
    %get3A_4 = arith.constant 0 : index
    %get3A_5 = arith.constant 0 : index
    %get3A_6 = vector.load %arg1[%get3A_4, %get3A_5] : memref<5000x16xf32, #tpu.memory_space<vmem>>, vector<5000x16xf32>
    %mul3A = vector.broadcast %add3A_3 : f32 to vector<5000x16xf32>
    %mul3A_7 = arith.mulf %mul3A, %get3A_6 : vector<5000x16xf32>
    %get3A_8 = arith.constant 0 : index
    %get3A_9 = arith.constant 0 : index
    %get3A_10 = arith.constant 0 : index
    %get3A_11 = vector.load %arg2[%get3A_8, %get3A_9, %get3A_10] : memref<2x5000x16xf32, #tpu.memory_space<vmem>>, vector<1x5000x16xf32>
    %get3A_12 = vector.shape_cast %get3A_11 : vector<1x5000x16xf32> to vector<5000x16xf32>
    %add3A_13 = arith.addf %mul3A_7, %get3A_12 : vector<5000x16xf32>
    %get3A_14 = arith.constant 1 : index
    %get3A_15 = arith.constant 0 : index
    %get3A_16 = arith.constant 0 : index
    %get3A_17 = vector.load %arg2[%get3A_14, %get3A_15, %get3A_16] : memref<2x5000x16xf32, #tpu.memory_space<vmem>>, vector<1x5000x16xf32>
    %get3A_18 = vector.shape_cast %get3A_17 : vector<1x5000x16xf32> to vector<5000x16xf32>
    %add3A_19 = arith.addf %add3A_13, %get3A_18 : vector<5000x16xf32>
    %swap3A = arith.constant 0 : index
    %swap3A_20 = arith.constant 0 : index
    %swap3A_21 = vector.load %arg7[%swap3A, %swap3A_20] : memref<5000x16xf32, #tpu.memory_space<vmem>>, vector<5000x16xf32>
    tpu.vector_store %arg7[%swap3A, %swap3A_20], %add3A_19 {strides = array<i32>} : memref<5000x16xf32, #tpu.memory_space<vmem>>, vector<5000x16xf32>,
    %reduce_sum3A = arith.constant dense<0.000000e+00> : vector<16xf32>
    %reduce_sum3A_22 = vector.multi_reduction <add>, %add3A_19, %reduce_sum3A [0] : vector<5000x16xf32> to vector<16xf32>
    %broadcast_in_dim3A = vector.shape_cast %reduce_sum3A_22 : vector<16xf32> to vector<1x16xf32>
    %eq3A = arith.constant 0 : i32
    %eq3A_23 = arith.cmpi eq, %arg0, %eq3A : i32
    %convert_element_type3A = arith.extui %eq3A_23 : i1 to i32
    %cond3A = arith.constant 0 : i32
    %cond3A_24 = arith.cmpi ne, %convert_element_type3A, %cond3A : i32
    scf.if %cond3A_24 {
      %swap3A_56 = arith.constant 0 : index
      %swap3A_57 = arith.constant 0 : index
      %swap3A_58 = vector.load %arg4[%swap3A_56, %swap3A_57] : memref<1x16xf32, #tpu.memory_space<vmem>>, vector<1x16xf32>
      tpu.vector_store %arg4[%swap3A_56, %swap3A_57], %broadcast_in_dim3A {strides = array<i32>} : memref<1x16xf32, #tpu.memory_space<vmem>>, vector<1x16xf32>,
    } else {
    }
    %gt3A = arith.constant 0 : i32
    %gt3A_25 = arith.cmpi sgt, %arg0, %gt3A : i32
    %convert_element_type3A_26 = arith.extui %gt3A_25 : i1 to i32
    %cond3A_27 = arith.constant 0 : i32
    %cond3A_28 = arith.cmpi ne, %convert_element_type3A_26, %cond3A_27 : i32
    scf.if %cond3A_28 {
      %get3A_56 = arith.constant 0 : index
      %get3A_57 = arith.constant 0 : index
      %get3A_58 = vector.load %arg4[%get3A_56, %get3A_57] : memref<1x16xf32, #tpu.memory_space<vmem>>, vector<1x16xf32>
      %add3A_59 = arith.addf %get3A_58, %broadcast_in_dim3A : vector<1x16xf32>
      %swap3A_60 = arith.constant 0 : index
      %swap3A_61 = arith.constant 0 : index
      %swap3A_62 = vector.load %arg4[%swap3A_60, %swap3A_61] : memref<1x16xf32, #tpu.memory_space<vmem>>, vector<1x16xf32>
      tpu.vector_store %arg4[%swap3A_60, %swap3A_61], %add3A_59 {strides = array<i32>} : memref<1x16xf32, #tpu.memory_space<vmem>>, vector<1x16xf32>,
    } else {
    }
    %dot_general3A = arith.constant dense<0.000000e+00> : vector<16x16xf32>
    %dot_general3A_29 = tpu.matmul %add3A_19, %add3A_19, %dot_general3A {dimension_numbers = #tpu.dot_dimension_numbers<[0], [0], [1], [1], [0, 1, 1, 1], [], []>, precision = #tpu.contract_precision<fp32>, transpose_lhs_hint = false} : vector<5000x16xf32>, vector<5000x16xf32>, vector<16x16xf32> -> vector<16x16xf32>
    %eq3A_30 = arith.constant 0 : i32
    %eq3A_31 = arith.cmpi eq, %arg0, %eq3A_30 : i32
    %convert_element_type3A_32 = arith.extui %eq3A_31 : i1 to i32
    %cond3A_33 = arith.constant 0 : i32
    %cond3A_34 = arith.cmpi ne, %convert_element_type3A_32, %cond3A_33 : i32
    scf.if %cond3A_34 {
      %swap3A_56 = arith.constant 0 : index
      %swap3A_57 = arith.constant 0 : index
      %swap3A_58 = vector.load %arg5[%swap3A_56, %swap3A_57] : memref<16x16xf32, #tpu.memory_space<vmem>>, vector<16x16xf32>
      tpu.vector_store %arg5[%swap3A_56, %swap3A_57], %dot_general3A_29 {strides = array<i32>} : memref<16x16xf32, #tpu.memory_space<vmem>>, vector<16x16xf32>,
    } else {
    }
    %gt3A_35 = arith.constant 0 : i32
    %gt3A_36 = arith.cmpi sgt, %arg0, %gt3A_35 : i32
    %convert_element_type3A_37 = arith.extui %gt3A_36 : i1 to i32
    %cond3A_38 = arith.constant 0 : i32
    %cond3A_39 = arith.cmpi ne, %convert_element_type3A_37, %cond3A_38 : i32
    scf.if %cond3A_39 {
      %get3A_56 = arith.constant 0 : index
      %get3A_57 = arith.constant 0 : index
      %get3A_58 = vector.load %arg5[%get3A_56, %get3A_57] : memref<16x16xf32, #tpu.memory_space<vmem>>, vector<16x16xf32>
      %add3A_59 = arith.addf %get3A_58, %dot_general3A_29 : vector<16x16xf32>
      %swap3A_60 = arith.constant 0 : index
      %swap3A_61 = arith.constant 0 : index
      %swap3A_62 = vector.load %arg5[%swap3A_60, %swap3A_61] : memref<16x16xf32, #tpu.memory_space<vmem>>, vector<16x16xf32>
      tpu.vector_store %arg5[%swap3A_60, %swap3A_61], %add3A_59 {strides = array<i32>} : memref<16x16xf32, #tpu.memory_space<vmem>>, vector<16x16xf32>,
    } else {
    }
    %get3A_40 = arith.constant 0 : index
    %get3A_41 = arith.constant 0 : index
    %get3A_42 = vector.load %arg1[%get3A_40, %get3A_41] : memref<5000x16xf32, #tpu.memory_space<vmem>>, vector<5000x16xf32>
    %reduce_sum3A_43 = arith.constant dense<0.000000e+00> : vector<16xf32>
    %reduce_sum3A_44 = vector.multi_reduction <add>, %get3A_42, %reduce_sum3A_43 [0] : vector<5000x16xf32> to vector<16xf32>
    %broadcast_in_dim3A_45 = vector.shape_cast %reduce_sum3A_44 : vector<16xf32> to vector<1x16xf32>
    %eq3A_46 = arith.constant 0 : i32
    %eq3A_47 = arith.cmpi eq, %arg0, %eq3A_46 : i32
    %convert_element_type3A_48 = arith.extui %eq3A_47 : i1 to i32
    %cond3A_49 = arith.constant 0 : i32
    %cond3A_50 = arith.cmpi ne, %convert_element_type3A_48, %cond3A_49 : i32
    scf.if %cond3A_50 {
      %swap3A_56 = arith.constant 0 : index
      %swap3A_57 = arith.constant 0 : index
      %swap3A_58 = vector.load %arg6[%swap3A_56, %swap3A_57] : memref<1x16xf32, #tpu.memory_space<vmem>>, vector<1x16xf32>
      tpu.vector_store %arg6[%swap3A_56, %swap3A_57], %broadcast_in_dim3A_45 {strides = array<i32>} : memref<1x16xf32, #tpu.memory_space<vmem>>, vector<1x16xf32>,
    } else {
    }
    %gt3A_51 = arith.constant 0 : i32
    %gt3A_52 = arith.cmpi sgt, %arg0, %gt3A_51 : i32
    %convert_element_type3A_53 = arith.extui %gt3A_52 : i1 to i32
    %cond3A_54 = arith.constant 0 : i32
    %cond3A_55 = arith.cmpi ne, %convert_element_type3A_53, %cond3A_54 : i32
    scf.if %cond3A_55 {
      %get3A_56 = arith.constant 0 : index
      %get3A_57 = arith.constant 0 : index
      %get3A_58 = vector.load %arg6[%get3A_56, %get3A_57] : memref<1x16xf32, #tpu.memory_space<vmem>>, vector<1x16xf32>
      %add3A_59 = arith.addf %get3A_58, %broadcast_in_dim3A_45 : vector<1x16xf32>
      %swap3A_60 = arith.constant 0 : index
      %swap3A_61 = arith.constant 0 : index
      %swap3A_62 = vector.load %arg6[%swap3A_60, %swap3A_61] : memref<1x16xf32, #tpu.memory_space<vmem>>, vector<1x16xf32>
      tpu.vector_store %arg6[%swap3A_60, %swap3A_61], %add3A_59 {strides = array<i32>} : memref<1x16xf32, #tpu.memory_space<vmem>>, vector<1x16xf32>,
    } else {
    }
    return
  }
  func.func @transform_0(%arg0: i32) -> (i32, i32) {
    %c0_i32 = arith.constant 0 : i32
    %c0_i32_0 = arith.constant 0 : i32
    return %arg0, %c0_i32 : i32, i32
  }
  func.func @transform_1(%arg0: i32) -> (i32, i32, i32) {
    %c0_i32 = arith.constant 0 : i32
    %c0_i32_0 = arith.constant 0 : i32
    %c0_i32_1 = arith.constant 0 : i32
    return %c0_i32, %arg0, %c0_i32_0 : i32, i32, i32
  }
  func.func @transform_2(%arg0: i32) -> (i32, i32) {
    %c0_i32 = arith.constant 0 : i32
    %c0_i32_0 = arith.constant 0 : i32
    %c0_i32_1 = arith.constant 0 : i32
    return %c0_i32, %c0_i32_0 : i32, i32
  }
  func.func @transform_3(%arg0: i32) -> (i32, i32) {
    %c0_i32 = arith.constant 0 : i32
    %c0_i32_0 = arith.constant 0 : i32
    %c0_i32_1 = arith.constant 0 : i32
    return %c0_i32, %c0_i32_0 : i32, i32
  }
  func.func @transform_4(%arg0: i32) -> (i32, i32) {
    %c0_i32 = arith.constant 0 : i32
    %c0_i32_0 = arith.constant 0 : i32
    %c0_i32_1 = arith.constant 0 : i32
    return %c0_i32, %c0_i32_0 : i32, i32
  }
  func.func @transform_5(%arg0: i32) -> (i32, i32) {
    %c0_i32 = arith.constant 0 : i32
    %c0_i32_0 = arith.constant 0 : i32
    %c0_i32_1 = arith.constant 0 : i32
    return %c0_i32, %c0_i32_0 : i32, i32
  }
  func.func @transform_6(%arg0: i32) -> (i32, i32) {
    %c0_i32 = arith.constant 0 : i32
    %c0_i32_0 = arith.constant 0 : i32
    return %arg0, %c0_i32 : i32, i32
  }
}

module attributes {stable_mosaic.version = 14 : i64} {
  func.func @body(%arg0: i32, %arg1: memref<5000x16xf32, #tpu.memory_space<vmem>>, %arg2: memref<1x16xf32, #tpu.memory_space<vmem>>, %arg3: memref<16x16xf32, #tpu.memory_space<vmem>>, %arg4: memref<16x64xf32, #tpu.memory_space<vmem>>, %arg5: memref<1x64xf32, #tpu.memory_space<vmem>>, %arg6: memref<1x64xf32, #tpu.memory_space<vmem>>, %arg7: memref<1x64xf32, #tpu.memory_space<vmem>>, %arg8: memref<5000x64xf32, #tpu.memory_space<vmem>>, %arg9: memref<1x64xf32, #tpu.memory_space<vmem>>, %arg10: memref<64x64xf32, #tpu.memory_space<vmem>>) attributes {dimension_semantics = [#tpu.dimension_semantics<arbitrary>], iteration_bounds = array<i64: 10>, scalar_prefetch = 0 : i64, scratch_operands = 0 : i64, tpu.core_type = #tpu.core_type<tc>, window_params = [{transform_indices = @transform_0, window_bounds = array<i64: 5000, 16>}, {pipeline_mode = #tpu.pipeline_mode<synchronous>, transform_indices = @transform_1, window_bounds = array<i64: 1, 16>}, {pipeline_mode = #tpu.pipeline_mode<synchronous>, transform_indices = @transform_2, window_bounds = array<i64: 16, 16>}, {pipeline_mode = #tpu.pipeline_mode<synchronous>, transform_indices = @transform_3, window_bounds = array<i64: 16, 64>}, {pipeline_mode = #tpu.pipeline_mode<synchronous>, transform_indices = @transform_4, window_bounds = array<i64: 1, 64>}, {pipeline_mode = #tpu.pipeline_mode<synchronous>, transform_indices = @transform_5, window_bounds = array<i64: 1, 64>}, {pipeline_mode = #tpu.pipeline_mode<synchronous>, transform_indices = @transform_6, window_bounds = array<i64: 1, 64>}, {transform_indices = @transform_7, window_bounds = array<i64: 5000, 64>}, {pipeline_mode = #tpu.pipeline_mode<synchronous>, transform_indices = @transform_8, window_bounds = array<i64: 1, 64>}, {pipeline_mode = #tpu.pipeline_mode<synchronous>, transform_indices = @transform_9, window_bounds = array<i64: 64, 64>}]} {
    %get3A = arith.constant 0 : index
    %get3A_0 = arith.constant 0 : index
    %get3A_1 = vector.load %arg4[%get3A, %get3A_0] : memref<16x64xf32, #tpu.memory_space<vmem>>, vector<16x64xf32>
    %get3A_2 = arith.constant 0 : index
    %get3A_3 = arith.constant 0 : index
    %get3A_4 = vector.load %arg2[%get3A_2, %get3A_3] : memref<1x16xf32, #tpu.memory_space<vmem>>, vector<1x16xf32>
    %div3A = arith.constant 5.000000e+04 : f32
    %div3A_5 = vector.broadcast %div3A : f32 to vector<1x16xf32>
    %div3A_6 = arith.divf %get3A_4, %div3A_5 : vector<1x16xf32>
    %dot_general3A = arith.constant dense<0.000000e+00> : vector<1x64xf32>
    %dot_general3A_7 = tpu.matmul %div3A_6, %get3A_1, %dot_general3A {dimension_numbers = #tpu.dot_dimension_numbers<[1], [0], [0], [1], [0, 0, 1, 1], [], []>, precision = #tpu.contract_precision<fp32>, transpose_lhs_hint = false} : vector<1x16xf32>, vector<16x64xf32>, vector<1x64xf32> -> vector<1x64xf32>
    %get3A_8 = arith.constant 0 : index
    %get3A_9 = arith.constant 0 : index
    %get3A_10 = vector.load %arg3[%get3A_8, %get3A_9] : memref<16x16xf32, #tpu.memory_space<vmem>>, vector<16x16xf32>
    %div3A_11 = arith.constant 5.000000e+04 : f32
    %div3A_12 = vector.broadcast %div3A_11 : f32 to vector<16x16xf32>
    %div3A_13 = arith.divf %get3A_10, %div3A_12 : vector<16x16xf32>
    %dot_general3A_14 = arith.constant dense<0.000000e+00> : vector<16x64xf32>
    %dot_general3A_15 = tpu.matmul %div3A_13, %get3A_1, %dot_general3A_14 {dimension_numbers = #tpu.dot_dimension_numbers<[1], [0], [0], [1], [0, 0, 1, 1], [], []>, precision = #tpu.contract_precision<fp32>, transpose_lhs_hint = false} : vector<16x16xf32>, vector<16x64xf32>, vector<16x64xf32> -> vector<16x64xf32>
    %mul3A = arith.mulf %get3A_1, %dot_general3A_15 : vector<16x64xf32>
    %reduce_sum3A = arith.constant dense<0.000000e+00> : vector<64xf32>
    %reduce_sum3A_16 = vector.multi_reduction <add>, %mul3A, %reduce_sum3A [0] : vector<16x64xf32> to vector<64xf32>
    %broadcast_in_dim3A = vector.shape_cast %reduce_sum3A_16 : vector<64xf32> to vector<1x64xf32>
    %mul3A_17 = arith.mulf %dot_general3A_7, %dot_general3A_7 : vector<1x64xf32>
    %sub3A = arith.subf %broadcast_in_dim3A, %mul3A_17 : vector<1x64xf32>
    %get3A_18 = arith.constant 0 : index
    %get3A_19 = arith.constant 0 : index
    %get3A_20 = vector.load %arg6[%get3A_18, %get3A_19] : memref<1x64xf32, #tpu.memory_space<vmem>>, vector<1x64xf32>
    %add3A = arith.constant 9.99999974E-6 : f32
    %add3A_21 = vector.broadcast %add3A : f32 to vector<1x64xf32>
    %add3A_22 = arith.addf %sub3A, %add3A_21 : vector<1x64xf32>
    %sqrt3A = math.sqrt %add3A_22 : vector<1x64xf32>
    %div3A_23 = arith.divf %get3A_20, %sqrt3A : vector<1x64xf32>
    %get3A_24 = arith.constant 0 : index
    %get3A_25 = arith.constant 0 : index
    %get3A_26 = vector.load %arg5[%get3A_24, %get3A_25] : memref<1x64xf32, #tpu.memory_space<vmem>>, vector<1x64xf32>
    %add3A_27 = arith.addf %dot_general3A_7, %get3A_26 : vector<1x64xf32>
    %get3A_28 = arith.constant 0 : index
    %get3A_29 = arith.constant 0 : index
    %get3A_30 = vector.load %arg1[%get3A_28, %get3A_29] : memref<5000x16xf32, #tpu.memory_space<vmem>>, vector<5000x16xf32>
    %dot_general3A_31 = arith.constant dense<0.000000e+00> : vector<5000x64xf32>
    %dot_general3A_32 = tpu.matmul %get3A_30, %get3A_1, %dot_general3A_31 {dimension_numbers = #tpu.dot_dimension_numbers<[1], [0], [0], [1], [0, 0, 1, 1], [], []>, transpose_lhs_hint = false} : vector<5000x16xf32>, vector<16x64xf32>, vector<5000x64xf32> -> vector<5000x64xf32>
    %get3A_33 = arith.constant 0 : index
    %get3A_34 = arith.constant 0 : index
    %get3A_35 = vector.load %arg5[%get3A_33, %get3A_34] : memref<1x64xf32, #tpu.memory_space<vmem>>, vector<1x64xf32>
    %add3A_36 = vector.broadcast %get3A_35 : vector<1x64xf32> to vector<5000x64xf32>
    %add3A_37 = arith.addf %dot_general3A_32, %add3A_36 : vector<5000x64xf32>
    %sub3A_38 = vector.broadcast %add3A_27 : vector<1x64xf32> to vector<5000x64xf32>
    %sub3A_39 = arith.subf %add3A_37, %sub3A_38 : vector<5000x64xf32>
    %mul3A_40 = vector.broadcast %div3A_23 : vector<1x64xf32> to vector<5000x64xf32>
    %mul3A_41 = arith.mulf %sub3A_39, %mul3A_40 : vector<5000x64xf32>
    %get3A_42 = arith.constant 0 : index
    %get3A_43 = arith.constant 0 : index
    %get3A_44 = vector.load %arg7[%get3A_42, %get3A_43] : memref<1x64xf32, #tpu.memory_space<vmem>>, vector<1x64xf32>
    %add3A_45 = vector.broadcast %get3A_44 : vector<1x64xf32> to vector<5000x64xf32>
    %add3A_46 = arith.addf %mul3A_41, %add3A_45 : vector<5000x64xf32>
    %max3A = arith.constant 0.000000e+00 : f32
    %max3A_47 = vector.broadcast %max3A : f32 to vector<5000x64xf32>
    %max3A_48 = arith.maximumf %add3A_46, %max3A_47 : vector<5000x64xf32>
    %swap3A = arith.constant 0 : index
    %swap3A_49 = arith.constant 0 : index
    %swap3A_50 = vector.load %arg8[%swap3A, %swap3A_49] : memref<5000x64xf32, #tpu.memory_space<vmem>>, vector<5000x64xf32>
    tpu.vector_store %arg8[%swap3A, %swap3A_49], %max3A_48 {strides = array<i32>} : memref<5000x64xf32, #tpu.memory_space<vmem>>, vector<5000x64xf32>,
    %reduce_sum3A_51 = arith.constant dense<0.000000e+00> : vector<64xf32>
    %reduce_sum3A_52 = vector.multi_reduction <add>, %max3A_48, %reduce_sum3A_51 [0] : vector<5000x64xf32> to vector<64xf32>
    %broadcast_in_dim3A_53 = vector.shape_cast %reduce_sum3A_52 : vector<64xf32> to vector<1x64xf32>
    %eq3A = arith.constant 0 : i32
    %eq3A_54 = arith.cmpi eq, %arg0, %eq3A : i32
    %convert_element_type3A = arith.extui %eq3A_54 : i1 to i32
    %cond3A = arith.constant 0 : i32
    %cond3A_55 = arith.cmpi ne, %convert_element_type3A, %cond3A : i32
    scf.if %cond3A_55 {
      %swap3A_72 = arith.constant 0 : index
      %swap3A_73 = arith.constant 0 : index
      %swap3A_74 = vector.load %arg9[%swap3A_72, %swap3A_73] : memref<1x64xf32, #tpu.memory_space<vmem>>, vector<1x64xf32>
      tpu.vector_store %arg9[%swap3A_72, %swap3A_73], %broadcast_in_dim3A_53 {strides = array<i32>} : memref<1x64xf32, #tpu.memory_space<vmem>>, vector<1x64xf32>,
    } else {
    }
    %gt3A = arith.constant 0 : i32
    %gt3A_56 = arith.cmpi sgt, %arg0, %gt3A : i32
    %convert_element_type3A_57 = arith.extui %gt3A_56 : i1 to i32
    %cond3A_58 = arith.constant 0 : i32
    %cond3A_59 = arith.cmpi ne, %convert_element_type3A_57, %cond3A_58 : i32
    scf.if %cond3A_59 {
      %get3A_72 = arith.constant 0 : index
      %get3A_73 = arith.constant 0 : index
      %get3A_74 = vector.load %arg9[%get3A_72, %get3A_73] : memref<1x64xf32, #tpu.memory_space<vmem>>, vector<1x64xf32>
      %add3A_75 = arith.addf %get3A_74, %broadcast_in_dim3A_53 : vector<1x64xf32>
      %swap3A_76 = arith.constant 0 : index
      %swap3A_77 = arith.constant 0 : index
      %swap3A_78 = vector.load %arg9[%swap3A_76, %swap3A_77] : memref<1x64xf32, #tpu.memory_space<vmem>>, vector<1x64xf32>
      tpu.vector_store %arg9[%swap3A_76, %swap3A_77], %add3A_75 {strides = array<i32>} : memref<1x64xf32, #tpu.memory_space<vmem>>, vector<1x64xf32>,
    } else {
    }
    %dot_general3A_60 = arith.constant dense<0.000000e+00> : vector<64x64xf32>
    %dot_general3A_61 = tpu.matmul %max3A_48, %max3A_48, %dot_general3A_60 {dimension_numbers = #tpu.dot_dimension_numbers<[0], [0], [1], [1], [0, 1, 1, 1], [], []>, precision = #tpu.contract_precision<fp32>, transpose_lhs_hint = false} : vector<5000x64xf32>, vector<5000x64xf32>, vector<64x64xf32> -> vector<64x64xf32>
    %eq3A_62 = arith.constant 0 : i32
    %eq3A_63 = arith.cmpi eq, %arg0, %eq3A_62 : i32
    %convert_element_type3A_64 = arith.extui %eq3A_63 : i1 to i32
    %cond3A_65 = arith.constant 0 : i32
    %cond3A_66 = arith.cmpi ne, %convert_element_type3A_64, %cond3A_65 : i32
    scf.if %cond3A_66 {
      %swap3A_72 = arith.constant 0 : index
      %swap3A_73 = arith.constant 0 : index
      %swap3A_74 = vector.load %arg10[%swap3A_72, %swap3A_73] : memref<64x64xf32, #tpu.memory_space<vmem>>, vector<64x64xf32>
      tpu.vector_store %arg10[%swap3A_72, %swap3A_73], %dot_general3A_61 {strides = array<i32>} : memref<64x64xf32, #tpu.memory_space<vmem>>, vector<64x64xf32>,
    } else {
    }
    %gt3A_67 = arith.constant 0 : i32
    %gt3A_68 = arith.cmpi sgt, %arg0, %gt3A_67 : i32
    %convert_element_type3A_69 = arith.extui %gt3A_68 : i1 to i32
    %cond3A_70 = arith.constant 0 : i32
    %cond3A_71 = arith.cmpi ne, %convert_element_type3A_69, %cond3A_70 : i32
    scf.if %cond3A_71 {
      %get3A_72 = arith.constant 0 : index
      %get3A_73 = arith.constant 0 : index
      %get3A_74 = vector.load %arg10[%get3A_72, %get3A_73] : memref<64x64xf32, #tpu.memory_space<vmem>>, vector<64x64xf32>
      %add3A_75 = arith.addf %get3A_74, %dot_general3A_61 : vector<64x64xf32>
      %swap3A_76 = arith.constant 0 : index
      %swap3A_77 = arith.constant 0 : index
      %swap3A_78 = vector.load %arg10[%swap3A_76, %swap3A_77] : memref<64x64xf32, #tpu.memory_space<vmem>>, vector<64x64xf32>
      tpu.vector_store %arg10[%swap3A_76, %swap3A_77], %add3A_75 {strides = array<i32>} : memref<64x64xf32, #tpu.memory_space<vmem>>, vector<64x64xf32>,
    } else {
    }
    return
  }
  func.func @transform_0(%arg0: i32) -> (i32, i32) {
    %c0_i32 = arith.constant 0 : i32
    %c0_i32_0 = arith.constant 0 : i32
    return %arg0, %c0_i32 : i32, i32
  }
  func.func @transform_1(%arg0: i32) -> (i32, i32) {
    %c0_i32 = arith.constant 0 : i32
    %c0_i32_0 = arith.constant 0 : i32
    %c0_i32_1 = arith.constant 0 : i32
    return %c0_i32, %c0_i32_0 : i32, i32
  }
  func.func @transform_2(%arg0: i32) -> (i32, i32) {
    %c0_i32 = arith.constant 0 : i32
    %c0_i32_0 = arith.constant 0 : i32
    %c0_i32_1 = arith.constant 0 : i32
    return %c0_i32, %c0_i32_0 : i32, i32
  }
  func.func @transform_3(%arg0: i32) -> (i32, i32) {
    %c0_i32 = arith.constant 0 : i32
    %c0_i32_0 = arith.constant 0 : i32
    %c0_i32_1 = arith.constant 0 : i32
    return %c0_i32, %c0_i32_0 : i32, i32
  }
  func.func @transform_4(%arg0: i32) -> (i32, i32) {
    %c0_i32 = arith.constant 0 : i32
    %c0_i32_0 = arith.constant 0 : i32
    %c0_i32_1 = arith.constant 0 : i32
    return %c0_i32, %c0_i32_0 : i32, i32
  }
  func.func @transform_5(%arg0: i32) -> (i32, i32) {
    %c0_i32 = arith.constant 0 : i32
    %c0_i32_0 = arith.constant 0 : i32
    %c0_i32_1 = arith.constant 0 : i32
    return %c0_i32, %c0_i32_0 : i32, i32
  }
  func.func @transform_6(%arg0: i32) -> (i32, i32) {
    %c0_i32 = arith.constant 0 : i32
    %c0_i32_0 = arith.constant 0 : i32
    %c0_i32_1 = arith.constant 0 : i32
    return %c0_i32, %c0_i32_0 : i32, i32
  }
  func.func @transform_7(%arg0: i32) -> (i32, i32) {
    %c0_i32 = arith.constant 0 : i32
    %c0_i32_0 = arith.constant 0 : i32
    return %arg0, %c0_i32 : i32, i32
  }
  func.func @transform_8(%arg0: i32) -> (i32, i32) {
    %c0_i32 = arith.constant 0 : i32
    %c0_i32_0 = arith.constant 0 : i32
    %c0_i32_1 = arith.constant 0 : i32
    return %c0_i32, %c0_i32_0 : i32, i32
  }
  func.func @transform_9(%arg0: i32) -> (i32, i32) {
    %c0_i32 = arith.constant 0 : i32
    %c0_i32_0 = arith.constant 0 : i32
    %c0_i32_1 = arith.constant 0 : i32
    return %c0_i32, %c0_i32_0 : i32, i32
  }
}

module attributes {stable_mosaic.version = 14 : i64} {
  func.func @body(%arg0: i32, %arg1: memref<5000x64xf32, #tpu.memory_space<vmem>>, %arg2: memref<1x64xf32, #tpu.memory_space<vmem>>, %arg3: memref<64x64xf32, #tpu.memory_space<vmem>>, %arg4: memref<64x64xf32, #tpu.memory_space<vmem>>, %arg5: memref<1x64xf32, #tpu.memory_space<vmem>>, %arg6: memref<1x64xf32, #tpu.memory_space<vmem>>, %arg7: memref<1x64xf32, #tpu.memory_space<vmem>>, %arg8: memref<2x5000x32xf32, #tpu.memory_space<vmem>>) attributes {dimension_semantics = [#tpu.dimension_semantics<arbitrary>], iteration_bounds = array<i64: 10>, scalar_prefetch = 0 : i64, scratch_operands = 0 : i64, tpu.core_type = #tpu.core_type<tc>, window_params = [{transform_indices = @transform_0, window_bounds = array<i64: 5000, 64>}, {pipeline_mode = #tpu.pipeline_mode<synchronous>, transform_indices = @transform_1, window_bounds = array<i64: 1, 64>}, {pipeline_mode = #tpu.pipeline_mode<synchronous>, transform_indices = @transform_2, window_bounds = array<i64: 64, 64>}, {pipeline_mode = #tpu.pipeline_mode<synchronous>, transform_indices = @transform_3, window_bounds = array<i64: 64, 64>}, {pipeline_mode = #tpu.pipeline_mode<synchronous>, transform_indices = @transform_4, window_bounds = array<i64: 1, 64>}, {pipeline_mode = #tpu.pipeline_mode<synchronous>, transform_indices = @transform_5, window_bounds = array<i64: 1, 64>}, {pipeline_mode = #tpu.pipeline_mode<synchronous>, transform_indices = @transform_6, window_bounds = array<i64: 1, 64>}, {transform_indices = @transform_7, window_bounds = array<i64: 2, 5000, 32>}]} {
    %get3A = arith.constant 0 : index
    %get3A_0 = arith.constant 0 : index
    %get3A_1 = vector.load %arg4[%get3A, %get3A_0] : memref<64x64xf32, #tpu.memory_space<vmem>>, vector<64x64xf32>
    %get3A_2 = arith.constant 0 : index
    %get3A_3 = arith.constant 0 : index
    %get3A_4 = vector.load %arg2[%get3A_2, %get3A_3] : memref<1x64xf32, #tpu.memory_space<vmem>>, vector<1x64xf32>
    %div3A = arith.constant 5.000000e+04 : f32
    %div3A_5 = vector.broadcast %div3A : f32 to vector<1x64xf32>
    %div3A_6 = arith.divf %get3A_4, %div3A_5 : vector<1x64xf32>
    %dot_general3A = arith.constant dense<0.000000e+00> : vector<1x64xf32>
    %dot_general3A_7 = tpu.matmul %div3A_6, %get3A_1, %dot_general3A {dimension_numbers = #tpu.dot_dimension_numbers<[1], [0], [0], [1], [0, 0, 1, 1], [], []>, precision = #tpu.contract_precision<fp32>, transpose_lhs_hint = false} : vector<1x64xf32>, vector<64x64xf32>, vector<1x64xf32> -> vector<1x64xf32>
    %get3A_8 = arith.constant 0 : index
    %get3A_9 = arith.constant 0 : index
    %get3A_10 = vector.load %arg3[%get3A_8, %get3A_9] : memref<64x64xf32, #tpu.memory_space<vmem>>, vector<64x64xf32>
    %div3A_11 = arith.constant 5.000000e+04 : f32
    %div3A_12 = vector.broadcast %div3A_11 : f32 to vector<64x64xf32>
    %div3A_13 = arith.divf %get3A_10, %div3A_12 : vector<64x64xf32>
    %dot_general3A_14 = arith.constant dense<0.000000e+00> : vector<64x64xf32>
    %dot_general3A_15 = tpu.matmul %div3A_13, %get3A_1, %dot_general3A_14 {dimension_numbers = #tpu.dot_dimension_numbers<[1], [0], [0], [1], [0, 0, 1, 1], [], []>, precision = #tpu.contract_precision<fp32>, transpose_lhs_hint = false} : vector<64x64xf32>, vector<64x64xf32>, vector<64x64xf32> -> vector<64x64xf32>
    %mul3A = arith.mulf %get3A_1, %dot_general3A_15 : vector<64x64xf32>
    %reduce_sum3A = arith.constant dense<0.000000e+00> : vector<64xf32>
    %reduce_sum3A_16 = vector.multi_reduction <add>, %mul3A, %reduce_sum3A [0] : vector<64x64xf32> to vector<64xf32>
    %broadcast_in_dim3A = vector.shape_cast %reduce_sum3A_16 : vector<64xf32> to vector<1x64xf32>
    %mul3A_17 = arith.mulf %dot_general3A_7, %dot_general3A_7 : vector<1x64xf32>
    %sub3A = arith.subf %broadcast_in_dim3A, %mul3A_17 : vector<1x64xf32>
    %get3A_18 = arith.constant 0 : index
    %get3A_19 = arith.constant 0 : index
    %get3A_20 = vector.load %arg6[%get3A_18, %get3A_19] : memref<1x64xf32, #tpu.memory_space<vmem>>, vector<1x64xf32>
    %add3A = arith.constant 9.99999974E-6 : f32
    %add3A_21 = vector.broadcast %add3A : f32 to vector<1x64xf32>
    %add3A_22 = arith.addf %sub3A, %add3A_21 : vector<1x64xf32>
    %sqrt3A = math.sqrt %add3A_22 : vector<1x64xf32>
    %div3A_23 = arith.divf %get3A_20, %sqrt3A : vector<1x64xf32>
    %get3A_24 = arith.constant 0 : index
    %get3A_25 = arith.constant 0 : index
    %get3A_26 = vector.load %arg5[%get3A_24, %get3A_25] : memref<1x64xf32, #tpu.memory_space<vmem>>, vector<1x64xf32>
    %add3A_27 = arith.addf %dot_general3A_7, %get3A_26 : vector<1x64xf32>
    %get3A_28 = arith.constant 0 : index
    %get3A_29 = arith.constant 0 : index
    %get3A_30 = vector.load %arg1[%get3A_28, %get3A_29] : memref<5000x64xf32, #tpu.memory_space<vmem>>, vector<5000x64xf32>
    %dot_general3A_31 = arith.constant dense<0.000000e+00> : vector<5000x64xf32>
    %dot_general3A_32 = tpu.matmul %get3A_30, %get3A_1, %dot_general3A_31 {dimension_numbers = #tpu.dot_dimension_numbers<[1], [0], [0], [1], [0, 0, 1, 1], [], []>, transpose_lhs_hint = false} : vector<5000x64xf32>, vector<64x64xf32>, vector<5000x64xf32> -> vector<5000x64xf32>
    %get3A_33 = arith.constant 0 : index
    %get3A_34 = arith.constant 0 : index
    %get3A_35 = vector.load %arg5[%get3A_33, %get3A_34] : memref<1x64xf32, #tpu.memory_space<vmem>>, vector<1x64xf32>
    %add3A_36 = vector.broadcast %get3A_35 : vector<1x64xf32> to vector<5000x64xf32>
    %add3A_37 = arith.addf %dot_general3A_32, %add3A_36 : vector<5000x64xf32>
    %sub3A_38 = vector.broadcast %add3A_27 : vector<1x64xf32> to vector<5000x64xf32>
    %sub3A_39 = arith.subf %add3A_37, %sub3A_38 : vector<5000x64xf32>
    %mul3A_40 = vector.broadcast %div3A_23 : vector<1x64xf32> to vector<5000x64xf32>
    %mul3A_41 = arith.mulf %sub3A_39, %mul3A_40 : vector<5000x64xf32>
    %get3A_42 = arith.constant 0 : index
    %get3A_43 = arith.constant 0 : index
    %get3A_44 = vector.load %arg7[%get3A_42, %get3A_43] : memref<1x64xf32, #tpu.memory_space<vmem>>, vector<1x64xf32>
    %add3A_45 = vector.broadcast %get3A_44 : vector<1x64xf32> to vector<5000x64xf32>
    %add3A_46 = arith.addf %mul3A_41, %add3A_45 : vector<5000x64xf32>
    %max3A = arith.constant 0.000000e+00 : f32
    %max3A_47 = vector.broadcast %max3A : f32 to vector<5000x64xf32>
    %max3A_48 = arith.maximumf %add3A_46, %max3A_47 : vector<5000x64xf32>
    %slice3A = vector.extract_strided_slice %max3A_48 {offsets = [0, 0], sizes = [5000, 32], strides = [1, 1]} : vector<5000x64xf32> to vector<5000x32xf32>
    %swap3A = arith.constant 0 : index
    %swap3A_49 = arith.constant 0 : index
    %swap3A_50 = arith.constant 0 : index
    %swap3A_51 = vector.load %arg8[%swap3A, %swap3A_49, %swap3A_50] : memref<2x5000x32xf32, #tpu.memory_space<vmem>>, vector<1x5000x32xf32>
    %swap3A_52 = vector.shape_cast %swap3A_51 : vector<1x5000x32xf32> to vector<5000x32xf32>
    %swap3A_53 = vector.shape_cast %slice3A : vector<5000x32xf32> to vector<1x5000x32xf32>
    tpu.vector_store %arg8[%swap3A, %swap3A_49, %swap3A_50], %swap3A_53 {strides = array<i32>} : memref<2x5000x32xf32, #tpu.memory_space<vmem>>, vector<1x5000x32xf32>,
    %slice3A_54 = vector.extract_strided_slice %max3A_48 {offsets = [0, 32], sizes = [5000, 32], strides = [1, 1]} : vector<5000x64xf32> to vector<5000x32xf32>
    %swap3A_55 = arith.constant 1 : index
    %swap3A_56 = arith.constant 0 : index
    %swap3A_57 = arith.constant 0 : index
    %swap3A_58 = vector.load %arg8[%swap3A_55, %swap3A_56, %swap3A_57] : memref<2x5000x32xf32, #tpu.memory_space<vmem>>, vector<1x5000x32xf32>
    %swap3A_59 = vector.shape_cast %swap3A_58 : vector<1x5000x32xf32> to vector<5000x32xf32>
    %swap3A_60 = vector.shape_cast %slice3A_54 : vector<5000x32xf32> to vector<1x5000x32xf32>
    tpu.vector_store %arg8[%swap3A_55, %swap3A_56, %swap3A_57], %swap3A_60 {strides = array<i32>} : memref<2x5000x32xf32, #tpu.memory_space<vmem>>, vector<1x5000x32xf32>,
    return
  }
  func.func @transform_0(%arg0: i32) -> (i32, i32) {
    %c0_i32 = arith.constant 0 : i32
    %c0_i32_0 = arith.constant 0 : i32
    return %arg0, %c0_i32 : i32, i32
  }
  func.func @transform_1(%arg0: i32) -> (i32, i32) {
    %c0_i32 = arith.constant 0 : i32
    %c0_i32_0 = arith.constant 0 : i32
    %c0_i32_1 = arith.constant 0 : i32
    return %c0_i32, %c0_i32_0 : i32, i32
  }
  func.func @transform_2(%arg0: i32) -> (i32, i32) {
    %c0_i32 = arith.constant 0 : i32
    %c0_i32_0 = arith.constant 0 : i32
    %c0_i32_1 = arith.constant 0 : i32
    return %c0_i32, %c0_i32_0 : i32, i32
  }
  func.func @transform_3(%arg0: i32) -> (i32, i32) {
    %c0_i32 = arith.constant 0 : i32
    %c0_i32_0 = arith.constant 0 : i32
    %c0_i32_1 = arith.constant 0 : i32
    return %c0_i32, %c0_i32_0 : i32, i32
  }
  func.func @transform_4(%arg0: i32) -> (i32, i32) {
    %c0_i32 = arith.constant 0 : i32
    %c0_i32_0 = arith.constant 0 : i32
    %c0_i32_1 = arith.constant 0 : i32
    return %c0_i32, %c0_i32_0 : i32, i32
  }
  func.func @transform_5(%arg0: i32) -> (i32, i32) {
    %c0_i32 = arith.constant 0 : i32
    %c0_i32_0 = arith.constant 0 : i32
    %c0_i32_1 = arith.constant 0 : i32
    return %c0_i32, %c0_i32_0 : i32, i32
  }
  func.func @transform_6(%arg0: i32) -> (i32, i32) {
    %c0_i32 = arith.constant 0 : i32
    %c0_i32_0 = arith.constant 0 : i32
    %c0_i32_1 = arith.constant 0 : i32
    return %c0_i32, %c0_i32_0 : i32, i32
  }
  func.func @transform_7(%arg0: i32) -> (i32, i32, i32) {
    %c0_i32 = arith.constant 0 : i32
    %c0_i32_0 = arith.constant 0 : i32
    %c0_i32_1 = arith.constant 0 : i32
    return %c0_i32, %arg0, %c0_i32_0 : i32, i32, i32
  }
}

module attributes {stable_mosaic.version = 14 : i64} {
  func.func @body(%arg0: i32, %arg1: memref<2x5000x32xf32, #tpu.memory_space<vmem>>, %arg2: memref<2x5000x32xf32, #tpu.memory_space<vmem>>, %arg3: memref<1x1xf32, #tpu.memory_space<vmem>>, %arg4: memref<5000x64xf32, #tpu.memory_space<vmem>>, %arg5: memref<1x64xf32, #tpu.memory_space<vmem>>, %arg6: memref<64x64xf32, #tpu.memory_space<vmem>>, %arg7: memref<1x64xf32, #tpu.memory_space<vmem>>) attributes {dimension_semantics = [#tpu.dimension_semantics<arbitrary>], iteration_bounds = array<i64: 10>, scalar_prefetch = 0 : i64, scratch_operands = 0 : i64, tpu.core_type = #tpu.core_type<tc>, window_params = [{transform_indices = @transform_0, window_bounds = array<i64: 2, 5000, 32>}, {transform_indices = @transform_1, window_bounds = array<i64: 2, 5000, 32>}, {pipeline_mode = #tpu.pipeline_mode<synchronous>, transform_indices = @transform_2, window_bounds = array<i64: 1, 1>}, {transform_indices = @transform_3, window_bounds = array<i64: 5000, 64>}, {pipeline_mode = #tpu.pipeline_mode<synchronous>, transform_indices = @transform_4, window_bounds = array<i64: 1, 64>}, {pipeline_mode = #tpu.pipeline_mode<synchronous>, transform_indices = @transform_5, window_bounds = array<i64: 64, 64>}, {pipeline_mode = #tpu.pipeline_mode<synchronous>, transform_indices = @transform_6, window_bounds = array<i64: 1, 64>}]} {
    %get3A = arith.constant 0 : index
    %get3A_0 = arith.constant 0 : index
    %get3A_1 = vector.load %arg3[%get3A, %get3A_0] : memref<1x1xf32, #tpu.memory_space<vmem>>, vector<1x1xf32>
    %get3A_2 = vector.extract %get3A_1[0, 0] : f32 from vector<1x1xf32>
    %add3A = arith.constant 1.000000e+00 : f32
    %add3A_3 = arith.addf %add3A, %get3A_2 : f32
    %get3A_4 = arith.constant 0 : index
    %get3A_5 = arith.constant 0 : index
    %get3A_6 = arith.constant 0 : index
    %get3A_7 = vector.load %arg1[%get3A_4, %get3A_5, %get3A_6] : memref<2x5000x32xf32, #tpu.memory_space<vmem>>, vector<1x5000x32xf32>
    %get3A_8 = vector.shape_cast %get3A_7 : vector<1x5000x32xf32> to vector<5000x32xf32>
    %mul3A = vector.broadcast %add3A_3 : f32 to vector<5000x32xf32>
    %mul3A_9 = arith.mulf %mul3A, %get3A_8 : vector<5000x32xf32>
    %get3A_10 = arith.constant 0 : index
    %get3A_11 = arith.constant 0 : index
    %get3A_12 = arith.constant 0 : index
    %get3A_13 = vector.load %arg2[%get3A_10, %get3A_11, %get3A_12] : memref<2x5000x32xf32, #tpu.memory_space<vmem>>, vector<1x5000x32xf32>
    %get3A_14 = vector.shape_cast %get3A_13 : vector<1x5000x32xf32> to vector<5000x32xf32>
    %add3A_15 = arith.addf %mul3A_9, %get3A_14 : vector<5000x32xf32>
    %get3A_16 = arith.constant 1 : index
    %get3A_17 = arith.constant 0 : index
    %get3A_18 = arith.constant 0 : index
    %get3A_19 = vector.load %arg1[%get3A_16, %get3A_17, %get3A_18] : memref<2x5000x32xf32, #tpu.memory_space<vmem>>, vector<1x5000x32xf32>
    %get3A_20 = vector.shape_cast %get3A_19 : vector<1x5000x32xf32> to vector<5000x32xf32>
    %mul3A_21 = vector.broadcast %add3A_3 : f32 to vector<5000x32xf32>
    %mul3A_22 = arith.mulf %mul3A_21, %get3A_20 : vector<5000x32xf32>
    %get3A_23 = arith.constant 1 : index
    %get3A_24 = arith.constant 0 : index
    %get3A_25 = arith.constant 0 : index
    %get3A_26 = vector.load %arg2[%get3A_23, %get3A_24, %get3A_25] : memref<2x5000x32xf32, #tpu.memory_space<vmem>>, vector<1x5000x32xf32>
    %get3A_27 = vector.shape_cast %get3A_26 : vector<1x5000x32xf32> to vector<5000x32xf32>
    %add3A_28 = arith.addf %mul3A_22, %get3A_27 : vector<5000x32xf32>
    %concatenate3A = tpu.concatenate %add3A_15, %add3A_28 in 1 : vector<5000x32xf32>, vector<5000x32xf32> -> vector<5000x64xf32>
    %swap3A = arith.constant 0 : index
    %swap3A_29 = arith.constant 0 : index
    %swap3A_30 = vector.load %arg4[%swap3A, %swap3A_29] : memref<5000x64xf32, #tpu.memory_space<vmem>>, vector<5000x64xf32>
    tpu.vector_store %arg4[%swap3A, %swap3A_29], %concatenate3A {strides = array<i32>} : memref<5000x64xf32, #tpu.memory_space<vmem>>, vector<5000x64xf32>,
    %reduce_sum3A = arith.constant dense<0.000000e+00> : vector<64xf32>
    %reduce_sum3A_31 = vector.multi_reduction <add>, %concatenate3A, %reduce_sum3A [0] : vector<5000x64xf32> to vector<64xf32>
    %broadcast_in_dim3A = vector.shape_cast %reduce_sum3A_31 : vector<64xf32> to vector<1x64xf32>
    %eq3A = arith.constant 0 : i32
    %eq3A_32 = arith.cmpi eq, %arg0, %eq3A : i32
    %convert_element_type3A = arith.extui %eq3A_32 : i1 to i32
    %cond3A = arith.constant 0 : i32
    %cond3A_33 = arith.cmpi ne, %convert_element_type3A, %cond3A : i32
    scf.if %cond3A_33 {
      %swap3A_76 = arith.constant 0 : index
      %swap3A_77 = arith.constant 0 : index
      %swap3A_78 = vector.load %arg5[%swap3A_76, %swap3A_77] : memref<1x64xf32, #tpu.memory_space<vmem>>, vector<1x64xf32>
      tpu.vector_store %arg5[%swap3A_76, %swap3A_77], %broadcast_in_dim3A {strides = array<i32>} : memref<1x64xf32, #tpu.memory_space<vmem>>, vector<1x64xf32>,
    } else {
    }
    %gt3A = arith.constant 0 : i32
    %gt3A_34 = arith.cmpi sgt, %arg0, %gt3A : i32
    %convert_element_type3A_35 = arith.extui %gt3A_34 : i1 to i32
    %cond3A_36 = arith.constant 0 : i32
    %cond3A_37 = arith.cmpi ne, %convert_element_type3A_35, %cond3A_36 : i32
    scf.if %cond3A_37 {
      %get3A_76 = arith.constant 0 : index
      %get3A_77 = arith.constant 0 : index
      %get3A_78 = vector.load %arg5[%get3A_76, %get3A_77] : memref<1x64xf32, #tpu.memory_space<vmem>>, vector<1x64xf32>
      %add3A_79 = arith.addf %get3A_78, %broadcast_in_dim3A : vector<1x64xf32>
      %swap3A_80 = arith.constant 0 : index
      %swap3A_81 = arith.constant 0 : index
      %swap3A_82 = vector.load %arg5[%swap3A_80, %swap3A_81] : memref<1x64xf32, #tpu.memory_space<vmem>>, vector<1x64xf32>
      tpu.vector_store %arg5[%swap3A_80, %swap3A_81], %add3A_79 {strides = array<i32>} : memref<1x64xf32, #tpu.memory_space<vmem>>, vector<1x64xf32>,
    } else {
    }
    %dot_general3A = arith.constant dense<0.000000e+00> : vector<64x64xf32>
    %dot_general3A_38 = tpu.matmul %concatenate3A, %concatenate3A, %dot_general3A {dimension_numbers = #tpu.dot_dimension_numbers<[0], [0], [1], [1], [0, 1, 1, 1], [], []>, precision = #tpu.contract_precision<fp32>, transpose_lhs_hint = false} : vector<5000x64xf32>, vector<5000x64xf32>, vector<64x64xf32> -> vector<64x64xf32>
    %eq3A_39 = arith.constant 0 : i32
    %eq3A_40 = arith.cmpi eq, %arg0, %eq3A_39 : i32
    %convert_element_type3A_41 = arith.extui %eq3A_40 : i1 to i32
    %cond3A_42 = arith.constant 0 : i32
    %cond3A_43 = arith.cmpi ne, %convert_element_type3A_41, %cond3A_42 : i32
    scf.if %cond3A_43 {
      %swap3A_76 = arith.constant 0 : index
      %swap3A_77 = arith.constant 0 : index
      %swap3A_78 = vector.load %arg6[%swap3A_76, %swap3A_77] : memref<64x64xf32, #tpu.memory_space<vmem>>, vector<64x64xf32>
      tpu.vector_store %arg6[%swap3A_76, %swap3A_77], %dot_general3A_38 {strides = array<i32>} : memref<64x64xf32, #tpu.memory_space<vmem>>, vector<64x64xf32>,
    } else {
    }
    %gt3A_44 = arith.constant 0 : i32
    %gt3A_45 = arith.cmpi sgt, %arg0, %gt3A_44 : i32
    %convert_element_type3A_46 = arith.extui %gt3A_45 : i1 to i32
    %cond3A_47 = arith.constant 0 : i32
    %cond3A_48 = arith.cmpi ne, %convert_element_type3A_46, %cond3A_47 : i32
    scf.if %cond3A_48 {
      %get3A_76 = arith.constant 0 : index
      %get3A_77 = arith.constant 0 : index
      %get3A_78 = vector.load %arg6[%get3A_76, %get3A_77] : memref<64x64xf32, #tpu.memory_space<vmem>>, vector<64x64xf32>
      %add3A_79 = arith.addf %get3A_78, %dot_general3A_38 : vector<64x64xf32>
      %swap3A_80 = arith.constant 0 : index
      %swap3A_81 = arith.constant 0 : index
      %swap3A_82 = vector.load %arg6[%swap3A_80, %swap3A_81] : memref<64x64xf32, #tpu.memory_space<vmem>>, vector<64x64xf32>
      tpu.vector_store %arg6[%swap3A_80, %swap3A_81], %add3A_79 {strides = array<i32>} : memref<64x64xf32, #tpu.memory_space<vmem>>, vector<64x64xf32>,
    } else {
    }
    %get3A_49 = arith.constant 0 : index
    %get3A_50 = arith.constant 0 : index
    %get3A_51 = arith.constant 0 : index
    %get3A_52 = vector.load %arg1[%get3A_49, %get3A_50, %get3A_51] : memref<2x5000x32xf32, #tpu.memory_space<vmem>>, vector<1x5000x32xf32>
    %get3A_53 = vector.shape_cast %get3A_52 : vector<1x5000x32xf32> to vector<5000x32xf32>
    %reduce_sum3A_54 = arith.constant dense<0.000000e+00> : vector<32xf32>
    %reduce_sum3A_55 = vector.multi_reduction <add>, %get3A_53, %reduce_sum3A_54 [0] : vector<5000x32xf32> to vector<32xf32>
    %broadcast_in_dim3A_56 = vector.shape_cast %reduce_sum3A_55 : vector<32xf32> to vector<1x32xf32>
    %get3A_57 = arith.constant 1 : index
    %get3A_58 = arith.constant 0 : index
    %get3A_59 = arith.constant 0 : index
    %get3A_60 = vector.load %arg1[%get3A_57, %get3A_58, %get3A_59] : memref<2x5000x32xf32, #tpu.memory_space<vmem>>, vector<1x5000x32xf32>
    %get3A_61 = vector.shape_cast %get3A_60 : vector<1x5000x32xf32> to vector<5000x32xf32>
    %reduce_sum3A_62 = arith.constant dense<0.000000e+00> : vector<32xf32>
    %reduce_sum3A_63 = vector.multi_reduction <add>, %get3A_61, %reduce_sum3A_62 [0] : vector<5000x32xf32> to vector<32xf32>
    %broadcast_in_dim3A_64 = vector.shape_cast %reduce_sum3A_63 : vector<32xf32> to vector<1x32xf32>
    %concatenate3A_65 = tpu.concatenate %broadcast_in_dim3A_56, %broadcast_in_dim3A_64 in 1 : vector<1x32xf32>, vector<1x32xf32> -> vector<1x64xf32>
    %eq3A_66 = arith.constant 0 : i32
    %eq3A_67 = arith.cmpi eq, %arg0, %eq3A_66 : i32
    %convert_element_type3A_68 = arith.extui %eq3A_67 : i1 to i32
    %cond3A_69 = arith.constant 0 : i32
    %cond3A_70 = arith.cmpi ne, %convert_element_type3A_68, %cond3A_69 : i32
    scf.if %cond3A_70 {
      %swap3A_76 = arith.constant 0 : index
      %swap3A_77 = arith.constant 0 : index
      %swap3A_78 = vector.load %arg7[%swap3A_76, %swap3A_77] : memref<1x64xf32, #tpu.memory_space<vmem>>, vector<1x64xf32>
      tpu.vector_store %arg7[%swap3A_76, %swap3A_77], %concatenate3A_65 {strides = array<i32>} : memref<1x64xf32, #tpu.memory_space<vmem>>, vector<1x64xf32>,
    } else {
    }
    %gt3A_71 = arith.constant 0 : i32
    %gt3A_72 = arith.cmpi sgt, %arg0, %gt3A_71 : i32
    %convert_element_type3A_73 = arith.extui %gt3A_72 : i1 to i32
    %cond3A_74 = arith.constant 0 : i32
    %cond3A_75 = arith.cmpi ne, %convert_element_type3A_73, %cond3A_74 : i32
    scf.if %cond3A_75 {
      %get3A_76 = arith.constant 0 : index
      %get3A_77 = arith.constant 0 : index
      %get3A_78 = vector.load %arg7[%get3A_76, %get3A_77] : memref<1x64xf32, #tpu.memory_space<vmem>>, vector<1x64xf32>
      %add3A_79 = arith.addf %get3A_78, %concatenate3A_65 : vector<1x64xf32>
      %swap3A_80 = arith.constant 0 : index
      %swap3A_81 = arith.constant 0 : index
      %swap3A_82 = vector.load %arg7[%swap3A_80, %swap3A_81] : memref<1x64xf32, #tpu.memory_space<vmem>>, vector<1x64xf32>
      tpu.vector_store %arg7[%swap3A_80, %swap3A_81], %add3A_79 {strides = array<i32>} : memref<1x64xf32, #tpu.memory_space<vmem>>, vector<1x64xf32>,
    } else {
    }
    return
  }
  func.func @transform_0(%arg0: i32) -> (i32, i32, i32) {
    %c0_i32 = arith.constant 0 : i32
    %c0_i32_0 = arith.constant 0 : i32
    %c0_i32_1 = arith.constant 0 : i32
    return %c0_i32, %arg0, %c0_i32_0 : i32, i32, i32
  }
  func.func @transform_1(%arg0: i32) -> (i32, i32, i32) {
    %c0_i32 = arith.constant 0 : i32
    %c0_i32_0 = arith.constant 0 : i32
    %c0_i32_1 = arith.constant 0 : i32
    return %c0_i32, %arg0, %c0_i32_0 : i32, i32, i32
  }
  func.func @transform_2(%arg0: i32) -> (i32, i32) {
    %c0_i32 = arith.constant 0 : i32
    %c0_i32_0 = arith.constant 0 : i32
    %c0_i32_1 = arith.constant 0 : i32
    return %c0_i32, %c0_i32_0 : i32, i32
  }
  func.func @transform_3(%arg0: i32) -> (i32, i32) {
    %c0_i32 = arith.constant 0 : i32
    %c0_i32_0 = arith.constant 0 : i32
    return %arg0, %c0_i32 : i32, i32
  }
  func.func @transform_4(%arg0: i32) -> (i32, i32) {
    %c0_i32 = arith.constant 0 : i32
    %c0_i32_0 = arith.constant 0 : i32
    %c0_i32_1 = arith.constant 0 : i32
    return %c0_i32, %c0_i32_0 : i32, i32
  }
  func.func @transform_5(%arg0: i32) -> (i32, i32) {
    %c0_i32 = arith.constant 0 : i32
    %c0_i32_0 = arith.constant 0 : i32
    %c0_i32_1 = arith.constant 0 : i32
    return %c0_i32, %c0_i32_0 : i32, i32
  }
  func.func @transform_6(%arg0: i32) -> (i32, i32) {
    %c0_i32 = arith.constant 0 : i32
    %c0_i32_0 = arith.constant 0 : i32
    %c0_i32_1 = arith.constant 0 : i32
    return %c0_i32, %c0_i32_0 : i32, i32
  }
}

module attributes {stable_mosaic.version = 14 : i64} {
  func.func @body(%arg0: i32, %arg1: memref<5000x64xf32, #tpu.memory_space<vmem>>, %arg2: memref<1x64xf32, #tpu.memory_space<vmem>>, %arg3: memref<64x64xf32, #tpu.memory_space<vmem>>, %arg4: memref<64x64xf32, #tpu.memory_space<vmem>>, %arg5: memref<1x64xf32, #tpu.memory_space<vmem>>, %arg6: memref<1x64xf32, #tpu.memory_space<vmem>>, %arg7: memref<1x64xf32, #tpu.memory_space<vmem>>, %arg8: memref<5000x64xf32, #tpu.memory_space<vmem>>, %arg9: memref<1x64xf32, #tpu.memory_space<vmem>>, %arg10: memref<64x64xf32, #tpu.memory_space<vmem>>) attributes {dimension_semantics = [#tpu.dimension_semantics<arbitrary>], iteration_bounds = array<i64: 10>, scalar_prefetch = 0 : i64, scratch_operands = 0 : i64, tpu.core_type = #tpu.core_type<tc>, window_params = [{transform_indices = @transform_0, window_bounds = array<i64: 5000, 64>}, {pipeline_mode = #tpu.pipeline_mode<synchronous>, transform_indices = @transform_1, window_bounds = array<i64: 1, 64>}, {pipeline_mode = #tpu.pipeline_mode<synchronous>, transform_indices = @transform_2, window_bounds = array<i64: 64, 64>}, {pipeline_mode = #tpu.pipeline_mode<synchronous>, transform_indices = @transform_3, window_bounds = array<i64: 64, 64>}, {pipeline_mode = #tpu.pipeline_mode<synchronous>, transform_indices = @transform_4, window_bounds = array<i64: 1, 64>}, {pipeline_mode = #tpu.pipeline_mode<synchronous>, transform_indices = @transform_5, window_bounds = array<i64: 1, 64>}, {pipeline_mode = #tpu.pipeline_mode<synchronous>, transform_indices = @transform_6, window_bounds = array<i64: 1, 64>}, {transform_indices = @transform_7, window_bounds = array<i64: 5000, 64>}, {pipeline_mode = #tpu.pipeline_mode<synchronous>, transform_indices = @transform_8, window_bounds = array<i64: 1, 64>}, {pipeline_mode = #tpu.pipeline_mode<synchronous>, transform_indices = @transform_9, window_bounds = array<i64: 64, 64>}]} {
    %get3A = arith.constant 0 : index
    %get3A_0 = arith.constant 0 : index
    %get3A_1 = vector.load %arg4[%get3A, %get3A_0] : memref<64x64xf32, #tpu.memory_space<vmem>>, vector<64x64xf32>
    %get3A_2 = arith.constant 0 : index
    %get3A_3 = arith.constant 0 : index
    %get3A_4 = vector.load %arg2[%get3A_2, %get3A_3] : memref<1x64xf32, #tpu.memory_space<vmem>>, vector<1x64xf32>
    %div3A = arith.constant 5.000000e+04 : f32
    %div3A_5 = vector.broadcast %div3A : f32 to vector<1x64xf32>
    %div3A_6 = arith.divf %get3A_4, %div3A_5 : vector<1x64xf32>
    %dot_general3A = arith.constant dense<0.000000e+00> : vector<1x64xf32>
    %dot_general3A_7 = tpu.matmul %div3A_6, %get3A_1, %dot_general3A {dimension_numbers = #tpu.dot_dimension_numbers<[1], [0], [0], [1], [0, 0, 1, 1], [], []>, precision = #tpu.contract_precision<fp32>, transpose_lhs_hint = false} : vector<1x64xf32>, vector<64x64xf32>, vector<1x64xf32> -> vector<1x64xf32>
    %get3A_8 = arith.constant 0 : index
    %get3A_9 = arith.constant 0 : index
    %get3A_10 = vector.load %arg3[%get3A_8, %get3A_9] : memref<64x64xf32, #tpu.memory_space<vmem>>, vector<64x64xf32>
    %div3A_11 = arith.constant 5.000000e+04 : f32
    %div3A_12 = vector.broadcast %div3A_11 : f32 to vector<64x64xf32>
    %div3A_13 = arith.divf %get3A_10, %div3A_12 : vector<64x64xf32>
    %dot_general3A_14 = arith.constant dense<0.000000e+00> : vector<64x64xf32>
    %dot_general3A_15 = tpu.matmul %div3A_13, %get3A_1, %dot_general3A_14 {dimension_numbers = #tpu.dot_dimension_numbers<[1], [0], [0], [1], [0, 0, 1, 1], [], []>, precision = #tpu.contract_precision<fp32>, transpose_lhs_hint = false} : vector<64x64xf32>, vector<64x64xf32>, vector<64x64xf32> -> vector<64x64xf32>
    %mul3A = arith.mulf %get3A_1, %dot_general3A_15 : vector<64x64xf32>
    %reduce_sum3A = arith.constant dense<0.000000e+00> : vector<64xf32>
    %reduce_sum3A_16 = vector.multi_reduction <add>, %mul3A, %reduce_sum3A [0] : vector<64x64xf32> to vector<64xf32>
    %broadcast_in_dim3A = vector.shape_cast %reduce_sum3A_16 : vector<64xf32> to vector<1x64xf32>
    %mul3A_17 = arith.mulf %dot_general3A_7, %dot_general3A_7 : vector<1x64xf32>
    %sub3A = arith.subf %broadcast_in_dim3A, %mul3A_17 : vector<1x64xf32>
    %get3A_18 = arith.constant 0 : index
    %get3A_19 = arith.constant 0 : index
    %get3A_20 = vector.load %arg6[%get3A_18, %get3A_19] : memref<1x64xf32, #tpu.memory_space<vmem>>, vector<1x64xf32>
    %add3A = arith.constant 9.99999974E-6 : f32
    %add3A_21 = vector.broadcast %add3A : f32 to vector<1x64xf32>
    %add3A_22 = arith.addf %sub3A, %add3A_21 : vector<1x64xf32>
    %sqrt3A = math.sqrt %add3A_22 : vector<1x64xf32>
    %div3A_23 = arith.divf %get3A_20, %sqrt3A : vector<1x64xf32>
    %get3A_24 = arith.constant 0 : index
    %get3A_25 = arith.constant 0 : index
    %get3A_26 = vector.load %arg5[%get3A_24, %get3A_25] : memref<1x64xf32, #tpu.memory_space<vmem>>, vector<1x64xf32>
    %add3A_27 = arith.addf %dot_general3A_7, %get3A_26 : vector<1x64xf32>
    %get3A_28 = arith.constant 0 : index
    %get3A_29 = arith.constant 0 : index
    %get3A_30 = vector.load %arg1[%get3A_28, %get3A_29] : memref<5000x64xf32, #tpu.memory_space<vmem>>, vector<5000x64xf32>
    %dot_general3A_31 = arith.constant dense<0.000000e+00> : vector<5000x64xf32>
    %dot_general3A_32 = tpu.matmul %get3A_30, %get3A_1, %dot_general3A_31 {dimension_numbers = #tpu.dot_dimension_numbers<[1], [0], [0], [1], [0, 0, 1, 1], [], []>, transpose_lhs_hint = false} : vector<5000x64xf32>, vector<64x64xf32>, vector<5000x64xf32> -> vector<5000x64xf32>
    %get3A_33 = arith.constant 0 : index
    %get3A_34 = arith.constant 0 : index
    %get3A_35 = vector.load %arg5[%get3A_33, %get3A_34] : memref<1x64xf32, #tpu.memory_space<vmem>>, vector<1x64xf32>
    %add3A_36 = vector.broadcast %get3A_35 : vector<1x64xf32> to vector<5000x64xf32>
    %add3A_37 = arith.addf %dot_general3A_32, %add3A_36 : vector<5000x64xf32>
    %sub3A_38 = vector.broadcast %add3A_27 : vector<1x64xf32> to vector<5000x64xf32>
    %sub3A_39 = arith.subf %add3A_37, %sub3A_38 : vector<5000x64xf32>
    %mul3A_40 = vector.broadcast %div3A_23 : vector<1x64xf32> to vector<5000x64xf32>
    %mul3A_41 = arith.mulf %sub3A_39, %mul3A_40 : vector<5000x64xf32>
    %get3A_42 = arith.constant 0 : index
    %get3A_43 = arith.constant 0 : index
    %get3A_44 = vector.load %arg7[%get3A_42, %get3A_43] : memref<1x64xf32, #tpu.memory_space<vmem>>, vector<1x64xf32>
    %add3A_45 = vector.broadcast %get3A_44 : vector<1x64xf32> to vector<5000x64xf32>
    %add3A_46 = arith.addf %mul3A_41, %add3A_45 : vector<5000x64xf32>
    %max3A = arith.constant 0.000000e+00 : f32
    %max3A_47 = vector.broadcast %max3A : f32 to vector<5000x64xf32>
    %max3A_48 = arith.maximumf %add3A_46, %max3A_47 : vector<5000x64xf32>
    %swap3A = arith.constant 0 : index
    %swap3A_49 = arith.constant 0 : index
    %swap3A_50 = vector.load %arg8[%swap3A, %swap3A_49] : memref<5000x64xf32, #tpu.memory_space<vmem>>, vector<5000x64xf32>
    tpu.vector_store %arg8[%swap3A, %swap3A_49], %max3A_48 {strides = array<i32>} : memref<5000x64xf32, #tpu.memory_space<vmem>>, vector<5000x64xf32>,
    %reduce_sum3A_51 = arith.constant dense<0.000000e+00> : vector<64xf32>
    %reduce_sum3A_52 = vector.multi_reduction <add>, %max3A_48, %reduce_sum3A_51 [0] : vector<5000x64xf32> to vector<64xf32>
    %broadcast_in_dim3A_53 = vector.shape_cast %reduce_sum3A_52 : vector<64xf32> to vector<1x64xf32>
    %eq3A = arith.constant 0 : i32
    %eq3A_54 = arith.cmpi eq, %arg0, %eq3A : i32
    %convert_element_type3A = arith.extui %eq3A_54 : i1 to i32
    %cond3A = arith.constant 0 : i32
    %cond3A_55 = arith.cmpi ne, %convert_element_type3A, %cond3A : i32
    scf.if %cond3A_55 {
      %swap3A_72 = arith.constant 0 : index
      %swap3A_73 = arith.constant 0 : index
      %swap3A_74 = vector.load %arg9[%swap3A_72, %swap3A_73] : memref<1x64xf32, #tpu.memory_space<vmem>>, vector<1x64xf32>
      tpu.vector_store %arg9[%swap3A_72, %swap3A_73], %broadcast_in_dim3A_53 {strides = array<i32>} : memref<1x64xf32, #tpu.memory_space<vmem>>, vector<1x64xf32>,
    } else {
    }
    %gt3A = arith.constant 0 : i32
    %gt3A_56 = arith.cmpi sgt, %arg0, %gt3A : i32
    %convert_element_type3A_57 = arith.extui %gt3A_56 : i1 to i32
    %cond3A_58 = arith.constant 0 : i32
    %cond3A_59 = arith.cmpi ne, %convert_element_type3A_57, %cond3A_58 : i32
    scf.if %cond3A_59 {
      %get3A_72 = arith.constant 0 : index
      %get3A_73 = arith.constant 0 : index
      %get3A_74 = vector.load %arg9[%get3A_72, %get3A_73] : memref<1x64xf32, #tpu.memory_space<vmem>>, vector<1x64xf32>
      %add3A_75 = arith.addf %get3A_74, %broadcast_in_dim3A_53 : vector<1x64xf32>
      %swap3A_76 = arith.constant 0 : index
      %swap3A_77 = arith.constant 0 : index
      %swap3A_78 = vector.load %arg9[%swap3A_76, %swap3A_77] : memref<1x64xf32, #tpu.memory_space<vmem>>, vector<1x64xf32>
      tpu.vector_store %arg9[%swap3A_76, %swap3A_77], %add3A_75 {strides = array<i32>} : memref<1x64xf32, #tpu.memory_space<vmem>>, vector<1x64xf32>,
    } else {
    }
    %dot_general3A_60 = arith.constant dense<0.000000e+00> : vector<64x64xf32>
    %dot_general3A_61 = tpu.matmul %max3A_48, %max3A_48, %dot_general3A_60 {dimension_numbers = #tpu.dot_dimension_numbers<[0], [0], [1], [1], [0, 1, 1, 1], [], []>, precision = #tpu.contract_precision<fp32>, transpose_lhs_hint = false} : vector<5000x64xf32>, vector<5000x64xf32>, vector<64x64xf32> -> vector<64x64xf32>
    %eq3A_62 = arith.constant 0 : i32
    %eq3A_63 = arith.cmpi eq, %arg0, %eq3A_62 : i32
    %convert_element_type3A_64 = arith.extui %eq3A_63 : i1 to i32
    %cond3A_65 = arith.constant 0 : i32
    %cond3A_66 = arith.cmpi ne, %convert_element_type3A_64, %cond3A_65 : i32
    scf.if %cond3A_66 {
      %swap3A_72 = arith.constant 0 : index
      %swap3A_73 = arith.constant 0 : index
      %swap3A_74 = vector.load %arg10[%swap3A_72, %swap3A_73] : memref<64x64xf32, #tpu.memory_space<vmem>>, vector<64x64xf32>
      tpu.vector_store %arg10[%swap3A_72, %swap3A_73], %dot_general3A_61 {strides = array<i32>} : memref<64x64xf32, #tpu.memory_space<vmem>>, vector<64x64xf32>,
    } else {
    }
    %gt3A_67 = arith.constant 0 : i32
    %gt3A_68 = arith.cmpi sgt, %arg0, %gt3A_67 : i32
    %convert_element_type3A_69 = arith.extui %gt3A_68 : i1 to i32
    %cond3A_70 = arith.constant 0 : i32
    %cond3A_71 = arith.cmpi ne, %convert_element_type3A_69, %cond3A_70 : i32
    scf.if %cond3A_71 {
      %get3A_72 = arith.constant 0 : index
      %get3A_73 = arith.constant 0 : index
      %get3A_74 = vector.load %arg10[%get3A_72, %get3A_73] : memref<64x64xf32, #tpu.memory_space<vmem>>, vector<64x64xf32>
      %add3A_75 = arith.addf %get3A_74, %dot_general3A_61 : vector<64x64xf32>
      %swap3A_76 = arith.constant 0 : index
      %swap3A_77 = arith.constant 0 : index
      %swap3A_78 = vector.load %arg10[%swap3A_76, %swap3A_77] : memref<64x64xf32, #tpu.memory_space<vmem>>, vector<64x64xf32>
      tpu.vector_store %arg10[%swap3A_76, %swap3A_77], %add3A_75 {strides = array<i32>} : memref<64x64xf32, #tpu.memory_space<vmem>>, vector<64x64xf32>,
    } else {
    }
    return
  }
  func.func @transform_0(%arg0: i32) -> (i32, i32) {
    %c0_i32 = arith.constant 0 : i32
    %c0_i32_0 = arith.constant 0 : i32
    return %arg0, %c0_i32 : i32, i32
  }
  func.func @transform_1(%arg0: i32) -> (i32, i32) {
    %c0_i32 = arith.constant 0 : i32
    %c0_i32_0 = arith.constant 0 : i32
    %c0_i32_1 = arith.constant 0 : i32
    return %c0_i32, %c0_i32_0 : i32, i32
  }
  func.func @transform_2(%arg0: i32) -> (i32, i32) {
    %c0_i32 = arith.constant 0 : i32
    %c0_i32_0 = arith.constant 0 : i32
    %c0_i32_1 = arith.constant 0 : i32
    return %c0_i32, %c0_i32_0 : i32, i32
  }
  func.func @transform_3(%arg0: i32) -> (i32, i32) {
    %c0_i32 = arith.constant 0 : i32
    %c0_i32_0 = arith.constant 0 : i32
    %c0_i32_1 = arith.constant 0 : i32
    return %c0_i32, %c0_i32_0 : i32, i32
  }
  func.func @transform_4(%arg0: i32) -> (i32, i32) {
    %c0_i32 = arith.constant 0 : i32
    %c0_i32_0 = arith.constant 0 : i32
    %c0_i32_1 = arith.constant 0 : i32
    return %c0_i32, %c0_i32_0 : i32, i32
  }
  func.func @transform_5(%arg0: i32) -> (i32, i32) {
    %c0_i32 = arith.constant 0 : i32
    %c0_i32_0 = arith.constant 0 : i32
    %c0_i32_1 = arith.constant 0 : i32
    return %c0_i32, %c0_i32_0 : i32, i32
  }
  func.func @transform_6(%arg0: i32) -> (i32, i32) {
    %c0_i32 = arith.constant 0 : i32
    %c0_i32_0 = arith.constant 0 : i32
    %c0_i32_1 = arith.constant 0 : i32
    return %c0_i32, %c0_i32_0 : i32, i32
  }
  func.func @transform_7(%arg0: i32) -> (i32, i32) {
    %c0_i32 = arith.constant 0 : i32
    %c0_i32_0 = arith.constant 0 : i32
    return %arg0, %c0_i32 : i32, i32
  }
  func.func @transform_8(%arg0: i32) -> (i32, i32) {
    %c0_i32 = arith.constant 0 : i32
    %c0_i32_0 = arith.constant 0 : i32
    %c0_i32_1 = arith.constant 0 : i32
    return %c0_i32, %c0_i32_0 : i32, i32
  }
  func.func @transform_9(%arg0: i32) -> (i32, i32) {
    %c0_i32 = arith.constant 0 : i32
    %c0_i32_0 = arith.constant 0 : i32
    %c0_i32_1 = arith.constant 0 : i32
    return %c0_i32, %c0_i32_0 : i32, i32
  }
}

module attributes {stable_mosaic.version = 14 : i64} {
  func.func @body(%arg0: i32, %arg1: memref<5000x64xf32, #tpu.memory_space<vmem>>, %arg2: memref<1x64xf32, #tpu.memory_space<vmem>>, %arg3: memref<64x64xf32, #tpu.memory_space<vmem>>, %arg4: memref<64x64xf32, #tpu.memory_space<vmem>>, %arg5: memref<1x64xf32, #tpu.memory_space<vmem>>, %arg6: memref<1x64xf32, #tpu.memory_space<vmem>>, %arg7: memref<1x64xf32, #tpu.memory_space<vmem>>, %arg8: memref<1x16xf32, #tpu.memory_space<vmem>>, %arg9: memref<1x64xf32, #tpu.memory_space<vmem>>, %arg10: memref<16x256xf32, #tpu.memory_space<vmem>>, %arg11: memref<64x256xf32, #tpu.memory_space<vmem>>, %arg12: memref<64x256xf32, #tpu.memory_space<vmem>>, %arg13: memref<1x256xf32, #tpu.memory_space<vmem>>, %arg14: memref<256x256xf32, #tpu.memory_space<vmem>>, %arg15: memref<1x256xf32, #tpu.memory_space<vmem>>, %arg16: memref<256x128xf32, #tpu.memory_space<vmem>>, %arg17: memref<1x128xf32, #tpu.memory_space<vmem>>, %arg18: memref<128x64xf32, #tpu.memory_space<vmem>>, %arg19: memref<1x64xf32, #tpu.memory_space<vmem>>, %arg20: memref<128x64xf32, #tpu.memory_space<vmem>>, %arg21: memref<1x64xf32, #tpu.memory_space<vmem>>, %arg22: memref<1x64xf32, #tpu.memory_space<vmem>>, %arg23: memref<1x64xf32, #tpu.memory_space<vmem>>, %arg24: memref<1x64xf32, #tpu.memory_space<vmem>>) attributes {dimension_semantics = [#tpu.dimension_semantics<arbitrary>], iteration_bounds = array<i64: 10>, scalar_prefetch = 0 : i64, scratch_operands = 0 : i64, tpu.core_type = #tpu.core_type<tc>, window_params = [{transform_indices = @transform_0, window_bounds = array<i64: 5000, 64>}, {pipeline_mode = #tpu.pipeline_mode<synchronous>, transform_indices = @transform_1, window_bounds = array<i64: 1, 64>}, {pipeline_mode = #tpu.pipeline_mode<synchronous>, transform_indices = @transform_2, window_bounds = array<i64: 64, 64>}, {pipeline_mode = #tpu.pipeline_mode<synchronous>, transform_indices = @transform_3, window_bounds = array<i64: 64, 64>}, {pipeline_mode = #tpu.pipeline_mode<synchronous>, transform_indices = @transform_4, window_bounds = array<i64: 1, 64>}, {pipeline_mode = #tpu.pipeline_mode<synchronous>, transform_indices = @transform_5, window_bounds = array<i64: 1, 64>}, {pipeline_mode = #tpu.pipeline_mode<synchronous>, transform_indices = @transform_6, window_bounds = array<i64: 1, 64>}, {pipeline_mode = #tpu.pipeline_mode<synchronous>, transform_indices = @transform_7, window_bounds = array<i64: 1, 16>}, {pipeline_mode = #tpu.pipeline_mode<synchronous>, transform_indices = @transform_8, window_bounds = array<i64: 1, 64>}, {pipeline_mode = #tpu.pipeline_mode<synchronous>, transform_indices = @transform_9, window_bounds = array<i64: 16, 256>}, {pipeline_mode = #tpu.pipeline_mode<synchronous>, transform_indices = @transform_10, window_bounds = array<i64: 64, 256>}, {pipeline_mode = #tpu.pipeline_mode<synchronous>, transform_indices = @transform_11, window_bounds = array<i64: 64, 256>}, {pipeline_mode = #tpu.pipeline_mode<synchronous>, transform_indices = @transform_12, window_bounds = array<i64: 1, 256>}, {pipeline_mode = #tpu.pipeline_mode<synchronous>, transform_indices = @transform_13, window_bounds = array<i64: 256, 256>}, {pipeline_mode = #tpu.pipeline_mode<synchronous>, transform_indices = @transform_14, window_bounds = array<i64: 1, 256>}, {pipeline_mode = #tpu.pipeline_mode<synchronous>, transform_indices = @transform_15, window_bounds = array<i64: 256, 128>}, {pipeline_mode = #tpu.pipeline_mode<synchronous>, transform_indices = @transform_16, window_bounds = array<i64: 1, 128>}, {pipeline_mode = #tpu.pipeline_mode<synchronous>, transform_indices = @transform_17, window_bounds = array<i64: 128, 64>}, {pipeline_mode = #tpu.pipeline_mode<synchronous>, transform_indices = @transform_18, window_bounds = array<i64: 1, 64>}, {pipeline_mode = #tpu.pipeline_mode<synchronous>, transform_indices = @transform_19, window_bounds = array<i64: 128, 64>}, {pipeline_mode = #tpu.pipeline_mode<synchronous>, transform_indices = @transform_20, window_bounds = array<i64: 1, 64>}, {pipeline_mode = #tpu.pipeline_mode<synchronous>, transform_indices = @transform_21, window_bounds = array<i64: 1, 64>}, {pipeline_mode = #tpu.pipeline_mode<synchronous>, transform_indices = @transform_22, window_bounds = array<i64: 1, 64>}, {pipeline_mode = #tpu.pipeline_mode<synchronous>, transform_indices = @transform_23, window_bounds = array<i64: 1, 64>}]} {
    %get3A = arith.constant 0 : index
    %get3A_0 = arith.constant 0 : index
    %get3A_1 = vector.load %arg4[%get3A, %get3A_0] : memref<64x64xf32, #tpu.memory_space<vmem>>, vector<64x64xf32>
    %get3A_2 = arith.constant 0 : index
    %get3A_3 = arith.constant 0 : index
    %get3A_4 = vector.load %arg2[%get3A_2, %get3A_3] : memref<1x64xf32, #tpu.memory_space<vmem>>, vector<1x64xf32>
    %div3A = arith.constant 5.000000e+04 : f32
    %div3A_5 = vector.broadcast %div3A : f32 to vector<1x64xf32>
    %div3A_6 = arith.divf %get3A_4, %div3A_5 : vector<1x64xf32>
    %dot_general3A = arith.constant dense<0.000000e+00> : vector<1x64xf32>
    %dot_general3A_7 = tpu.matmul %div3A_6, %get3A_1, %dot_general3A {dimension_numbers = #tpu.dot_dimension_numbers<[1], [0], [0], [1], [0, 0, 1, 1], [], []>, precision = #tpu.contract_precision<fp32>, transpose_lhs_hint = false} : vector<1x64xf32>, vector<64x64xf32>, vector<1x64xf32> -> vector<1x64xf32>
    %get3A_8 = arith.constant 0 : index
    %get3A_9 = arith.constant 0 : index
    %get3A_10 = vector.load %arg3[%get3A_8, %get3A_9] : memref<64x64xf32, #tpu.memory_space<vmem>>, vector<64x64xf32>
    %div3A_11 = arith.constant 5.000000e+04 : f32
    %div3A_12 = vector.broadcast %div3A_11 : f32 to vector<64x64xf32>
    %div3A_13 = arith.divf %get3A_10, %div3A_12 : vector<64x64xf32>
    %dot_general3A_14 = arith.constant dense<0.000000e+00> : vector<64x64xf32>
    %dot_general3A_15 = tpu.matmul %div3A_13, %get3A_1, %dot_general3A_14 {dimension_numbers = #tpu.dot_dimension_numbers<[1], [0], [0], [1], [0, 0, 1, 1], [], []>, precision = #tpu.contract_precision<fp32>, transpose_lhs_hint = false} : vector<64x64xf32>, vector<64x64xf32>, vector<64x64xf32> -> vector<64x64xf32>
    %mul3A = arith.mulf %get3A_1, %dot_general3A_15 : vector<64x64xf32>
    %reduce_sum3A = arith.constant dense<0.000000e+00> : vector<64xf32>
    %reduce_sum3A_16 = vector.multi_reduction <add>, %mul3A, %reduce_sum3A [0] : vector<64x64xf32> to vector<64xf32>
    %broadcast_in_dim3A = vector.shape_cast %reduce_sum3A_16 : vector<64xf32> to vector<1x64xf32>
    %mul3A_17 = arith.mulf %dot_general3A_7, %dot_general3A_7 : vector<1x64xf32>
    %sub3A = arith.subf %broadcast_in_dim3A, %mul3A_17 : vector<1x64xf32>
    %get3A_18 = arith.constant 0 : index
    %get3A_19 = arith.constant 0 : index
    %get3A_20 = vector.load %arg6[%get3A_18, %get3A_19] : memref<1x64xf32, #tpu.memory_space<vmem>>, vector<1x64xf32>
    %add3A = arith.constant 9.99999974E-6 : f32
    %add3A_21 = vector.broadcast %add3A : f32 to vector<1x64xf32>
    %add3A_22 = arith.addf %sub3A, %add3A_21 : vector<1x64xf32>
    %sqrt3A = math.sqrt %add3A_22 : vector<1x64xf32>
    %div3A_23 = arith.divf %get3A_20, %sqrt3A : vector<1x64xf32>
    %get3A_24 = arith.constant 0 : index
    %get3A_25 = arith.constant 0 : index
    %get3A_26 = vector.load %arg5[%get3A_24, %get3A_25] : memref<1x64xf32, #tpu.memory_space<vmem>>, vector<1x64xf32>
    %add3A_27 = arith.addf %dot_general3A_7, %get3A_26 : vector<1x64xf32>
    %get3A_28 = arith.constant 0 : index
    %get3A_29 = arith.constant 0 : index
    %get3A_30 = vector.load %arg1[%get3A_28, %get3A_29] : memref<5000x64xf32, #tpu.memory_space<vmem>>, vector<5000x64xf32>
    %dot_general3A_31 = arith.constant dense<0.000000e+00> : vector<5000x64xf32>
    %dot_general3A_32 = tpu.matmul %get3A_30, %get3A_1, %dot_general3A_31 {dimension_numbers = #tpu.dot_dimension_numbers<[1], [0], [0], [1], [0, 0, 1, 1], [], []>, transpose_lhs_hint = false} : vector<5000x64xf32>, vector<64x64xf32>, vector<5000x64xf32> -> vector<5000x64xf32>
    %get3A_33 = arith.constant 0 : index
    %get3A_34 = arith.constant 0 : index
    %get3A_35 = vector.load %arg5[%get3A_33, %get3A_34] : memref<1x64xf32, #tpu.memory_space<vmem>>, vector<1x64xf32>
    %add3A_36 = vector.broadcast %get3A_35 : vector<1x64xf32> to vector<5000x64xf32>
    %add3A_37 = arith.addf %dot_general3A_32, %add3A_36 : vector<5000x64xf32>
    %sub3A_38 = vector.broadcast %add3A_27 : vector<1x64xf32> to vector<5000x64xf32>
    %sub3A_39 = arith.subf %add3A_37, %sub3A_38 : vector<5000x64xf32>
    %mul3A_40 = vector.broadcast %div3A_23 : vector<1x64xf32> to vector<5000x64xf32>
    %mul3A_41 = arith.mulf %sub3A_39, %mul3A_40 : vector<5000x64xf32>
    %get3A_42 = arith.constant 0 : index
    %get3A_43 = arith.constant 0 : index
    %get3A_44 = vector.load %arg7[%get3A_42, %get3A_43] : memref<1x64xf32, #tpu.memory_space<vmem>>, vector<1x64xf32>
    %add3A_45 = vector.broadcast %get3A_44 : vector<1x64xf32> to vector<5000x64xf32>
    %add3A_46 = arith.addf %mul3A_41, %add3A_45 : vector<5000x64xf32>
    %max3A = arith.constant 0.000000e+00 : f32
    %max3A_47 = vector.broadcast %max3A : f32 to vector<5000x64xf32>
    %max3A_48 = arith.maximumf %add3A_46, %max3A_47 : vector<5000x64xf32>
    %reduce_sum3A_49 = arith.constant dense<0.000000e+00> : vector<64xf32>
    %reduce_sum3A_50 = vector.multi_reduction <add>, %max3A_48, %reduce_sum3A_49 [0] : vector<5000x64xf32> to vector<64xf32>
    %broadcast_in_dim3A_51 = vector.shape_cast %reduce_sum3A_50 : vector<64xf32> to vector<1x64xf32>
    %eq3A = arith.constant 0 : i32
    %eq3A_52 = arith.cmpi eq, %arg0, %eq3A : i32
    %convert_element_type3A = arith.extui %eq3A_52 : i1 to i32
    %cond3A = arith.constant 0 : i32
    %cond3A_53 = arith.cmpi ne, %convert_element_type3A, %cond3A : i32
    scf.if %cond3A_53 {
      %swap3A = arith.constant 0 : index
      %swap3A_63 = arith.constant 0 : index
      %swap3A_64 = vector.load %arg24[%swap3A, %swap3A_63] : memref<1x64xf32, #tpu.memory_space<vmem>>, vector<1x64xf32>
      tpu.vector_store %arg24[%swap3A, %swap3A_63], %broadcast_in_dim3A_51 {strides = array<i32>} : memref<1x64xf32, #tpu.memory_space<vmem>>, vector<1x64xf32>,
    } else {
    }
    %gt3A = arith.constant 0 : i32
    %gt3A_54 = arith.cmpi sgt, %arg0, %gt3A : i32
    %convert_element_type3A_55 = arith.extui %gt3A_54 : i1 to i32
    %cond3A_56 = arith.constant 0 : i32
    %cond3A_57 = arith.cmpi ne, %convert_element_type3A_55, %cond3A_56 : i32
    scf.if %cond3A_57 {
      %get3A_63 = arith.constant 0 : index
      %get3A_64 = arith.constant 0 : index
      %get3A_65 = vector.load %arg24[%get3A_63, %get3A_64] : memref<1x64xf32, #tpu.memory_space<vmem>>, vector<1x64xf32>
      %add3A_66 = arith.addf %get3A_65, %broadcast_in_dim3A_51 : vector<1x64xf32>
      %swap3A = arith.constant 0 : index
      %swap3A_67 = arith.constant 0 : index
      %swap3A_68 = vector.load %arg24[%swap3A, %swap3A_67] : memref<1x64xf32, #tpu.memory_space<vmem>>, vector<1x64xf32>
      tpu.vector_store %arg24[%swap3A, %swap3A_67], %add3A_66 {strides = array<i32>} : memref<1x64xf32, #tpu.memory_space<vmem>>, vector<1x64xf32>,
    } else {
    }
    %eq3A_58 = arith.constant 9 : i32
    %eq3A_59 = arith.cmpi eq, %arg0, %eq3A_58 : i32
    %convert_element_type3A_60 = arith.extui %eq3A_59 : i1 to i32
    %cond3A_61 = arith.constant 0 : i32
    %cond3A_62 = arith.cmpi ne, %convert_element_type3A_60, %cond3A_61 : i32
    scf.if %cond3A_62 {
      %get3A_63 = arith.constant 0 : index
      %get3A_64 = arith.constant 0 : index
      %get3A_65 = vector.load %arg9[%get3A_63, %get3A_64] : memref<1x64xf32, #tpu.memory_space<vmem>>, vector<1x64xf32>
      %get3A_66 = arith.constant 0 : index
      %get3A_67 = arith.constant 0 : index
      %get3A_68 = vector.load %arg8[%get3A_66, %get3A_67] : memref<1x16xf32, #tpu.memory_space<vmem>>, vector<1x16xf32>
      %get3A_69 = arith.constant 0 : index
      %get3A_70 = arith.constant 0 : index
      %get3A_71 = vector.load %arg10[%get3A_69, %get3A_70] : memref<16x256xf32, #tpu.memory_space<vmem>>, vector<16x256xf32>
      %dot_general3A_72 = arith.constant dense<0.000000e+00> : vector<1x256xf32>
      %dot_general3A_73 = tpu.matmul %get3A_68, %get3A_71, %dot_general3A_72 {dimension_numbers = #tpu.dot_dimension_numbers<[1], [0], [0], [1], [0, 0, 1, 1], [], []>, transpose_lhs_hint = false} : vector<1x16xf32>, vector<16x256xf32>, vector<1x256xf32> -> vector<1x256xf32>
      %slice3A = vector.extract_strided_slice %get3A_65 {offsets = [0, 0], sizes = [1, 32], strides = [1, 1]} : vector<1x64xf32> to vector<1x32xf32>
      %get3A_74 = arith.constant 0 : index
      %get3A_75 = arith.constant 0 : index
      %get3A_76 = vector.load %arg11[%get3A_74, %get3A_75] : memref<64x256xf32, #tpu.memory_space<vmem>>, vector<32x256xf32>
      %dot_general3A_77 = arith.constant dense<0.000000e+00> : vector<1x256xf32>
      %dot_general3A_78 = tpu.matmul %slice3A, %get3A_76, %dot_general3A_77 {dimension_numbers = #tpu.dot_dimension_numbers<[1], [0], [0], [1], [0, 0, 1, 1], [], []>, transpose_lhs_hint = false} : vector<1x32xf32>, vector<32x256xf32>, vector<1x256xf32> -> vector<1x256xf32>
      %add3A_79 = arith.addf %dot_general3A_73, %dot_general3A_78 : vector<1x256xf32>
      %slice3A_80 = vector.extract_strided_slice %get3A_65 {offsets = [0, 32], sizes = [1, 32], strides = [1, 1]} : vector<1x64xf32> to vector<1x32xf32>
      %get3A_81 = arith.constant 32 : index
      %get3A_82 = arith.constant 0 : index
      %get3A_83 = vector.load %arg11[%get3A_81, %get3A_82] : memref<64x256xf32, #tpu.memory_space<vmem>>, vector<32x256xf32>
      %dot_general3A_84 = arith.constant dense<0.000000e+00> : vector<1x256xf32>
      %dot_general3A_85 = tpu.matmul %slice3A_80, %get3A_83, %dot_general3A_84 {dimension_numbers = #tpu.dot_dimension_numbers<[1], [0], [0], [1], [0, 0, 1, 1], [], []>, transpose_lhs_hint = false} : vector<1x32xf32>, vector<32x256xf32>, vector<1x256xf32> -> vector<1x256xf32>
      %add3A_86 = arith.addf %add3A_79, %dot_general3A_85 : vector<1x256xf32>
      %get3A_87 = arith.constant 0 : index
      %get3A_88 = arith.constant 0 : index
      %get3A_89 = vector.load %arg24[%get3A_87, %get3A_88] : memref<1x64xf32, #tpu.memory_space<vmem>>, vector<1x64xf32>
      %get3A_90 = arith.constant 0 : index
      %get3A_91 = arith.constant 0 : index
      %get3A_92 = vector.load %arg12[%get3A_90, %get3A_91] : memref<64x256xf32, #tpu.memory_space<vmem>>, vector<64x256xf32>
      %dot_general3A_93 = arith.constant dense<0.000000e+00> : vector<1x256xf32>
      %dot_general3A_94 = tpu.matmul %get3A_89, %get3A_92, %dot_general3A_93 {dimension_numbers = #tpu.dot_dimension_numbers<[1], [0], [0], [1], [0, 0, 1, 1], [], []>, transpose_lhs_hint = false} : vector<1x64xf32>, vector<64x256xf32>, vector<1x256xf32> -> vector<1x256xf32>
      %add3A_95 = arith.addf %add3A_86, %dot_general3A_94 : vector<1x256xf32>
      %get3A_96 = arith.constant 0 : index
      %get3A_97 = arith.constant 0 : index
      %get3A_98 = vector.load %arg13[%get3A_96, %get3A_97] : memref<1x256xf32, #tpu.memory_space<vmem>>, vector<1x256xf32>
      %add3A_99 = arith.addf %add3A_95, %get3A_98 : vector<1x256xf32>
      %get3A_100 = arith.constant 0 : index
      %get3A_101 = arith.constant 0 : index
      %get3A_102 = vector.load %arg14[%get3A_100, %get3A_101] : memref<256x256xf32, #tpu.memory_space<vmem>>, vector<256x256xf32>
      %dot_general3A_103 = arith.constant dense<0.000000e+00> : vector<1x256xf32>
      %dot_general3A_104 = tpu.matmul %add3A_99, %get3A_102, %dot_general3A_103 {dimension_numbers = #tpu.dot_dimension_numbers<[1], [0], [0], [1], [0, 0, 1, 1], [], []>, transpose_lhs_hint = false} : vector<1x256xf32>, vector<256x256xf32>, vector<1x256xf32> -> vector<1x256xf32>
      %get3A_105 = arith.constant 0 : index
      %get3A_106 = arith.constant 0 : index
      %get3A_107 = vector.load %arg15[%get3A_105, %get3A_106] : memref<1x256xf32, #tpu.memory_space<vmem>>, vector<1x256xf32>
      %add3A_108 = arith.addf %dot_general3A_104, %get3A_107 : vector<1x256xf32>
      %max3A_109 = arith.constant 0.000000e+00 : f32
      %max3A_110 = vector.broadcast %max3A_109 : f32 to vector<1x256xf32>
      %max3A_111 = arith.maximumf %add3A_108, %max3A_110 : vector<1x256xf32>
      %get3A_112 = arith.constant 0 : index
      %get3A_113 = arith.constant 0 : index
      %get3A_114 = vector.load %arg16[%get3A_112, %get3A_113] : memref<256x128xf32, #tpu.memory_space<vmem>>, vector<256x128xf32>
      %dot_general3A_115 = arith.constant dense<0.000000e+00> : vector<1x128xf32>
      %dot_general3A_116 = tpu.matmul %max3A_111, %get3A_114, %dot_general3A_115 {dimension_numbers = #tpu.dot_dimension_numbers<[1], [0], [0], [1], [0, 0, 1, 1], [], []>, transpose_lhs_hint = false} : vector<1x256xf32>, vector<256x128xf32>, vector<1x128xf32> -> vector<1x128xf32>
      %get3A_117 = arith.constant 0 : index
      %get3A_118 = arith.constant 0 : index
      %get3A_119 = vector.load %arg17[%get3A_117, %get3A_118] : memref<1x128xf32, #tpu.memory_space<vmem>>, vector<1x128xf32>
      %add3A_120 = arith.addf %dot_general3A_116, %get3A_119 : vector<1x128xf32>
      %max3A_121 = arith.constant 0.000000e+00 : f32
      %max3A_122 = vector.broadcast %max3A_121 : f32 to vector<1x128xf32>
      %max3A_123 = arith.maximumf %add3A_120, %max3A_122 : vector<1x128xf32>
      %get3A_124 = arith.constant 0 : index
      %get3A_125 = arith.constant 0 : index
      %get3A_126 = vector.load %arg18[%get3A_124, %get3A_125] : memref<128x64xf32, #tpu.memory_space<vmem>>, vector<128x64xf32>
      %dot_general3A_127 = arith.constant dense<0.000000e+00> : vector<1x64xf32>
      %dot_general3A_128 = tpu.matmul %max3A_123, %get3A_126, %dot_general3A_127 {dimension_numbers = #tpu.dot_dimension_numbers<[1], [0], [0], [1], [0, 0, 1, 1], [], []>, transpose_lhs_hint = false} : vector<1x128xf32>, vector<128x64xf32>, vector<1x64xf32> -> vector<1x64xf32>
      %get3A_129 = arith.constant 0 : index
      %get3A_130 = arith.constant 0 : index
      %get3A_131 = vector.load %arg19[%get3A_129, %get3A_130] : memref<1x64xf32, #tpu.memory_space<vmem>>, vector<1x64xf32>
      %add3A_132 = arith.addf %dot_general3A_128, %get3A_131 : vector<1x64xf32>
      %swap3A = arith.constant 0 : index
      %swap3A_133 = arith.constant 0 : index
      %swap3A_134 = vector.load %arg22[%swap3A, %swap3A_133] : memref<1x64xf32, #tpu.memory_space<vmem>>, vector<1x64xf32>
      tpu.vector_store %arg22[%swap3A, %swap3A_133], %add3A_132 {strides = array<i32>} : memref<1x64xf32, #tpu.memory_space<vmem>>, vector<1x64xf32>,
      %get3A_135 = arith.constant 0 : index
      %get3A_136 = arith.constant 0 : index
      %get3A_137 = vector.load %arg20[%get3A_135, %get3A_136] : memref<128x64xf32, #tpu.memory_space<vmem>>, vector<128x64xf32>
      %dot_general3A_138 = arith.constant dense<0.000000e+00> : vector<1x64xf32>
      %dot_general3A_139 = tpu.matmul %max3A_123, %get3A_137, %dot_general3A_138 {dimension_numbers = #tpu.dot_dimension_numbers<[1], [0], [0], [1], [0, 0, 1, 1], [], []>, transpose_lhs_hint = false} : vector<1x128xf32>, vector<128x64xf32>, vector<1x64xf32> -> vector<1x64xf32>
      %get3A_140 = arith.constant 0 : index
      %get3A_141 = arith.constant 0 : index
      %get3A_142 = vector.load %arg21[%get3A_140, %get3A_141] : memref<1x64xf32, #tpu.memory_space<vmem>>, vector<1x64xf32>
      %add3A_143 = arith.addf %dot_general3A_139, %get3A_142 : vector<1x64xf32>
      %swap3A_144 = arith.constant 0 : index
      %swap3A_145 = arith.constant 0 : index
      %swap3A_146 = vector.load %arg23[%swap3A_144, %swap3A_145] : memref<1x64xf32, #tpu.memory_space<vmem>>, vector<1x64xf32>
      tpu.vector_store %arg23[%swap3A_144, %swap3A_145], %add3A_143 {strides = array<i32>} : memref<1x64xf32, #tpu.memory_space<vmem>>, vector<1x64xf32>,
    } else {
    }
    return
  }
  func.func @transform_0(%arg0: i32) -> (i32, i32) {
    %c0_i32 = arith.constant 0 : i32
    %c0_i32_0 = arith.constant 0 : i32
    return %arg0, %c0_i32 : i32, i32
  }
  func.func @transform_1(%arg0: i32) -> (i32, i32) {
    %c0_i32 = arith.constant 0 : i32
    %c0_i32_0 = arith.constant 0 : i32
    %c0_i32_1 = arith.constant 0 : i32
    return %c0_i32, %c0_i32_0 : i32, i32
  }
  func.func @transform_2(%arg0: i32) -> (i32, i32) {
    %c0_i32 = arith.constant 0 : i32
    %c0_i32_0 = arith.constant 0 : i32
    %c0_i32_1 = arith.constant 0 : i32
    return %c0_i32, %c0_i32_0 : i32, i32
  }
  func.func @transform_3(%arg0: i32) -> (i32, i32) {
    %c0_i32 = arith.constant 0 : i32
    %c0_i32_0 = arith.constant 0 : i32
    %c0_i32_1 = arith.constant 0 : i32
    return %c0_i32, %c0_i32_0 : i32, i32
  }
  func.func @transform_4(%arg0: i32) -> (i32, i32) {
    %c0_i32 = arith.constant 0 : i32
    %c0_i32_0 = arith.constant 0 : i32
    %c0_i32_1 = arith.constant 0 : i32
    return %c0_i32, %c0_i32_0 : i32, i32
  }
  func.func @transform_5(%arg0: i32) -> (i32, i32) {
    %c0_i32 = arith.constant 0 : i32
    %c0_i32_0 = arith.constant 0 : i32
    %c0_i32_1 = arith.constant 0 : i32
    return %c0_i32, %c0_i32_0 : i32, i32
  }
  func.func @transform_6(%arg0: i32) -> (i32, i32) {
    %c0_i32 = arith.constant 0 : i32
    %c0_i32_0 = arith.constant 0 : i32
    %c0_i32_1 = arith.constant 0 : i32
    return %c0_i32, %c0_i32_0 : i32, i32
  }
  func.func @transform_7(%arg0: i32) -> (i32, i32) {
    %c0_i32 = arith.constant 0 : i32
    %c0_i32_0 = arith.constant 0 : i32
    %c0_i32_1 = arith.constant 0 : i32
    return %c0_i32, %c0_i32_0 : i32, i32
  }
  func.func @transform_8(%arg0: i32) -> (i32, i32) {
    %c0_i32 = arith.constant 0 : i32
    %c0_i32_0 = arith.constant 0 : i32
    %c0_i32_1 = arith.constant 0 : i32
    return %c0_i32, %c0_i32_0 : i32, i32
  }
  func.func @transform_9(%arg0: i32) -> (i32, i32) {
    %c0_i32 = arith.constant 0 : i32
    %c0_i32_0 = arith.constant 0 : i32
    %c0_i32_1 = arith.constant 0 : i32
    return %c0_i32, %c0_i32_0 : i32, i32
  }
  func.func @transform_10(%arg0: i32) -> (i32, i32) {
    %c0_i32 = arith.constant 0 : i32
    %c0_i32_0 = arith.constant 0 : i32
    %c0_i32_1 = arith.constant 0 : i32
    return %c0_i32, %c0_i32_0 : i32, i32
  }
  func.func @transform_11(%arg0: i32) -> (i32, i32) {
    %c0_i32 = arith.constant 0 : i32
    %c0_i32_0 = arith.constant 0 : i32
    %c0_i32_1 = arith.constant 0 : i32
    return %c0_i32, %c0_i32_0 : i32, i32
  }
  func.func @transform_12(%arg0: i32) -> (i32, i32) {
    %c0_i32 = arith.constant 0 : i32
    %c0_i32_0 = arith.constant 0 : i32
    %c0_i32_1 = arith.constant 0 : i32
    return %c0_i32, %c0_i32_0 : i32, i32
  }
  func.func @transform_13(%arg0: i32) -> (i32, i32) {
    %c0_i32 = arith.constant 0 : i32
    %c0_i32_0 = arith.constant 0 : i32
    %c0_i32_1 = arith.constant 0 : i32
    return %c0_i32, %c0_i32_0 : i32, i32
  }
  func.func @transform_14(%arg0: i32) -> (i32, i32) {
    %c0_i32 = arith.constant 0 : i32
    %c0_i32_0 = arith.constant 0 : i32
    %c0_i32_1 = arith.constant 0 : i32
    return %c0_i32, %c0_i32_0 : i32, i32
  }
  func.func @transform_15(%arg0: i32) -> (i32, i32) {
    %c0_i32 = arith.constant 0 : i32
    %c0_i32_0 = arith.constant 0 : i32
    %c0_i32_1 = arith.constant 0 : i32
    return %c0_i32, %c0_i32_0 : i32, i32
  }
  func.func @transform_16(%arg0: i32) -> (i32, i32) {
    %c0_i32 = arith.constant 0 : i32
    %c0_i32_0 = arith.constant 0 : i32
    %c0_i32_1 = arith.constant 0 : i32
    return %c0_i32, %c0_i32_0 : i32, i32
  }
  func.func @transform_17(%arg0: i32) -> (i32, i32) {
    %c0_i32 = arith.constant 0 : i32
    %c0_i32_0 = arith.constant 0 : i32
    %c0_i32_1 = arith.constant 0 : i32
    return %c0_i32, %c0_i32_0 : i32, i32
  }
  func.func @transform_18(%arg0: i32) -> (i32, i32) {
    %c0_i32 = arith.constant 0 : i32
    %c0_i32_0 = arith.constant 0 : i32
    %c0_i32_1 = arith.constant 0 : i32
    return %c0_i32, %c0_i32_0 : i32, i32
  }
  func.func @transform_19(%arg0: i32) -> (i32, i32) {
    %c0_i32 = arith.constant 0 : i32
    %c0_i32_0 = arith.constant 0 : i32
    %c0_i32_1 = arith.constant 0 : i32
    return %c0_i32, %c0_i32_0 : i32, i32
  }
  func.func @transform_20(%arg0: i32) -> (i32, i32) {
    %c0_i32 = arith.constant 0 : i32
    %c0_i32_0 = arith.constant 0 : i32
    %c0_i32_1 = arith.constant 0 : i32
    return %c0_i32, %c0_i32_0 : i32, i32
  }
  func.func @transform_21(%arg0: i32) -> (i32, i32) {
    %c0_i32 = arith.constant 0 : i32
    %c0_i32_0 = arith.constant 0 : i32
    %c0_i32_1 = arith.constant 0 : i32
    return %c0_i32, %c0_i32_0 : i32, i32
  }
  func.func @transform_22(%arg0: i32) -> (i32, i32) {
    %c0_i32 = arith.constant 0 : i32
    %c0_i32_0 = arith.constant 0 : i32
    %c0_i32_1 = arith.constant 0 : i32
    return %c0_i32, %c0_i32_0 : i32, i32
  }
  func.func @transform_23(%arg0: i32) -> (i32, i32) {
    %c0_i32 = arith.constant 0 : i32
    %c0_i32_0 = arith.constant 0 : i32
    %c0_i32_1 = arith.constant 0 : i32
    return %c0_i32, %c0_i32_0 : i32, i32
  }
}

</mosaic_0001>

<sc_bundles>
// kernel: gather_offload_async_start.1
scs
__scs_entry_jumppad:
0x0: {  	(pc) =	sbr.rel $0x88, $3  }
0x1: {  	(tag) =	ssettag $0x0;
	lr =	simm.s32 $0x1  }
0x2: {  	[smem:$0x3F7F] =	sst lr;
	_ =	strace $0xD0000000  }
0x3: {  	_ = 	snop  }
0x4: {  	_ = 	snop  }
0x5: {  	_ = 	snop  }
0x6: {  	_ = 	snop  }
0x7: {  	_ = 	snop  }
__scs_overlays_trampoline_lowered:
0x8: {  	[smem:$0x3F8E] =	sst s0  }
0x9: {  	[smem:$0x3F8F] =	sst s1  }
0xa: {  	[smem:$0x3F90] =	sst s2  }
0xb: {  	[smem:$0x3F91] =	sst s3  }
0xc: {  	[smem:$0x3F92] =	sst s4  }
0xd: {  	[smem:$0x3F93] =	sst s5  }
0xe: {  	[smem:$0x3F94] =	sst s6  }
0xf: {  	[smem:$0x3F95] =	sst s7  }
0x10: {  	[smem:$0x3F96] =	sst s8  }
0x11: {  	[smem:$0x3F97] =	sst s9;
	s0 =	simm.s32 @!p0 $0x0  }
0x12: {  	s1 =	sld [smem:$0x3F7D];
	s0 =	simm.s32 @p0 $0x1  }
0x13: {  	[smem:$0x3F98] =	sst s0;
	s0 =	simm.s32 @!p1 $0x0  }
0x14: {  	s2 =	sld [smem:$0x3F7C];
	s0 =	simm.s32 @p1 $0x1  }
0x15: {  	[smem:$0x3F99] =	sst s0;
	s0 =	simm.s32 @!p2 $0x0  }
0x16: {  	s3 =	sld [smem:$0x3FDB];
	s0 =	simm.s32 @p2 $0x1  }
0x17: {  	s4 =	simm.s32 $0x1BF5;
	[smem:$0x3F9B] =	sst s0  }
0x18: {  	s0 =	sld [smem:$0x3F7E];
	_ =	swait.ge [sflag:s4], $0x0  }
0x19: {  	s7 =	sld [smem:$0x3F7F]  }
0x1a: {  	s8 =	sadd.s32 $0xFFFFE003, lr  }
0x1b: {  	s9 =	sadd.s32 $0xFFFFFEF7, lr;
	s5 =	simm.s32 $0xFFFFFFFF;
	p2 =	slt.u32 s8, $0xFFFFF086  }
0x1c: {  	p1 =	slt.u32 s9, $0xF7A;
	s5 =	simm.s32 @!p2 $0x0  }
0x1d: {  	s5 =	simm.s32 @p1 $0x1;
	p0 =	seq.s32 s7, s2  }
0x1e: {  	s7 =	smul.u32 @!p0 $0xF7A, s2;
	p2 =	seq.s32 @!p0 s5, $0x0  }
0x1f: {  	s9 =	smul.u32 $0xF7A, s1;
	s8 =	simm.s32 @!p0 $0x1BF5;
	p2 =	por !p2, p0  }
0x20: {  	[sflag:s8] =	ssyncset.s32 @!p0 $0xFFFFF086;
	s6 =	sadd.s32 @!p0 s3, s7;
	s7 =	simm.s32 @!p0 $0x108  }
0x21: {  	s3 =	sadd.s32 s3, s9;
	s6 =	sadd.s32 @!p0 $0x88, s6;
	s7 =	simm.s32 @p2 $0x1082  }
0x22: {  	[simem:s7], [sflag:s8] =	dma.local @!p0 [hbm:s6], $0xF7A  }
0x23: {  	s9 =	sor.u32 $0xD0000000, s2;
	s6 =	simm.s32 $0x108;
	_ =	swait.ge @!p0 [sflag:s8], $0x0  }
0x24: {  	s3 =	sadd.s32 $0x88, s3;
	s6 =	simm.s32 @!p1 $0x1082;
	[sflag:s4] =	ssyncset.s32 $0xFFFFF086  }
0x25: {  	[simem:s6], [sflag:s4] =	dma.local [hbm:s3], $0xF7A  }
0x26: {  	[smem:$0x3F7F] =	sst s1;
	(tag) =	ssettag s2;
	_ =	strace s9  }
0x27: {  	s1 =	sld [smem:$0x3F8F]  }
0x28: {  	s2 =	sld [smem:$0x3F90]  }
0x29: {  	s4 =	sld [smem:$0x3F92]  }
0x2a: {  	p0 =	seq.s32 s5, $0x0;
	s5 =	sld [smem:$0x3F93]  }
0x2b: {  	s6 =	sld [smem:$0x3F94]  }
0x2c: {  	s7 =	sld [smem:$0x3F95]  }
0x2d: {  	s3 =	simm.s32 $0x108;
	s8 =	sld [smem:$0x3F96]  }
0x2e: {  	s3 =	simm.s32 @!p0 $0x1082;
	s9 =	sld [smem:$0x3F97]  }
0x2f: {  	lr =	sadd.s32 s0, s3;
	s0 =	sld [smem:$0x3F8E]  }
0x30: {  	s3 =	sld [smem:$0x3F91]  }
0x31: {  	[smem:$0x3F9A] =	sst s10  }
0x32: {  	s10 =	sld [smem:$0x3F98];
	_ =	sdelay $0x3  }
0x33: {  	p0 =	seq.s32 s10, $0x1;
	s10 =	sld [smem:$0x3F9A];
	_ =	sdelay $0x3  }
0x34: {  	[smem:$0x3F9A] =	sst s10  }
0x35: {  	s10 =	sld [smem:$0x3F99];
	_ =	sdelay $0x3  }
0x36: {  	p1 =	seq.s32 s10, $0x1;
	s10 =	sld [smem:$0x3F9A];
	_ =	sdelay $0x3  }
0x37: {  	[smem:$0x3F9A] =	sst s10  }
0x38: {  	s10 =	sld [smem:$0x3F9B]  }
0x39: {  	_ = 	snop;
	(pc) =	sbr.ind lr, $3  }
0x3a: {  	_ = 	snop  }
0x3b: {  	_ = 	snop  }
0x3c: {  	p2 =	seq.s32 s10, $0x1;
	s10 =	sld [smem:$0x3F9A]  }
0x3d: {  	_ =	shalt  }
0x3e: {  	_ =	shalt  }
0x3f: {  	_ =	shalt  }
0x40: {  	_ =	shalt  }
0x41: {  	_ =	shalt  }
0x42: {  	_ =	shalt  }
0x43: {  	_ =	shalt  }
0x44: {  	_ =	shalt  }
0x45: {  	_ =	shalt  }
0x46: {  	_ =	shalt  }
0x47: {  	_ =	shalt  }
0x48: {  	_ =	shalt  }
0x49: {  	_ =	shalt  }
0x4a: {  	_ =	shalt  }
0x4b: {  	_ =	shalt  }
0x4c: {  	_ =	shalt  }
0x4d: {  	_ =	shalt  }
0x4e: {  	_ =	shalt  }
0x4f: {  	_ =	shalt  }
0x50: {  	_ =	shalt  }
0x51: {  	_ =	shalt  }
0x52: {  	_ =	shalt  }
0x53: {  	_ =	shalt  }
0x54: {  	_ =	shalt  }
0x55: {  	_ =	shalt  }
0x56: {  	_ =	shalt  }
0x57: {  	_ =	shalt  }
0x58: {  	_ =	shalt  }
0x59: {  	_ =	shalt  }
0x5a: {  	_ =	shalt  }
0x5b: {  	_ =	shalt  }
0x5c: {  	_ =	shalt  }
0x5d: {  	_ =	shalt  }
0x5e: {  	_ =	shalt  }
0x5f: {  	_ =	shalt  }
0x60: {  	_ =	shalt  }
0x61: {  	_ =	shalt  }
0x62: {  	_ =	shalt  }
0x63: {  	_ =	shalt  }
0x64: {  	_ =	shalt  }
0x65: {  	_ =	shalt  }
0x66: {  	_ =	shalt  }
0x67: {  	_ =	shalt  }
0x68: {  	_ =	shalt  }
0x69: {  	_ =	shalt  }
0x6a: {  	_ =	shalt  }
0x6b: {  	_ =	shalt  }
0x6c: {  	_ =	shalt  }
0x6d: {  	_ =	shalt  }
0x6e: {  	_ =	shalt  }
0x6f: {  	_ =	shalt  }
0x70: {  	_ =	shalt  }
0x71: {  	_ =	shalt  }
0x72: {  	_ =	shalt  }
0x73: {  	_ =	shalt  }
0x74: {  	_ =	shalt  }
0x75: {  	_ =	shalt  }
0x76: {  	_ =	shalt  }
0x77: {  	_ =	shalt  }
0x78: {  	_ =	shalt  }
0x79: {  	_ =	shalt  }
0x7a: {  	_ =	shalt  }
0x7b: {  	_ =	shalt  }
0x7c: {  	_ =	shalt  }
0x7d: {  	_ =	shalt  }
0x7e: {  	_ =	shalt  }
0x7f: {  	_ =	shalt  }
0x80: {  	_ =	shalt  }
0x81: {  	_ =	shalt  }
0x82: {  	_ =	shalt  }
0x83: {  	_ =	shalt  }
0x84: {  	_ =	shalt  }
0x85: {  	_ =	shalt  }
0x86: {  	_ =	shalt  }
0x87: {  	_ =	shalt  }
.Lfunc_end0:
.L_simem_size_0:
called_computation.1_lowered:
.L_overlay_start_0:
0x88: {  	s2 =	sld [smem:$0x3FD9]  }
0x89: {  	s3 =	sld [smem:$0x3FFE];
	_ =	sdelay $0x1  }
0x8a: {  	s1 =	srdreg.scid  }
0x8b: {  	s0 =	sand.u32 $0x1, s1  }
0x8c: {  	s16 =	sshll.u32 s0, $0xA;
	s2 =	sadd.s32 s3, s2  }
0x8d: {  	s2 =	sadd.s32 s2, s16  }
0x8e: {  	[smem:$0x3FA6] =	sst s2  }
0x8f: {  	_ = 	snop  }
0x90: {  	(tm) =	ssettm $0x1  }
0x91: {  	s17 =	sld [smem:$0x3FFB];
	_ =	sdelay $0x3  }
0x92: {  	_ =	strace s17  }
0x93: {  	s2 =	sld [smem:$0x3FFC];
	_ =	sdelay $0x3  }
0x94: {  	_ =	strace s2  }
0x95: {  	s2 =	sld [smem:$0x3FFD];
	_ =	sdelay $0x3  }
0x96: {  	_ =	strace s2  }
0x97: {  	_ =	strace $0x8FFFFFFF  }
0x98: {  	s18 =	sld [smem:$0x3FDB];
	_ =	sdelay $0x1  }
0x99: {  	s19 =	simm.s32 $_scs_section_size  }
0x9a: {  	s4 =	simm.s32 $_size__tile_overlayer_lowered;
	s5 =	simm.s32 $_tile_overlayer_lowered  }
0x9b: {  	s22 =	simm.s32 $0x1BFF;
	s21 =	sshll.u32 s5, $0x1;
	s2 =	sadd.s32 s19, s18  }
0x9c: {  	s6 =	simm.s32 $0x0;
	s20 =	sshll.u32 s4, $0x1;
	s4 =	sadd.s32 s21, s2  }
0x9d: {  	[timem:s6], [sflag:s22] =	dma.local [hbm:s4], s20  }
0x9e: {  	_ =	swait.ge [sflag:s22], s20  }
0x9f: {  	s3 =	ssub.s32 $0x0, s20;
	[sflag:s22] =	ssyncset.done $0x0  }
0xa0: {  	[sflag:s22] =	ssyncadd.s32 s3;
	_ =	sdelay $0x1  }
0xa1: {  	s23 =	simm.s32 $0x1B8B  }
0xa2: {  	_ =	swait.ge [sflag:s23], $0x1  }
0xa3: {  	[sflag:s23] =	ssyncset.done $0x0  }
0xa4: {  	s25 =	simm.s32 $0x1B8E;
	s24 =	sld [smem:$0x3FFE];
	[sflag:s23] =	ssyncadd.s32 $0xFFFFFFFF  }
0xa5: {  	s26 =	simm.s32 $execute0_lowered;
	[smem:$0x3FD2] =	sst s25  }
0xa6: {  	s4 =	sshll.u32 s26, $0x1;
	_ =	strace $0x80000046;
	[dreg:$0x1] =	wrdreg $0xFFFFFFFF  }
0xa7: {  	s28 =	simm.s32 $_size_execute0_lowered;
	s2 =	sadd.s32 s2, s4;
	[dreg:$0x0] =	wrdreg $0x0  }
0xa8: {  	s4 =	sshll.u32 s28, $0x1;
	[dreg:$0x2] =	wrdreg s2  }
0xa9: {  	[dreg:$0x3] =	wrdreg s4  }
0xaa: {  	[dreg:$0x4] =	wrdreg $0xC0  }
0xab: {  	_ =	task [dreg:s6], $0x5FFFF  }
0xac: {  	[dreg:$0x1] =	wrdreg $0xFFFFFFFF  }
0xad: {  	[dreg:$0x0] =	wrdreg $0x60  }
0xae: {  	[dreg:$0x2] =	wrdreg s24  }
0xaf: {  	[dreg:$0x3] =	wrdreg $0xA  }
0xb0: {  	_ =	task.clear_ibuf [dreg:s6], $0x4FFFF;
	_ =	strace $0x90000046  }
0xb1: {  	s29 =	simm.s32 $0xA;
	_ =	strace $0x80000048  }
0xb2: {  	_ =	swait.ge [sflag:s29], $0x1  }
0xb3: {  	[sflag:s29] =	ssyncadd.s32 $0xFFFFFFFF  }
0xb4: {  	_ =	strace $0x90000048  }
0xb5: {  	_ =	sfence  }
0xb6: {  	s30 =	sld [smem:$0x0];
	_ =	sdelay $0x2  }
0xb7: {  	s31 =	sshll.u32 s1, $0xD;
	s1 =	sshrl.u32 s1, $0x2  }
0xb8: {  	s3 =	sand.u32 $0x4000, s31;
	s1 =	sadd.s32 s1, s30  }
0xb9: {  	s0 =	sor.u32 s3, s0;
	s1 =	sshll.u32 s1, $0x11  }
0xba: {  	s0 =	sor.u32 s1, s0  }
0xbb: {  	s0 =	sadd.s32 $0x8F2B, s0  }
0xbc: {  	[sflag:s0] =	ssyncadd.remote.s32 $0x1  }
0xbd: {  	_ =	sfence.sel $0xFFFF  }
0xbe: {  	[dreg:$0x0] =	wrdreg $0xFFFFFFFF;
	(pc) =	sbr.abs _section_cstart, $3  }
0xbf: {  	[dreg:$0x1] =	wrdreg $0xFFFFFFFF  }
0xc0: {  	_ =	task.clear_ibuf [dreg:s6], $0x2FFFF;
	_ =	strace $0x9FFFFFFF  }
0xc1: {  	(tm) =	ssettm $0x7FFFFFFF  }
tec
execute0_lowered:
.L_overlay_start_1:
0x0: {  	(tag) =	ssettag $0x1  }
0x1: {  	s0 =	srdreg.scid  }
0x2: {  	s1 =	sshll.u32 s0, $0x4  }
0x3: {  	s0 =	stileid.u32;
	s1 =	sand.u32 $0x10, s1  }
0x4: {  	s1 =	sor.u32 s0, s1  }
0x5: {  	s2 =	smin.u32 s1, $0x8  }
0x6: {  	s2 =	sadd.s32 s1, s2  }
0x7: {  	p0 =	slt.u32 s1, $0x8;
	s1 =	simm.s32 $0x140;
	s2 =	smul.u32 $0xA0, s2  }
0x8: {  	s1 =	simm.s32 @!p0 $0xA0  }
0x9: {  	s1 =	sadd.s32 s1, s2  }
0xa: {  	s3 =	smin.u32 s1, $0x1900  }
0xb: {  	s7 =	ssub.s32 s3, s2  }
0xc: {  	p0 =	sgt.s32 s7, $0x0  }
0xd: {  	s7 =	simm.s32 @!p0 $0x0  }
0xe: {  	s31 =	smul.u32 $0xCCCD, s7  }
0xf: {  	s9 =	rddreg [dreg:$0x0];
	s6 =	simm.s32 $0x1;
	s11 =	simm.s32 $0x3  }
0x10: {  	s13 =	simm.s32 $0x0;
	s12 =	simm.s32 $0x0;
	s8 =	sshrl.u32 s31, $0x17  }
0x11: {  	s4 =	sadd.s32 $0x5E00, s9;
	s5 =	sadd.s32 $0x5A00, s9;
	s10 =	smul.u32 $0xA0, s8  }
.Ltmp0:
0x12: {  	s9 =	sadd.s32 $0x1EE00, s9;
	s1 =	rddreg [dreg:$0x1];
	(pc) =	sbr.rel .LBB2_1-.Ltmp0, $4  }
0x13: {  	_ =	strace $0x80000047;
	p0 =	sne.s32 s7, s10;
	s10 =	simm.s32 $0x1  }
0x14: {  	[sflag:s6] =	ssyncpa.u1 $0x0;
	s7 =	simm.s32 $0x2;
	s10 =	simm.s32 @!p0 $0x0  }
0x15: {  	[sflag:s7] =	ssyncpa.u1 $0x0;
	p0 =	por $0x0, $0x0;
	s8 =	sadd.s32 s8, s10  }
0x16: {  	vm0 =	vmmov $0xff;
	vm1 =	vcmask $0x3F20;
	[sflag:s11] =	ssyncpa.u1 $0x0;
	s11 =	smov.u32 s2;
	s10 =	sadd.s32 $0x1, s8  }
.LBB2_6:
0x17: {  	[hbm:s17] =	stream.linear.scatter [tilespmem:s14], [sflag:$0x3], $0x400, $0x38;
	[tilespmem:$0xA140] =	vst v63  }
.LBB2_7:
0x18: {  	s13 =	sadd.s32 $0xA0, s11  }
0x19: {  	s15 =	smov.u32 s2;
	p2 =	slt.s32 s13, s3  }
0x1a: {  	s15 =	smov.u32 @p2 s13;
	p2 =	sne.s32 s12, s10  }
.Ltmp1:
0x1b: {  	p1 =	slt.u32 s12, $0x2;
	(pc) =	sbr.rel @!p2 .LBB2_8-.Ltmp1, $4  }
0x1c: {  	s14 =	simm.s32 @!p1 $0x3  }
0x1d: {  	s16 =	sadd.s32 $0x1, s12;
	_ =	swait.ge @!p1 [sflag:s14], $0x5000  }
0x1e: {  	p0 =	por !p0, !p0;
	s13 =	smov.u32 s11;
	[sflag:s14] =	ssyncset.done @!p1 $0x0  }
0x1f: {  	s12 =	smov.u32 s16;
	s11 =	smov.u32 s15;
	[sflag:s14] =	ssyncadd.s32 @!p1 $0xFFFFB000  }
.LBB2_1:
0x20: {  	p1 =	sge.u32 s12, s8  }
0x21: {  	s14 =	sxor.u32 @!p1 $0xFFFFFFFF, s12  }
0x22: {  	s14 =	sand.u32 @!p1 $0x1, s14  }
0x23: {  	s14 =	smul.u32 @!p1 $0x280, s14  }
0x24: {  	s31 =	sadd.s32 $0xFFFFFFFF, s12;
	s15 =	sshrl.u32 @!p1 s11, $0x3  }
0x25: {  	s16 =	sand.u32 @!p1 $0x7, s11;
	s15 =	sadd.s32 @!p1 s5, s15;
	s14 =	sshrl.u32 @!p1 s14, $0x2  }
0x26: {  	[tilespmem:s14], [sflag:$0x2] =	stream.linear.gather @!p1 [hbm4b:s15+s16], $0xA0, $0x38;
	[tilespmem:$0xA140] =	vst v63  }
0x27: {  	p1 =	sge.u32 s31, s8  }
.Ltmp2:
0x28: {  	_ = 	snop;
	(pc) =	sbr.rel @p1 .LBB2_7-.Ltmp2, $1  }
0x29: {  	_ =	sdelay $0x3  }
0x2a: {  	s14 =	simm.s32 $0x1  }
0x2b: {  	s14 =	simm.s32 @!p0 $0x0  }
0x2c: {  	s15 =	smul.u32 $0x280, s14  }
0x2d: {  	_ =	swait.ge [sflag:s7], $0xA0  }
0x2e: {  	[sflag:s7] =	ssyncset.done $0x0;
	s16 =	sshrl.u32 s15, $0x2  }
0x2f: {  	[sflag:s7] =	ssyncadd.s32 $0xFFFFFF60;
	s15 =	sadd.s32 $0x0, s16  }
0x30: {  	v0 =	vld.msk [tilespmem:s15+$0x0 ss:$0x1], $0xffff;
	_ =	sdelay $0x4  }
0x31: {  	vm2 =	vgt.s32 v0, $0x0  }
0x32: {  	v0 =	vnsel vm2, $0x0, v0  }
0x33: {  	v0 =	vmin.u32 v0, $0x18FF  }
0x34: {  	v0 =	vshll.u32 v0, $0x4  }
0x35: {  	s14 =	smul.u32 $0x14000, s14;
	_ =	sdelay $0x1  }
0x36: {  	s14 =	sshrl.u32 s14, $0x2  }
0x37: {  	s14 =	sor.u32 $0x140, s14  }
0x38: {  	[tilespmem:s14], [sflag:$0x1] =	stream.indirect_vreg.gather [hbm:s4], $0x80, v0, vm0, $0x38;
	[tilespmem:$0xA140] =	vst v63  }
0x39: {  	s17 =	sadd.s32 $0x10, s16;
	s15 =	sadd.s32 $0x400, s14  }
0x3a: {  	[tilespmem:s15], [sflag:$0x1] =	stream.indirect_vreg.gather [hbm:s4], $0x80, v0, vm1, $0x38;
	[tilespmem:$0xA140] =	vst v63  }
0x3b: {  	s18 =	simm.s32 $0x80;
	v0 =	vld.msk [tilespmem:s17+$0x0 ss:$0x1], $0xffff;
	s17 =	smov.u32 s14  }
.LBB2_3:
0x3c: {  	p1 =	sne.s32 s18, $0x240;
	_ =	sdelay $0x4  }
0x3d: {  	vm2 =	vgt.s32 v0, $0x0  }
0x3e: {  	v0 =	vnsel vm2, $0x0, v0  }
0x3f: {  	v0 =	vmin.u32 v0, $0x18FF  }
0x40: {  	v0 =	vshll.u32 v0, $0x4;
	_ =	sdelay $0x3  }
.Ltmp3:
0x41: {  	s19 =	sshra.s32 s18, $0x2;
	s17 =	sadd.s32 $0x800, s17;
	(pc) =	sbr.rel @p1 .LBB2_3-.Ltmp3, $4  }
0x42: {  	[tilespmem:s17], [sflag:$0x1] =	stream.indirect_vreg.gather [hbm:s4], $0x80, v0, vm0, $0x38;
	[tilespmem:$0xA140] =	vst v63  }
0x43: {  	s19 =	sadd.s32 s19, s16;
	s20 =	sadd.s32 $0x400, s17  }
0x44: {  	[tilespmem:s20], [sflag:$0x1] =	stream.indirect_vreg.gather [hbm:s4], $0x80, v0, vm1, $0x38;
	[tilespmem:$0xA140] =	vst v63  }
0x45: {  	s18 =	sadd.s32 $0x40, s18;
	v0 =	vld.msk [tilespmem:s19+$0x0 ss:$0x1], $0xffff  }
0x46: {  	_ =	sdelay $0x3  }
0x47: {  	vm2 =	vgt.s32 v0, $0x0  }
0x48: {  	v0 =	vnsel vm2, $0x0, v0  }
0x49: {  	v0 =	vmin.u32 v0, $0x18FF  }
0x4a: {  	v0 =	vshll.u32 v0, $0x4;
	_ =	sdelay $0x3  }
0x4b: {  	s16 =	sadd.s32 $0x800, s17  }
0x4c: {  	[tilespmem:s16], [sflag:$0x1] =	stream.indirect_vreg.gather [hbm:s4], $0x80, v0, vm0, $0x38;
	[tilespmem:$0xA140] =	vst v63  }
0x4d: {  	s16 =	sadd.s32 $0x400, s16  }
0x4e: {  	[tilespmem:s16], [sflag:$0x1] =	stream.indirect_vreg.gather [hbm:s4], $0x80, v0, vm1, $0x38;
	[tilespmem:$0xA140] =	vst v63  }
0x4f: {  	s13 =	sshll.u32 s13, $0x4;
	_ =	swait.ge [sflag:s6], $0x5000  }
0x50: {  	s13 =	sadd.s32 s13, s9;
	[sflag:s6] =	ssyncset.done $0x0  }
0x51: {  	s17 =	sadd.s32 $0x0, s13;
	s16 =	simm.s32 $0x80;
	[sflag:s6] =	ssyncadd.s32 $0xFFFFB000  }
.LBB2_5:
0x52: {  	[hbm:s17] =	stream.linear.scatter [tilespmem:s14], [sflag:$0x3], $0x400, $0x38;
	[tilespmem:$0xA140] =	vst v63  }
0x53: {  	s17 =	smov.u32 s16;
	s14 =	smov.u32 s15;
	p1 =	sne.s32 s16, $0x980  }
.Ltmp4:
0x54: {  	s16 =	sadd.s32 $0x80, s16;
	(pc) =	sbr.rel @p1 .LBB2_5-.Ltmp4, $2  }
0x55: {  	_ =	sdelay $0x2  }
0x56: {  	s15 =	sadd.s32 $0x400, s15;
	s17 =	sadd.s32 s17, s13  }
.Ltmp5:
0x57: {  	_ = 	snop;
	(pc) =	sbr.rel .LBB2_6-.Ltmp5, $1  }
0x58: {  	_ =	sdelay $0x3  }
.LBB2_8:
0x59: {  	_ =	sfence.sel $0x180000  }
0x5a: {  	s2 =	simm.s32 $0x2;
	[bflag:$0x0] =	sbarrier.arrive $0xFFFF  }
0x5b: {  	s30 =	simm.s32 $0x3;
	[sflag:s2] =	ssyncpa.u1 $0x1  }
0x5c: {  	s31 =	simm.s32 $0x1;
	[sflag:s30] =	ssyncpa.u1 $0x1  }
0x5d: {  	[sflag:s31] =	ssyncpa.u1 $0x1  }
0x5e: {  	p0 =	sne.s32 s0, $0x0;
	_ =	strace $0x90000047  }
0x5f: {  	s0 =	sadd.s32 @!p0 $0x100000, s1;
	[bflag:$0x2] =	sbarrier.arrive $0xFFFF  }
0x60: {  	[sflag:s0] =	ssyncadd.tile.s32 @!p0 $0x1;
	_ =	shalt  }
.Lfunc_end2:
_tile_overlayer_lowered:
.L_overlay_start_2:
0x61: {  	(tag) =	ssettag $0x2  }
0x62: {  	s0 =	rddreg [dreg:$0x0];
	s2 =	stileid.u32  }
0x63: {  	s1 =	rddreg [dreg:$0x1];
	p0 =	sne.s32 s2, $0x0  }
0x64: {  	s3 =	rddreg [dreg:$0x2];
	[bflag:$0x3] =	sbarrier.arrive $0xFFFF;
	s2 =	simm.s32 @!p0 $0x1C01  }
0x65: {  	[timem:s3], [sflag:s2] =	dma.local @!p0 [hbm:s0], s1  }
0x66: {  	s0 =	simm.s32 @!p0 $0x1  }
0x67: {  	_ =	swait.ge @!p0 [sflag:s0], s1  }
0x68: {  	s1 =	ssub.s32 @!p0 $0x0, s1;
	[sflag:s0] =	ssyncset.done @!p0 $0x0  }
0x69: {  	[sflag:s0] =	ssyncadd.s32 @!p0 s1  }
0x6a: {  	[bflag:$0x3] =	sbarrier.arrive $0xFFFF  }
0x6b: {  	_ =	shalt  }

// kernel: gather_offload_async_start
scs
__scs_entry_jumppad:
0x0: {  	(pc) =	sbr.rel $0x88, $3  }
0x1: {  	(tag) =	ssettag $0x0;
	lr =	simm.s32 $0x1  }
0x2: {  	[smem:$0x3F7F] =	sst lr;
	_ =	strace $0xD0000000  }
0x3: {  	_ = 	snop  }
0x4: {  	_ = 	snop  }
0x5: {  	_ = 	snop  }
0x6: {  	_ = 	snop  }
0x7: {  	_ = 	snop  }
__scs_overlays_trampoline_lowered:
0x8: {  	[smem:$0x3F8E] =	sst s0  }
0x9: {  	[smem:$0x3F8F] =	sst s1  }
0xa: {  	[smem:$0x3F90] =	sst s2  }
0xb: {  	[smem:$0x3F91] =	sst s3  }
0xc: {  	[smem:$0x3F92] =	sst s4  }
0xd: {  	[smem:$0x3F93] =	sst s5  }
0xe: {  	[smem:$0x3F94] =	sst s6  }
0xf: {  	[smem:$0x3F95] =	sst s7  }
0x10: {  	[smem:$0x3F96] =	sst s8  }
0x11: {  	[smem:$0x3F97] =	sst s9;
	s0 =	simm.s32 @!p0 $0x0  }
0x12: {  	s1 =	sld [smem:$0x3F7D];
	s0 =	simm.s32 @p0 $0x1  }
0x13: {  	[smem:$0x3F98] =	sst s0;
	s0 =	simm.s32 @!p1 $0x0  }
0x14: {  	s2 =	sld [smem:$0x3F7C];
	s0 =	simm.s32 @p1 $0x1  }
0x15: {  	[smem:$0x3F99] =	sst s0;
	s0 =	simm.s32 @!p2 $0x0  }
0x16: {  	s3 =	sld [smem:$0x3FDB];
	s0 =	simm.s32 @p2 $0x1  }
0x17: {  	s4 =	simm.s32 $0x1BF5;
	[smem:$0x3F9B] =	sst s0  }
0x18: {  	s0 =	sld [smem:$0x3F7E];
	_ =	swait.ge [sflag:s4], $0x0  }
0x19: {  	s7 =	sld [smem:$0x3F7F]  }
0x1a: {  	s8 =	sadd.s32 $0xFFFFE003, lr  }
0x1b: {  	s9 =	sadd.s32 $0xFFFFFEF7, lr;
	s5 =	simm.s32 $0xFFFFFFFF;
	p2 =	slt.u32 s8, $0xFFFFF086  }
0x1c: {  	p1 =	slt.u32 s9, $0xF7A;
	s5 =	simm.s32 @!p2 $0x0  }
0x1d: {  	s5 =	simm.s32 @p1 $0x1;
	p0 =	seq.s32 s7, s2  }
0x1e: {  	s7 =	smul.u32 @!p0 $0xF7A, s2;
	p2 =	seq.s32 @!p0 s5, $0x0  }
0x1f: {  	s9 =	smul.u32 $0xF7A, s1;
	s8 =	simm.s32 @!p0 $0x1BF5;
	p2 =	por !p2, p0  }
0x20: {  	[sflag:s8] =	ssyncset.s32 @!p0 $0xFFFFF086;
	s6 =	sadd.s32 @!p0 s3, s7;
	s7 =	simm.s32 @!p0 $0x108  }
0x21: {  	s3 =	sadd.s32 s3, s9;
	s6 =	sadd.s32 @!p0 $0x88, s6;
	s7 =	simm.s32 @p2 $0x1082  }
0x22: {  	[simem:s7], [sflag:s8] =	dma.local @!p0 [hbm:s6], $0xF7A  }
0x23: {  	s9 =	sor.u32 $0xD0000000, s2;
	s6 =	simm.s32 $0x108;
	_ =	swait.ge @!p0 [sflag:s8], $0x0  }
0x24: {  	s3 =	sadd.s32 $0x88, s3;
	s6 =	simm.s32 @!p1 $0x1082;
	[sflag:s4] =	ssyncset.s32 $0xFFFFF086  }
0x25: {  	[simem:s6], [sflag:s4] =	dma.local [hbm:s3], $0xF7A  }
0x26: {  	[smem:$0x3F7F] =	sst s1;
	(tag) =	ssettag s2;
	_ =	strace s9  }
0x27: {  	s1 =	sld [smem:$0x3F8F]  }
0x28: {  	s2 =	sld [smem:$0x3F90]  }
0x29: {  	s4 =	sld [smem:$0x3F92]  }
0x2a: {  	p0 =	seq.s32 s5, $0x0;
	s5 =	sld [smem:$0x3F93]  }
0x2b: {  	s6 =	sld [smem:$0x3F94]  }
0x2c: {  	s7 =	sld [smem:$0x3F95]  }
0x2d: {  	s3 =	simm.s32 $0x108;
	s8 =	sld [smem:$0x3F96]  }
0x2e: {  	s3 =	simm.s32 @!p0 $0x1082;
	s9 =	sld [smem:$0x3F97]  }
0x2f: {  	lr =	sadd.s32 s0, s3;
	s0 =	sld [smem:$0x3F8E]  }
0x30: {  	s3 =	sld [smem:$0x3F91]  }
0x31: {  	[smem:$0x3F9A] =	sst s10  }
0x32: {  	s10 =	sld [smem:$0x3F98];
	_ =	sdelay $0x3  }
0x33: {  	p0 =	seq.s32 s10, $0x1;
	s10 =	sld [smem:$0x3F9A];
	_ =	sdelay $0x3  }
0x34: {  	[smem:$0x3F9A] =	sst s10  }
0x35: {  	s10 =	sld [smem:$0x3F99];
	_ =	sdelay $0x3  }
0x36: {  	p1 =	seq.s32 s10, $0x1;
	s10 =	sld [smem:$0x3F9A];
	_ =	sdelay $0x3  }
0x37: {  	[smem:$0x3F9A] =	sst s10  }
0x38: {  	s10 =	sld [smem:$0x3F9B]  }
0x39: {  	_ = 	snop;
	(pc) =	sbr.ind lr, $3  }
0x3a: {  	_ = 	snop  }
0x3b: {  	_ = 	snop  }
0x3c: {  	p2 =	seq.s32 s10, $0x1;
	s10 =	sld [smem:$0x3F9A]  }
0x3d: {  	_ =	shalt  }
0x3e: {  	_ =	shalt  }
0x3f: {  	_ =	shalt  }
0x40: {  	_ =	shalt  }
0x41: {  	_ =	shalt  }
0x42: {  	_ =	shalt  }
0x43: {  	_ =	shalt  }
0x44: {  	_ =	shalt  }
0x45: {  	_ =	shalt  }
0x46: {  	_ =	shalt  }
0x47: {  	_ =	shalt  }
0x48: {  	_ =	shalt  }
0x49: {  	_ =	shalt  }
0x4a: {  	_ =	shalt  }
0x4b: {  	_ =	shalt  }
0x4c: {  	_ =	shalt  }
0x4d: {  	_ =	shalt  }
0x4e: {  	_ =	shalt  }
0x4f: {  	_ =	shalt  }
0x50: {  	_ =	shalt  }
0x51: {  	_ =	shalt  }
0x52: {  	_ =	shalt  }
0x53: {  	_ =	shalt  }
0x54: {  	_ =	shalt  }
0x55: {  	_ =	shalt  }
0x56: {  	_ =	shalt  }
0x57: {  	_ =	shalt  }
0x58: {  	_ =	shalt  }
0x59: {  	_ =	shalt  }
0x5a: {  	_ =	shalt  }
0x5b: {  	_ =	shalt  }
0x5c: {  	_ =	shalt  }
0x5d: {  	_ =	shalt  }
0x5e: {  	_ =	shalt  }
0x5f: {  	_ =	shalt  }
0x60: {  	_ =	shalt  }
0x61: {  	_ =	shalt  }
0x62: {  	_ =	shalt  }
0x63: {  	_ =	shalt  }
0x64: {  	_ =	shalt  }
0x65: {  	_ =	shalt  }
0x66: {  	_ =	shalt  }
0x67: {  	_ =	shalt  }
0x68: {  	_ =	shalt  }
0x69: {  	_ =	shalt  }
0x6a: {  	_ =	shalt  }
0x6b: {  	_ =	shalt  }
0x6c: {  	_ =	shalt  }
0x6d: {  	_ =	shalt  }
0x6e: {  	_ =	shalt  }
0x6f: {  	_ =	shalt  }
0x70: {  	_ =	shalt  }
0x71: {  	_ =	shalt  }
0x72: {  	_ =	shalt  }
0x73: {  	_ =	shalt  }
0x74: {  	_ =	shalt  }
0x75: {  	_ =	shalt  }
0x76: {  	_ =	shalt  }
0x77: {  	_ =	shalt  }
0x78: {  	_ =	shalt  }
0x79: {  	_ =	shalt  }
0x7a: {  	_ =	shalt  }
0x7b: {  	_ =	shalt  }
0x7c: {  	_ =	shalt  }
0x7d: {  	_ =	shalt  }
0x7e: {  	_ =	shalt  }
0x7f: {  	_ =	shalt  }
0x80: {  	_ =	shalt  }
0x81: {  	_ =	shalt  }
0x82: {  	_ =	shalt  }
0x83: {  	_ =	shalt  }
0x84: {  	_ =	shalt  }
0x85: {  	_ =	shalt  }
0x86: {  	_ =	shalt  }
0x87: {  	_ =	shalt  }
.Lfunc_end0:
.L_simem_size_0:
called_computation_lowered:
.L_overlay_start_0:
0x88: {  	s2 =	sld [smem:$0x3FD9]  }
0x89: {  	s3 =	sld [smem:$0x3FFE];
	_ =	sdelay $0x1  }
0x8a: {  	s1 =	srdreg.scid  }
0x8b: {  	s0 =	sand.u32 $0x1, s1  }
0x8c: {  	s17 =	sshll.u32 s0, $0xA;
	s2 =	sadd.s32 s3, s2  }
0x8d: {  	s2 =	sadd.s32 s2, s17  }
0x8e: {  	[smem:$0x3FA6] =	sst s2  }
0x8f: {  	_ = 	snop  }
0x90: {  	(tm) =	ssettm $0x1  }
0x91: {  	s18 =	sld [smem:$0x3FFB];
	_ =	sdelay $0x3  }
0x92: {  	_ =	strace s18  }
0x93: {  	s2 =	sld [smem:$0x3FFC];
	_ =	sdelay $0x3  }
0x94: {  	_ =	strace s2  }
0x95: {  	s2 =	sld [smem:$0x3FFD];
	_ =	sdelay $0x3  }
0x96: {  	_ =	strace s2  }
0x97: {  	_ =	strace $0x8FFFFFFF  }
0x98: {  	s19 =	sld [smem:$0x3FDB];
	_ =	sdelay $0x1  }
0x99: {  	s20 =	simm.s32 $_scs_section_size  }
0x9a: {  	s4 =	simm.s32 $_size__tile_overlayer_lowered;
	s5 =	simm.s32 $_tile_overlayer_lowered  }
0x9b: {  	s6 =	simm.s32 $0x1BFF;
	s21 =	sshll.u32 s5, $0x1;
	s3 =	sadd.s32 s20, s19  }
0x9c: {  	s22 =	simm.s32 $0x0;
	s4 =	sshll.u32 s4, $0x1;
	s5 =	sadd.s32 s21, s3  }
0x9d: {  	[timem:s22], [sflag:s6] =	dma.local [hbm:s5], s4  }
0x9e: {  	_ =	swait.ge [sflag:s6], s4  }
0x9f: {  	s4 =	ssub.s32 $0x0, s4;
	[sflag:s6] =	ssyncset.done $0x0  }
0xa0: {  	[sflag:s6] =	ssyncadd.s32 s4;
	_ =	sdelay $0x1  }
0xa1: {  	s23 =	simm.s32 $0x1B8B  }
0xa2: {  	_ =	swait.ge [sflag:s23], $0x1  }
0xa3: {  	[sflag:s23] =	ssyncset.done $0x0  }
0xa4: {  	[sflag:s23] =	ssyncadd.s32 $0xFFFFFFFF  }
0xa5: {  	s4 =	sld [smem:$0x0]  }
0xa6: {  	s5 =	sand.u32 $0xFFFFFFFE, s1  }
0xa7: {  	p0 =	sne.s32 s1, s5  }
0xa8: {  	s5 =	sshll.u32 @p0 s5, $0xE  }
0xa9: {  	s5 =	sadd.s32 @p0 $0x11B8D, s5;
	s6 =	sshll.u32 @p0 s4, $0x11  }
0xaa: {  	s5 =	sor.u32 @p0 s6, s5  }
0xab: {  	[sflag:s5] =	ssyncadd.remote.s32 @p0 $0x1;
	_ =	sdelay $0x1  }
0xac: {  	s5 =	simm.s32 @p0 $0x1B8D  }
0xad: {  	_ =	swait.eq @p0 [sflag:s5], $0x1  }
0xae: {  	[sflag:s5] =	ssyncadd.s32 @p0 $0xFFFFFFFF  }
0xaf: {  	s6 =	sshll.u32 @!p0 s1, $0xE  }
0xb0: {  	s6 =	sor.u32 @!p0 $0x4000, s6;
	s5 =	simm.s32 @!p0 $0x1B8D  }
0xb1: {  	s4 =	sshll.u32 @!p0 s4, $0x11;
	s6 =	sadd.s32 @!p0 $0x11B8D, s6;
	_ =	swait.eq @!p0 [sflag:s5], $0x1  }
0xb2: {  	s4 =	sor.u32 @!p0 s4, s6;
	[sflag:s5] =	ssyncadd.s32 @!p0 $0xFFFFFFFF  }
0xb3: {  	s25 =	simm.s32 $0x1B8E;
	s24 =	sld [smem:$0x3FFE];
	[sflag:s4] =	ssyncadd.remote.s32 @!p0 $0x1  }
0xb4: {  	s26 =	simm.s32 $execute0_lowered;
	[smem:$0x3FD2] =	sst s25  }
0xb5: {  	s5 =	sshll.u32 s26, $0x1;
	_ =	strace $0x80000049;
	[dreg:$0x1] =	wrdreg $0xFFFFFFFF  }
0xb6: {  	s28 =	simm.s32 $_size_execute0_lowered;
	s3 =	sadd.s32 s3, s5;
	[dreg:$0x0] =	wrdreg $0x0  }
0xb7: {  	s5 =	sshll.u32 s28, $0x1;
	[dreg:$0x2] =	wrdreg s3  }
0xb8: {  	[dreg:$0x3] =	wrdreg s5  }
0xb9: {  	[dreg:$0x4] =	wrdreg $0xC0  }
0xba: {  	_ =	task [dreg:s22], $0x5FFFF  }
0xbb: {  	[dreg:$0x1] =	wrdreg $0xFFFFFFFF  }
0xbc: {  	[dreg:$0x0] =	wrdreg $0x60  }
0xbd: {  	[dreg:$0x2] =	wrdreg s24  }
0xbe: {  	[dreg:$0x3] =	wrdreg $0x9  }
0xbf: {  	_ =	task.clear_ibuf [dreg:s22], $0x4FFFF;
	_ =	strace $0x90000049  }
0xc0: {  	s29 =	simm.s32 $0x9;
	_ =	strace $0x8000004B  }
0xc1: {  	_ =	swait.ge [sflag:s29], $0x1  }
0xc2: {  	[sflag:s29] =	ssyncadd.s32 $0xFFFFFFFF  }
0xc3: {  	_ =	strace $0x9000004B  }
0xc4: {  	_ =	sfence  }
0xc5: {  	s30 =	sld [smem:$0x0];
	_ =	sdelay $0x2  }
0xc6: {  	s31 =	sshll.u32 s1, $0xD;
	s1 =	sshrl.u32 s1, $0x2  }
0xc7: {  	s4 =	sand.u32 $0x4000, s31;
	s1 =	sadd.s32 s1, s30  }
0xc8: {  	s0 =	sor.u32 s4, s0;
	s1 =	sshll.u32 s1, $0x11  }
0xc9: {  	s0 =	sor.u32 s1, s0  }
0xca: {  	s0 =	sadd.s32 $0x8F2B, s0  }
0xcb: {  	[sflag:s0] =	ssyncadd.remote.s32 $0x1  }
0xcc: {  	_ =	sfence.sel $0xFFFF  }
0xcd: {  	[dreg:$0x0] =	wrdreg $0xFFFFFFFF;
	(pc) =	sbr.abs _section_cstart, $3  }
0xce: {  	[dreg:$0x1] =	wrdreg $0xFFFFFFFF  }
0xcf: {  	_ =	task.clear_ibuf [dreg:s22], $0x2FFFF;
	_ =	strace $0x9FFFFFFF  }
0xd0: {  	(tm) =	ssettm $0x7FFFFFFF  }
0xd1: {  	_ =	shalt  }
tec
execute0_lowered:
.L_overlay_start_1:
0x0: {  	(tag) =	ssettag $0x1  }
0x1: {  	s0 =	srdreg.scid  }
0x2: {  	s1 =	sshll.u32 s0, $0x4  }
0x3: {  	s0 =	stileid.u32;
	s1 =	sand.u32 $0x10, s1  }
0x4: {  	s1 =	sor.u32 s0, s1  }
0x5: {  	s2 =	smin.u32 s1, $0x8  }
0x6: {  	s2 =	sadd.s32 s1, s2  }
0x7: {  	p0 =	slt.u32 s1, $0x8;
	s1 =	simm.s32 $0x140;
	s2 =	smul.u32 $0xA0, s2  }
0x8: {  	s1 =	simm.s32 @!p0 $0xA0  }
0x9: {  	s1 =	sadd.s32 s1, s2  }
0xa: {  	s3 =	smin.u32 s1, $0x1900  }
0xb: {  	s7 =	ssub.s32 s3, s2  }
0xc: {  	p0 =	sgt.s32 s7, $0x0  }
0xd: {  	s7 =	simm.s32 @!p0 $0x0  }
0xe: {  	s31 =	smul.u32 $0xCCCD, s7  }
0xf: {  	s9 =	rddreg [dreg:$0x0];
	s6 =	simm.s32 $0x1;
	s11 =	simm.s32 $0x3  }
0x10: {  	s13 =	simm.s32 $0x0;
	s12 =	simm.s32 $0x0;
	s8 =	sshrl.u32 s31, $0x17  }
0x11: {  	s4 =	sadd.s32 $0x37E00, s9;
	s5 =	sadd.s32 $0x5A00, s9;
	s10 =	smul.u32 $0xA0, s8  }
.Ltmp0:
0x12: {  	s9 =	sadd.s32 $0x50E00, s9;
	s1 =	rddreg [dreg:$0x1];
	(pc) =	sbr.rel .LBB2_1-.Ltmp0, $4  }
0x13: {  	_ =	strace $0x8000004A;
	p0 =	sne.s32 s7, s10;
	s10 =	simm.s32 $0x1  }
0x14: {  	[sflag:s6] =	ssyncpa.u1 $0x0;
	s7 =	simm.s32 $0x2;
	s10 =	simm.s32 @!p0 $0x0  }
0x15: {  	[sflag:s7] =	ssyncpa.u1 $0x0;
	p0 =	por $0x0, $0x0;
	s8 =	sadd.s32 s8, s10  }
0x16: {  	vm0 =	vmmov $0xff;
	vm1 =	vcmask $0x3F20;
	[sflag:s11] =	ssyncpa.u1 $0x0;
	s11 =	smov.u32 s2;
	s10 =	sadd.s32 $0x1, s8  }
.LBB2_6:
0x17: {  	[hbm:s17] =	stream.linear.scatter [tilespmem:s14], [sflag:$0x3], $0x400, $0x38;
	[tilespmem:$0xA140] =	vst v63  }
.LBB2_7:
0x18: {  	s13 =	sadd.s32 $0xA0, s11  }
0x19: {  	s15 =	smov.u32 s2;
	p2 =	slt.s32 s13, s3  }
0x1a: {  	s15 =	smov.u32 @p2 s13;
	p2 =	sne.s32 s12, s10  }
.Ltmp1:
0x1b: {  	p1 =	slt.u32 s12, $0x2;
	(pc) =	sbr.rel @!p2 .LBB2_8-.Ltmp1, $4  }
0x1c: {  	s14 =	simm.s32 @!p1 $0x3  }
0x1d: {  	s16 =	sadd.s32 $0x1, s12;
	_ =	swait.ge @!p1 [sflag:s14], $0x5000  }
0x1e: {  	p0 =	por !p0, !p0;
	s13 =	smov.u32 s11;
	[sflag:s14] =	ssyncset.done @!p1 $0x0  }
0x1f: {  	s12 =	smov.u32 s16;
	s11 =	smov.u32 s15;
	[sflag:s14] =	ssyncadd.s32 @!p1 $0xFFFFB000  }
.LBB2_1:
0x20: {  	p1 =	sge.u32 s12, s8  }
0x21: {  	s14 =	sxor.u32 @!p1 $0xFFFFFFFF, s12  }
0x22: {  	s14 =	sand.u32 @!p1 $0x1, s14  }
0x23: {  	s14 =	smul.u32 @!p1 $0x280, s14  }
0x24: {  	s31 =	sadd.s32 $0xFFFFFFFF, s12;
	s15 =	sshrl.u32 @!p1 s11, $0x3  }
0x25: {  	s16 =	sand.u32 @!p1 $0x7, s11;
	s15 =	sadd.s32 @!p1 s5, s15;
	s14 =	sshrl.u32 @!p1 s14, $0x2  }
0x26: {  	[tilespmem:s14], [sflag:$0x2] =	stream.linear.gather @!p1 [hbm4b:s15+s16], $0xA0, $0x38;
	[tilespmem:$0xA140] =	vst v63  }
0x27: {  	p1 =	sge.u32 s31, s8  }
.Ltmp2:
0x28: {  	_ = 	snop;
	(pc) =	sbr.rel @p1 .LBB2_7-.Ltmp2, $1  }
0x29: {  	_ =	sdelay $0x3  }
0x2a: {  	s14 =	simm.s32 $0x1  }
0x2b: {  	s14 =	simm.s32 @!p0 $0x0  }
0x2c: {  	s15 =	smul.u32 $0x280, s14  }
0x2d: {  	_ =	swait.ge [sflag:s7], $0xA0  }
0x2e: {  	[sflag:s7] =	ssyncset.done $0x0;
	s16 =	sshrl.u32 s15, $0x2  }
0x2f: {  	[sflag:s7] =	ssyncadd.s32 $0xFFFFFF60;
	s15 =	sadd.s32 $0x0, s16  }
0x30: {  	v0 =	vld.msk [tilespmem:s15+$0x0 ss:$0x1], $0xffff;
	_ =	sdelay $0x4  }
0x31: {  	vm2 =	vgt.s32 v0, $0x0  }
0x32: {  	v0 =	vnsel vm2, $0x0, v0  }
0x33: {  	v0 =	vmin.u32 v0, $0x18FF  }
0x34: {  	v0 =	vshll.u32 v0, $0x4  }
0x35: {  	s14 =	smul.u32 $0x14000, s14;
	_ =	sdelay $0x1  }
0x36: {  	s14 =	sshrl.u32 s14, $0x2  }
0x37: {  	s14 =	sor.u32 $0x140, s14  }
0x38: {  	[tilespmem:s14], [sflag:$0x1] =	stream.indirect_vreg.gather [hbm:s4], $0x80, v0, vm0, $0x38;
	[tilespmem:$0xA140] =	vst v63  }
0x39: {  	s17 =	sadd.s32 $0x10, s16;
	s15 =	sadd.s32 $0x400, s14  }
0x3a: {  	[tilespmem:s15], [sflag:$0x1] =	stream.indirect_vreg.gather [hbm:s4], $0x80, v0, vm1, $0x38;
	[tilespmem:$0xA140] =	vst v63  }
0x3b: {  	s18 =	simm.s32 $0x80;
	v0 =	vld.msk [tilespmem:s17+$0x0 ss:$0x1], $0xffff;
	s17 =	smov.u32 s14  }
.LBB2_3:
0x3c: {  	p1 =	sne.s32 s18, $0x240;
	_ =	sdelay $0x4  }
0x3d: {  	vm2 =	vgt.s32 v0, $0x0  }
0x3e: {  	v0 =	vnsel vm2, $0x0, v0  }
0x3f: {  	v0 =	vmin.u32 v0, $0x18FF  }
0x40: {  	v0 =	vshll.u32 v0, $0x4;
	_ =	sdelay $0x3  }
.Ltmp3:
0x41: {  	s19 =	sshra.s32 s18, $0x2;
	s17 =	sadd.s32 $0x800, s17;
	(pc) =	sbr.rel @p1 .LBB2_3-.Ltmp3, $4  }
0x42: {  	[tilespmem:s17], [sflag:$0x1] =	stream.indirect_vreg.gather [hbm:s4], $0x80, v0, vm0, $0x38;
	[tilespmem:$0xA140] =	vst v63  }
0x43: {  	s19 =	sadd.s32 s19, s16;
	s20 =	sadd.s32 $0x400, s17  }
0x44: {  	[tilespmem:s20], [sflag:$0x1] =	stream.indirect_vreg.gather [hbm:s4], $0x80, v0, vm1, $0x38;
	[tilespmem:$0xA140] =	vst v63  }
0x45: {  	s18 =	sadd.s32 $0x40, s18;
	v0 =	vld.msk [tilespmem:s19+$0x0 ss:$0x1], $0xffff  }
0x46: {  	_ =	sdelay $0x3  }
0x47: {  	vm2 =	vgt.s32 v0, $0x0  }
0x48: {  	v0 =	vnsel vm2, $0x0, v0  }
0x49: {  	v0 =	vmin.u32 v0, $0x18FF  }
0x4a: {  	v0 =	vshll.u32 v0, $0x4;
	_ =	sdelay $0x3  }
0x4b: {  	s16 =	sadd.s32 $0x800, s17  }
0x4c: {  	[tilespmem:s16], [sflag:$0x1] =	stream.indirect_vreg.gather [hbm:s4], $0x80, v0, vm0, $0x38;
	[tilespmem:$0xA140] =	vst v63  }
0x4d: {  	s16 =	sadd.s32 $0x400, s16  }
0x4e: {  	[tilespmem:s16], [sflag:$0x1] =	stream.indirect_vreg.gather [hbm:s4], $0x80, v0, vm1, $0x38;
	[tilespmem:$0xA140] =	vst v63  }
0x4f: {  	s13 =	sshll.u32 s13, $0x4;
	_ =	swait.ge [sflag:s6], $0x5000  }
0x50: {  	s13 =	sadd.s32 s13, s9;
	[sflag:s6] =	ssyncset.done $0x0  }
0x51: {  	s17 =	sadd.s32 $0x0, s13;
	s16 =	simm.s32 $0x80;
	[sflag:s6] =	ssyncadd.s32 $0xFFFFB000  }
.LBB2_5:
0x52: {  	[hbm:s17] =	stream.linear.scatter [tilespmem:s14], [sflag:$0x3], $0x400, $0x38;
	[tilespmem:$0xA140] =	vst v63  }
0x53: {  	s17 =	smov.u32 s16;
	s14 =	smov.u32 s15;
	p1 =	sne.s32 s16, $0x980  }
.Ltmp4:
0x54: {  	s16 =	sadd.s32 $0x80, s16;
	(pc) =	sbr.rel @p1 .LBB2_5-.Ltmp4, $2  }
0x55: {  	_ =	sdelay $0x2  }
0x56: {  	s15 =	sadd.s32 $0x400, s15;
	s17 =	sadd.s32 s17, s13  }
.Ltmp5:
0x57: {  	_ = 	snop;
	(pc) =	sbr.rel .LBB2_6-.Ltmp5, $1  }
0x58: {  	_ =	sdelay $0x3  }
.LBB2_8:
0x59: {  	_ =	sfence.sel $0x180000  }
0x5a: {  	s2 =	simm.s32 $0x2;
	[bflag:$0x0] =	sbarrier.arrive $0xFFFF  }
0x5b: {  	s30 =	simm.s32 $0x3;
	[sflag:s2] =	ssyncpa.u1 $0x1  }
0x5c: {  	s31 =	simm.s32 $0x1;
	[sflag:s30] =	ssyncpa.u1 $0x1  }
0x5d: {  	[sflag:s31] =	ssyncpa.u1 $0x1  }
0x5e: {  	p0 =	sne.s32 s0, $0x0;
	_ =	strace $0x9000004A  }
0x5f: {  	s0 =	sadd.s32 @!p0 $0x100000, s1;
	[bflag:$0x2] =	sbarrier.arrive $0xFFFF  }
0x60: {  	[sflag:s0] =	ssyncadd.tile.s32 @!p0 $0x1;
	_ =	shalt  }
.Lfunc_end2:
_tile_overlayer_lowered:
.L_overlay_start_2:
0x61: {  	(tag) =	ssettag $0x2  }
0x62: {  	s0 =	rddreg [dreg:$0x0];
	s2 =	stileid.u32  }
0x63: {  	s1 =	rddreg [dreg:$0x1];
	p0 =	sne.s32 s2, $0x0  }
0x64: {  	s3 =	rddreg [dreg:$0x2];
	[bflag:$0x3] =	sbarrier.arrive $0xFFFF;
	s2 =	simm.s32 @!p0 $0x1C01  }
0x65: {  	[timem:s3], [sflag:s2] =	dma.local @!p0 [hbm:s0], s1  }
0x66: {  	s0 =	simm.s32 @!p0 $0x1  }
0x67: {  	_ =	swait.ge @!p0 [sflag:s0], s1  }
0x68: {  	s1 =	ssub.s32 @!p0 $0x0, s1;
	[sflag:s0] =	ssyncset.done @!p0 $0x0  }
0x69: {  	[sflag:s0] =	ssyncadd.s32 @!p0 s1  }
0x6a: {  	[bflag:$0x3] =	sbarrier.arrive $0xFFFF  }
0x6b: {  	_ =	shalt  }

// kernel: kernel.10.cloned.1.call-start
scs
__scs_entry_jumppad:
0x0: {  	(pc) =	sbr.rel $0x88, $3  }
0x1: {  	(tag) =	ssettag $0x0;
	lr =	simm.s32 $0x1  }
0x2: {  	[smem:$0x3F7F] =	sst lr;
	_ =	strace $0xD0000000  }
0x3: {  	_ = 	snop  }
0x4: {  	_ = 	snop  }
0x5: {  	_ = 	snop  }
0x6: {  	_ = 	snop  }
0x7: {  	_ = 	snop  }
__scs_overlays_trampoline_lowered:
0x8: {  	[smem:$0x3F8E] =	sst s0  }
0x9: {  	[smem:$0x3F8F] =	sst s1  }
0xa: {  	[smem:$0x3F90] =	sst s2  }
0xb: {  	[smem:$0x3F91] =	sst s3  }
0xc: {  	[smem:$0x3F92] =	sst s4  }
0xd: {  	[smem:$0x3F93] =	sst s5  }
0xe: {  	[smem:$0x3F94] =	sst s6  }
0xf: {  	[smem:$0x3F95] =	sst s7  }
0x10: {  	[smem:$0x3F96] =	sst s8  }
0x11: {  	[smem:$0x3F97] =	sst s9;
	s0 =	simm.s32 @!p0 $0x0  }
0x12: {  	s1 =	sld [smem:$0x3F7D];
	s0 =	simm.s32 @p0 $0x1  }
0x13: {  	[smem:$0x3F98] =	sst s0;
	s0 =	simm.s32 @!p1 $0x0  }
0x14: {  	s2 =	sld [smem:$0x3F7C];
	s0 =	simm.s32 @p1 $0x1  }
0x15: {  	[smem:$0x3F99] =	sst s0;
	s0 =	simm.s32 @!p2 $0x0  }
0x16: {  	s3 =	sld [smem:$0x3FDB];
	s0 =	simm.s32 @p2 $0x1  }
0x17: {  	s4 =	simm.s32 $0x1BF5;
	[smem:$0x3F9B] =	sst s0  }
0x18: {  	s0 =	sld [smem:$0x3F7E];
	_ =	swait.ge [sflag:s4], $0x0  }
0x19: {  	s7 =	sld [smem:$0x3F7F]  }
0x1a: {  	s8 =	sadd.s32 $0xFFFFE003, lr  }
0x1b: {  	s9 =	sadd.s32 $0xFFFFFEF7, lr;
	s5 =	simm.s32 $0xFFFFFFFF;
	p2 =	slt.u32 s8, $0xFFFFF086  }
0x1c: {  	p1 =	slt.u32 s9, $0xF7A;
	s5 =	simm.s32 @!p2 $0x0  }
0x1d: {  	s5 =	simm.s32 @p1 $0x1;
	p0 =	seq.s32 s7, s2  }
0x1e: {  	s7 =	smul.u32 @!p0 $0xF7A, s2;
	p2 =	seq.s32 @!p0 s5, $0x0  }
0x1f: {  	s9 =	smul.u32 $0xF7A, s1;
	s8 =	simm.s32 @!p0 $0x1BF5;
	p2 =	por !p2, p0  }
0x20: {  	[sflag:s8] =	ssyncset.s32 @!p0 $0xFFFFF086;
	s6 =	sadd.s32 @!p0 s3, s7;
	s7 =	simm.s32 @!p0 $0x108  }
0x21: {  	s3 =	sadd.s32 s3, s9;
	s6 =	sadd.s32 @!p0 $0x88, s6;
	s7 =	simm.s32 @p2 $0x1082  }
0x22: {  	[simem:s7], [sflag:s8] =	dma.local @!p0 [hbm:s6], $0xF7A  }
0x23: {  	s9 =	sor.u32 $0xD0000000, s2;
	s6 =	simm.s32 $0x108;
	_ =	swait.ge @!p0 [sflag:s8], $0x0  }
0x24: {  	s3 =	sadd.s32 $0x88, s3;
	s6 =	simm.s32 @!p1 $0x1082;
	[sflag:s4] =	ssyncset.s32 $0xFFFFF086  }
0x25: {  	[simem:s6], [sflag:s4] =	dma.local [hbm:s3], $0xF7A  }
0x26: {  	[smem:$0x3F7F] =	sst s1;
	(tag) =	ssettag s2;
	_ =	strace s9  }
0x27: {  	s1 =	sld [smem:$0x3F8F]  }
0x28: {  	s2 =	sld [smem:$0x3F90]  }
0x29: {  	s4 =	sld [smem:$0x3F92]  }
0x2a: {  	p0 =	seq.s32 s5, $0x0;
	s5 =	sld [smem:$0x3F93]  }
0x2b: {  	s6 =	sld [smem:$0x3F94]  }
0x2c: {  	s7 =	sld [smem:$0x3F95]  }
0x2d: {  	s3 =	simm.s32 $0x108;
	s8 =	sld [smem:$0x3F96]  }
0x2e: {  	s3 =	simm.s32 @!p0 $0x1082;
	s9 =	sld [smem:$0x3F97]  }
0x2f: {  	lr =	sadd.s32 s0, s3;
	s0 =	sld [smem:$0x3F8E]  }
0x30: {  	s3 =	sld [smem:$0x3F91]  }
0x31: {  	[smem:$0x3F9A] =	sst s10  }
0x32: {  	s10 =	sld [smem:$0x3F98];
	_ =	sdelay $0x3  }
0x33: {  	p0 =	seq.s32 s10, $0x1;
	s10 =	sld [smem:$0x3F9A];
	_ =	sdelay $0x3  }
0x34: {  	[smem:$0x3F9A] =	sst s10  }
0x35: {  	s10 =	sld [smem:$0x3F99];
	_ =	sdelay $0x3  }
0x36: {  	p1 =	seq.s32 s10, $0x1;
	s10 =	sld [smem:$0x3F9A];
	_ =	sdelay $0x3  }
0x37: {  	[smem:$0x3F9A] =	sst s10  }
0x38: {  	s10 =	sld [smem:$0x3F9B]  }
0x39: {  	_ = 	snop;
	(pc) =	sbr.ind lr, $3  }
0x3a: {  	_ = 	snop  }
0x3b: {  	_ = 	snop  }
0x3c: {  	p2 =	seq.s32 s10, $0x1;
	s10 =	sld [smem:$0x3F9A]  }
0x3d: {  	_ =	shalt  }
0x3e: {  	_ =	shalt  }
0x3f: {  	_ =	shalt  }
0x40: {  	_ =	shalt  }
0x41: {  	_ =	shalt  }
0x42: {  	_ =	shalt  }
0x43: {  	_ =	shalt  }
0x44: {  	_ =	shalt  }
0x45: {  	_ =	shalt  }
0x46: {  	_ =	shalt  }
0x47: {  	_ =	shalt  }
0x48: {  	_ =	shalt  }
0x49: {  	_ =	shalt  }
0x4a: {  	_ =	shalt  }
0x4b: {  	_ =	shalt  }
0x4c: {  	_ =	shalt  }
0x4d: {  	_ =	shalt  }
0x4e: {  	_ =	shalt  }
0x4f: {  	_ =	shalt  }
0x50: {  	_ =	shalt  }
0x51: {  	_ =	shalt  }
0x52: {  	_ =	shalt  }
0x53: {  	_ =	shalt  }
0x54: {  	_ =	shalt  }
0x55: {  	_ =	shalt  }
0x56: {  	_ =	shalt  }
0x57: {  	_ =	shalt  }
0x58: {  	_ =	shalt  }
0x59: {  	_ =	shalt  }
0x5a: {  	_ =	shalt  }
0x5b: {  	_ =	shalt  }
0x5c: {  	_ =	shalt  }
0x5d: {  	_ =	shalt  }
0x5e: {  	_ =	shalt  }
0x5f: {  	_ =	shalt  }
0x60: {  	_ =	shalt  }
0x61: {  	_ =	shalt  }
0x62: {  	_ =	shalt  }
0x63: {  	_ =	shalt  }
0x64: {  	_ =	shalt  }
0x65: {  	_ =	shalt  }
0x66: {  	_ =	shalt  }
0x67: {  	_ =	shalt  }
0x68: {  	_ =	shalt  }
0x69: {  	_ =	shalt  }
0x6a: {  	_ =	shalt  }
0x6b: {  	_ =	shalt  }
0x6c: {  	_ =	shalt  }
0x6d: {  	_ =	shalt  }
0x6e: {  	_ =	shalt  }
0x6f: {  	_ =	shalt  }
0x70: {  	_ =	shalt  }
0x71: {  	_ =	shalt  }
0x72: {  	_ =	shalt  }
0x73: {  	_ =	shalt  }
0x74: {  	_ =	shalt  }
0x75: {  	_ =	shalt  }
0x76: {  	_ =	shalt  }
0x77: {  	_ =	shalt  }
0x78: {  	_ =	shalt  }
0x79: {  	_ =	shalt  }
0x7a: {  	_ =	shalt  }
0x7b: {  	_ =	shalt  }
0x7c: {  	_ =	shalt  }
0x7d: {  	_ =	shalt  }
0x7e: {  	_ =	shalt  }
0x7f: {  	_ =	shalt  }
0x80: {  	_ =	shalt  }
0x81: {  	_ =	shalt  }
0x82: {  	_ =	shalt  }
0x83: {  	_ =	shalt  }
0x84: {  	_ =	shalt  }
0x85: {  	_ =	shalt  }
0x86: {  	_ =	shalt  }
0x87: {  	_ =	shalt  }
.Lfunc_end0:
.L_simem_size_0:
called_computation.2_lowered:
.L_overlay_start_0:
0x88: {  	s2 =	sld [smem:$0x3FD9]  }
0x89: {  	s3 =	sld [smem:$0x3FFE];
	_ =	sdelay $0x1  }
0x8a: {  	s1 =	srdreg.scid  }
0x8b: {  	s0 =	sand.u32 $0x1, s1  }
0x8c: {  	s16 =	sshll.u32 s0, $0xA;
	s2 =	sadd.s32 s3, s2  }
0x8d: {  	s2 =	sadd.s32 s2, s16  }
0x8e: {  	[smem:$0x3FA6] =	sst s2  }
0x8f: {  	_ = 	snop  }
0x90: {  	(tm) =	ssettm $0x1  }
0x91: {  	s17 =	sld [smem:$0x3FFB];
	_ =	sdelay $0x3  }
0x92: {  	_ =	strace s17  }
0x93: {  	s2 =	sld [smem:$0x3FFC];
	_ =	sdelay $0x3  }
0x94: {  	_ =	strace s2  }
0x95: {  	s2 =	sld [smem:$0x3FFD];
	_ =	sdelay $0x3  }
0x96: {  	_ =	strace s2  }
0x97: {  	_ =	strace $0x8FFFFFFF  }
0x98: {  	s18 =	sld [smem:$0x3FDB];
	_ =	sdelay $0x1  }
0x99: {  	s19 =	simm.s32 $_scs_section_size  }
0x9a: {  	s4 =	simm.s32 $_size__tile_overlayer_lowered;
	s5 =	simm.s32 $_tile_overlayer_lowered  }
0x9b: {  	s22 =	simm.s32 $0x1BFF;
	s21 =	sshll.u32 s5, $0x1;
	s2 =	sadd.s32 s19, s18  }
0x9c: {  	s6 =	simm.s32 $0x0;
	s20 =	sshll.u32 s4, $0x1;
	s4 =	sadd.s32 s21, s2  }
0x9d: {  	[timem:s6], [sflag:s22] =	dma.local [hbm:s4], s20  }
0x9e: {  	_ =	swait.ge [sflag:s22], s20  }
0x9f: {  	s3 =	ssub.s32 $0x0, s20;
	[sflag:s22] =	ssyncset.done $0x0  }
0xa0: {  	[sflag:s22] =	ssyncadd.s32 s3;
	_ =	sdelay $0x1  }
0xa1: {  	s23 =	simm.s32 $0x1B8B  }
0xa2: {  	_ =	swait.ge [sflag:s23], $0x1  }
0xa3: {  	[sflag:s23] =	ssyncset.done $0x0  }
0xa4: {  	s25 =	simm.s32 $0x1B8E;
	s24 =	sld [smem:$0x3FFE];
	[sflag:s23] =	ssyncadd.s32 $0xFFFFFFFF  }
0xa5: {  	s26 =	simm.s32 $execute0_lowered;
	[smem:$0x3FD2] =	sst s25  }
0xa6: {  	s4 =	sshll.u32 s26, $0x1;
	_ =	strace $0x8000004C;
	[dreg:$0x1] =	wrdreg $0xFFFFFFFF  }
0xa7: {  	s28 =	simm.s32 $_size_execute0_lowered;
	s2 =	sadd.s32 s2, s4;
	[dreg:$0x0] =	wrdreg $0x0  }
0xa8: {  	s4 =	sshll.u32 s28, $0x1;
	[dreg:$0x2] =	wrdreg s2  }
0xa9: {  	[dreg:$0x3] =	wrdreg s4  }
0xaa: {  	[dreg:$0x4] =	wrdreg $0xC0  }
0xab: {  	_ =	task [dreg:s6], $0x5FFFF  }
0xac: {  	[dreg:$0x1] =	wrdreg $0xFFFFFFFF  }
0xad: {  	[dreg:$0x0] =	wrdreg $0x60  }
0xae: {  	[dreg:$0x2] =	wrdreg s24  }
0xaf: {  	[dreg:$0x3] =	wrdreg $0x68000  }
0xb0: {  	[dreg:$0x4] =	wrdreg $0x9  }
0xb1: {  	_ =	task.clear_ibuf [dreg:s6], $0x5FFFF;
	_ =	strace $0x9000004C  }
0xb2: {  	s29 =	simm.s32 $0x9;
	_ =	strace $0x8000004E  }
0xb3: {  	_ =	swait.ge [sflag:s29], $0x1  }
0xb4: {  	[sflag:s29] =	ssyncadd.s32 $0xFFFFFFFF  }
0xb5: {  	_ =	strace $0x9000004E  }
0xb6: {  	_ =	sfence  }
0xb7: {  	s30 =	sld [smem:$0x0];
	_ =	sdelay $0x2  }
0xb8: {  	s31 =	sshll.u32 s1, $0xD;
	s1 =	sshrl.u32 s1, $0x2  }
0xb9: {  	s3 =	sand.u32 $0x4000, s31;
	s1 =	sadd.s32 s1, s30  }
0xba: {  	s0 =	sor.u32 s3, s0;
	s1 =	sshll.u32 s1, $0x11  }
0xbb: {  	s0 =	sor.u32 s1, s0  }
0xbc: {  	s0 =	sadd.s32 $0x8F2B, s0  }
0xbd: {  	[sflag:s0] =	ssyncadd.remote.s32 $0x1  }
0xbe: {  	_ =	sfence.sel $0xFFFF  }
0xbf: {  	[dreg:$0x0] =	wrdreg $0xFFFFFFFF;
	(pc) =	sbr.abs _section_cstart, $3  }
0xc0: {  	[dreg:$0x1] =	wrdreg $0xFFFFFFFF  }
0xc1: {  	_ =	task.clear_ibuf [dreg:s6], $0x2FFFF;
	_ =	strace $0x9FFFFFFF  }
0xc2: {  	(tm) =	ssettm $0x7FFFFFFF  }
0xc3: {  	_ =	shalt  }
tec
execute0_lowered:
.L_overlay_start_1:
0x0: {  	(tag) =	ssettag $0x1  }
0x1: {  	s8 =	rddreg [dreg:$0x0]  }
0x2: {  	s2 =	rddreg [dreg:$0x1]  }
0x3: {  	s0 =	rddreg [dreg:$0x2];
	s4 =	srdreg.scid  }
0x4: {  	s1 =	stileid.u32;
	s3 =	simm.s32 $0x0;
	s14 =	simm.s32 $0x1400  }
0x5: {  	s15 =	simm.s32 $0x80;
	s16 =	simm.s32 $0x2800;
	s17 =	simm.s32 $0x3000  }
0x6: {  	s18 =	simm.s32 $0x3800;
	s19 =	simm.s32 $0x4000;
	s20 =	simm.s32 $0x4800  }
0x7: {  	s21 =	simm.s32 $0x5000;
	s22 =	simm.s32 $0x5800;
	s23 =	simm.s32 $0x6000  }
0x8: {  	s24 =	simm.s32 $0x1;
	s25 =	simm.s32 $0x2;
	s9 =	sand.u32 $0x1, s4  }
0x9: {  	s10 =	smul.u32 $0xC800, s1;
	[smem:$0x7FF] =	sst s3;
	s4 =	sadd.s32 $0x50E00, s8  }
0xa: {  	s5 =	sadd.s32 $0x1EE00, s8;
	s6 =	sadd.s32 $0x12D400, s8;
	s29 =	sshll.u32 s1, $0x1  }
0xb: {  	s31 =	sshll.u32 s1, $0x6;
	s7 =	smul.u32 $0xC8000, s9;
	s12 =	ssub.s32 $0x2, s9  }
0xc: {  	_ =	strace $0x8000004D;
	s9 =	sor.u32 s9, s29;
	s13 =	sshrl.u32 s12, $0x1  }
0xd: {  	s30 =	sadd.s32 s10, s2;
	s9 =	smul.u32 $0xC8, s9;
	s11 =	sadd.s32 s10, s7  }
0xe: {  	s7 =	sadd.s32 $0x37E00, s8;
	s12 =	ssub.s32 s12, s13;
	s11 =	sshrl.u32 s11, $0x3  }
0xf: {  	s13 =	simm.s32 $0x3;
	s11 =	sadd.s32 s11, s8;
	s8 =	sor.u32 $0x1C03, s31  }
0x10: {  	s10 =	sadd.s32 $0x145C00, s11;
	s11 =	smax.u32 s12, $0x1;
	s12 =	sshrl.u32 s30, $0x3  }
.LBB2_1:
0x11: {  	[spmem:s12], [sflag:s8] =	dma.local [hbm:s7], $0x1900  }
0x12: {  	_ =	swait.ge [sflag:s13], $0x1900  }
0x13: {  	[sflag:s13] =	ssyncset.done $0x0  }
0x14: {  	[sflag:s13] =	ssyncadd.s32 $0xFFFFE700  }
0x15: {  	s26 =	simm.s32 $0x0;
	[bflag:$0x0] =	sbarrier.arrive $0xFFFF  }
.LBB2_2:
0x16: {  	s28 =	smul.u32 $0x28, s26;
	_ =	sdelay $0x1  }
0x17: {  	s28 =	sadd.s32 s9, s28  }
0x18: {  	s28 =	sshll.u32 s28, $0x4  }
0x19: {  	s30 =	simm.s32 $0x0;
	s29 =	sadd.s32 s4, s28  }
0x1a: {  	[tilespmem:s30], [sflag:$0x3] =	stream.linear.gather [hbm4b:s29+s30], $0x1400, $0x38;
	[tilespmem:$0x13000] =	vst v63  }
0x1b: {  	_ =	swait.ge [sflag:s13], $0x1400  }
0x1c: {  	[sflag:s13] =	ssyncset.done $0x0  }
0x1d: {  	s28 =	sadd.s32 s5, s28;
	[sflag:s13] =	ssyncadd.s32 $0xFFFFEC00  }
0x1e: {  	[tilespmem:s14], [sflag:$0x3] =	stream.linear.gather [hbm4b:s28+s30], $0x1400, $0x38;
	[tilespmem:$0x13000] =	vst v63  }
0x1f: {  	_ =	swait.ge [sflag:s13], $0x1400  }
0x20: {  	[sflag:s13] =	ssyncset.done $0x0  }
0x21: {  	s28 =	simm.s32 $0x0;
	[sflag:s13] =	ssyncadd.s32 $0xFFFFEC00  }
0x22: {  	[tilespmem:s16], [sflag:$0x1] =	stream.indirect.gather [hbm4b:s6+s15], $0x10, s28, s15, $0xb8;
	[tilespmem:$0x13000] =	vst v63  }
0x23: {  	s28 =	simm.s32 $0x80  }
0x24: {  	[tilespmem:s17], [sflag:$0x1] =	stream.indirect.gather [hbm4b:s6+s15], $0x10, s28, s15, $0xb8;
	[tilespmem:$0x13000] =	vst v63  }
0x25: {  	s28 =	simm.s32 $0x100  }
0x26: {  	[tilespmem:s18], [sflag:$0x1] =	stream.indirect.gather [hbm4b:s6+s15], $0x10, s28, s15, $0xb8;
	[tilespmem:$0x13000] =	vst v63  }
0x27: {  	s28 =	simm.s32 $0x180  }
0x28: {  	[tilespmem:s19], [sflag:$0x1] =	stream.indirect.gather [hbm4b:s6+s15], $0x10, s28, s15, $0xb8;
	[tilespmem:$0x13000] =	vst v63  }
0x29: {  	s28 =	simm.s32 $0x200  }
0x2a: {  	[tilespmem:s20], [sflag:$0x1] =	stream.indirect.gather [hbm4b:s6+s15], $0x10, s28, s15, $0xb8;
	[tilespmem:$0x13000] =	vst v63  }
0x2b: {  	s28 =	simm.s32 $0x280  }
0x2c: {  	[tilespmem:s21], [sflag:$0x1] =	stream.indirect.gather [hbm4b:s6+s15], $0x10, s28, s15, $0xb8;
	[tilespmem:$0x13000] =	vst v63  }
0x2d: {  	s28 =	simm.s32 $0x300  }
0x2e: {  	[tilespmem:s22], [sflag:$0x1] =	stream.indirect.gather [hbm4b:s6+s15], $0x10, s28, s15, $0xb8;
	[tilespmem:$0x13000] =	vst v63  }
0x2f: {  	s28 =	simm.s32 $0x380  }
0x30: {  	[tilespmem:s23], [sflag:$0x1] =	stream.indirect.gather [hbm4b:s6+s15], $0x10, s28, s15, $0xb8;
	[tilespmem:$0x13000] =	vst v63  }
0x31: {  	_ =	swait.ge [sflag:s24], $0x800  }
0x32: {  	[sflag:s24] =	ssyncset.done $0x0  }
0x33: {  	[sflag:s24] =	ssyncadd.s32 $0xFFFFF800  }
0x34: {  	_ =	swait.ge [sflag:s24], $0x800  }
0x35: {  	[sflag:s24] =	ssyncset.done $0x0  }
0x36: {  	[sflag:s24] =	ssyncadd.s32 $0xFFFFF800  }
0x37: {  	_ =	swait.ge [sflag:s24], $0x800  }
0x38: {  	[sflag:s24] =	ssyncset.done $0x0  }
0x39: {  	[sflag:s24] =	ssyncadd.s32 $0xFFFFF800  }
0x3a: {  	_ =	swait.ge [sflag:s24], $0x800  }
0x3b: {  	[sflag:s24] =	ssyncset.done $0x0  }
0x3c: {  	[sflag:s24] =	ssyncadd.s32 $0xFFFFF800  }
0x3d: {  	_ =	swait.ge [sflag:s24], $0x800  }
0x3e: {  	[sflag:s24] =	ssyncset.done $0x0  }
0x3f: {  	[sflag:s24] =	ssyncadd.s32 $0xFFFFF800  }
0x40: {  	_ =	swait.ge [sflag:s24], $0x800  }
0x41: {  	[sflag:s24] =	ssyncset.done $0x0  }
0x42: {  	[sflag:s24] =	ssyncadd.s32 $0xFFFFF800  }
0x43: {  	_ =	swait.ge [sflag:s24], $0x800  }
0x44: {  	[sflag:s24] =	ssyncset.done $0x0  }
0x45: {  	[sflag:s24] =	ssyncadd.s32 $0xFFFFF800  }
0x46: {  	_ =	swait.ge [sflag:s24], $0x800  }
0x47: {  	[sflag:s24] =	ssyncset.done $0x0  }
0x48: {  	s28 =	simm.s32 $0x1400;
	[sflag:s24] =	ssyncadd.s32 $0xFFFFF800  }
0x49: {  	[spmem:s2] =	stream.indirect.scatter.add.f32 [tilespmem:s16], [sflag:$0x2], $0x10, s28, s15, $0xb8;
	[tilespmem:$0x13000] =	vst v63  }
0x4a: {  	s28 =	simm.s32 $0x1480  }
0x4b: {  	[spmem:s2] =	stream.indirect.scatter.add.f32 [tilespmem:s17], [sflag:$0x2], $0x10, s28, s15, $0xb8;
	[tilespmem:$0x13000] =	vst v63  }
0x4c: {  	s28 =	simm.s32 $0x1500  }
0x4d: {  	[spmem:s2] =	stream.indirect.scatter.add.f32 [tilespmem:s18], [sflag:$0x2], $0x10, s28, s15, $0xb8;
	[tilespmem:$0x13000] =	vst v63  }
0x4e: {  	s28 =	simm.s32 $0x1580  }
0x4f: {  	[spmem:s2] =	stream.indirect.scatter.add.f32 [tilespmem:s19], [sflag:$0x2], $0x10, s28, s15, $0xb8;
	[tilespmem:$0x13000] =	vst v63  }
0x50: {  	s28 =	simm.s32 $0x1600  }
0x51: {  	[spmem:s2] =	stream.indirect.scatter.add.f32 [tilespmem:s20], [sflag:$0x2], $0x10, s28, s15, $0xb8;
	[tilespmem:$0x13000] =	vst v63  }
0x52: {  	s28 =	simm.s32 $0x1680  }
0x53: {  	[spmem:s2] =	stream.indirect.scatter.add.f32 [tilespmem:s21], [sflag:$0x2], $0x10, s28, s15, $0xb8;
	[tilespmem:$0x13000] =	vst v63  }
0x54: {  	s28 =	simm.s32 $0x1700  }
0x55: {  	[spmem:s2] =	stream.indirect.scatter.add.f32 [tilespmem:s22], [sflag:$0x2], $0x10, s28, s15, $0xb8;
	[tilespmem:$0x13000] =	vst v63  }
0x56: {  	s28 =	simm.s32 $0x1780  }
0x57: {  	[spmem:s2] =	stream.indirect.scatter.add.f32 [tilespmem:s23], [sflag:$0x2], $0x10, s28, s15, $0xb8;
	[tilespmem:$0x13000] =	vst v63  }
0x58: {  	_ =	swait.ge [sflag:s25], $0x800  }
0x59: {  	[sflag:s25] =	ssyncset.done $0x0  }
0x5a: {  	[sflag:s25] =	ssyncadd.s32 $0xFFFFF800  }
0x5b: {  	_ =	swait.ge [sflag:s25], $0x800  }
0x5c: {  	[sflag:s25] =	ssyncset.done $0x0  }
0x5d: {  	[sflag:s25] =	ssyncadd.s32 $0xFFFFF800  }
0x5e: {  	_ =	swait.ge [sflag:s25], $0x800  }
0x5f: {  	[sflag:s25] =	ssyncset.done $0x0  }
0x60: {  	[sflag:s25] =	ssyncadd.s32 $0xFFFFF800  }
0x61: {  	_ =	swait.ge [sflag:s25], $0x800  }
0x62: {  	[sflag:s25] =	ssyncset.done $0x0  }
0x63: {  	[sflag:s25] =	ssyncadd.s32 $0xFFFFF800  }
0x64: {  	_ =	swait.ge [sflag:s25], $0x800  }
0x65: {  	[sflag:s25] =	ssyncset.done $0x0  }
0x66: {  	[sflag:s25] =	ssyncadd.s32 $0xFFFFF800  }
0x67: {  	_ =	swait.ge [sflag:s25], $0x800  }
0x68: {  	[sflag:s25] =	ssyncset.done $0x0  }
0x69: {  	[sflag:s25] =	ssyncadd.s32 $0xFFFFF800  }
0x6a: {  	_ =	swait.ge [sflag:s25], $0x800  }
0x6b: {  	[sflag:s25] =	ssyncset.done $0x0  }
0x6c: {  	[sflag:s25] =	ssyncadd.s32 $0xFFFFF800  }
0x6d: {  	_ =	swait.ge [sflag:s25], $0x800  }
0x6e: {  	s31 =	simm.s32 $0x2000;
	s28 =	simm.s32 $0x1000;
	[sflag:s25] =	ssyncset.done $0x0  }
.LBB2_3:
0x6f: {  	s30 =	sshra.s32 s28, $0x2  }
0x70: {  	[sflag:s25] =	ssyncadd.s32 $0xFFFFF800;
	s28 =	smov.u32 s31;
	s29 =	sadd.s32 $0x1000, s31  }
0x71: {  	[tilespmem:s16], [sflag:$0x1] =	stream.indirect.gather [hbm4b:s6+s15], $0x10, s30, s15, $0xb8;
	[tilespmem:$0x13000] =	vst v63  }
0x72: {  	p0 =	sne.s32 s31, $0x4000;
	s31 =	sadd.s32 $0x80, s30  }
0x73: {  	[tilespmem:s17], [sflag:$0x1] =	stream.indirect.gather [hbm4b:s6+s15], $0x10, s31, s15, $0xb8;
	[tilespmem:$0x13000] =	vst v63  }
0x74: {  	s31 =	sadd.s32 $0x100, s30  }
0x75: {  	[tilespmem:s18], [sflag:$0x1] =	stream.indirect.gather [hbm4b:s6+s15], $0x10, s31, s15, $0xb8;
	[tilespmem:$0x13000] =	vst v63  }
0x76: {  	s31 =	sadd.s32 $0x180, s30  }
0x77: {  	[tilespmem:s19], [sflag:$0x1] =	stream.indirect.gather [hbm4b:s6+s15], $0x10, s31, s15, $0xb8;
	[tilespmem:$0x13000] =	vst v63  }
0x78: {  	s31 =	sadd.s32 $0x200, s30  }
0x79: {  	[tilespmem:s20], [sflag:$0x1] =	stream.indirect.gather [hbm4b:s6+s15], $0x10, s31, s15, $0xb8;
	[tilespmem:$0x13000] =	vst v63  }
0x7a: {  	s31 =	sadd.s32 $0x280, s30  }
0x7b: {  	[tilespmem:s21], [sflag:$0x1] =	stream.indirect.gather [hbm4b:s6+s15], $0x10, s31, s15, $0xb8;
	[tilespmem:$0x13000] =	vst v63  }
0x7c: {  	s31 =	sadd.s32 $0x300, s30  }
0x7d: {  	[tilespmem:s22], [sflag:$0x1] =	stream.indirect.gather [hbm4b:s6+s15], $0x10, s31, s15, $0xb8;
	[tilespmem:$0x13000] =	vst v63  }
0x7e: {  	s31 =	sadd.s32 $0x380, s30  }
0x7f: {  	[tilespmem:s23], [sflag:$0x1] =	stream.indirect.gather [hbm4b:s6+s15], $0x10, s31, s15, $0xb8;
	[tilespmem:$0x13000] =	vst v63  }
0x80: {  	_ =	swait.ge [sflag:s24], $0x800  }
0x81: {  	[sflag:s24] =	ssyncset.done $0x0  }
0x82: {  	[sflag:s24] =	ssyncadd.s32 $0xFFFFF800  }
0x83: {  	_ =	swait.ge [sflag:s24], $0x800  }
0x84: {  	[sflag:s24] =	ssyncset.done $0x0  }
0x85: {  	[sflag:s24] =	ssyncadd.s32 $0xFFFFF800  }
0x86: {  	_ =	swait.ge [sflag:s24], $0x800  }
0x87: {  	[sflag:s24] =	ssyncset.done $0x0  }
0x88: {  	[sflag:s24] =	ssyncadd.s32 $0xFFFFF800  }
0x89: {  	_ =	swait.ge [sflag:s24], $0x800  }
0x8a: {  	[sflag:s24] =	ssyncset.done $0x0  }
0x8b: {  	[sflag:s24] =	ssyncadd.s32 $0xFFFFF800  }
0x8c: {  	_ =	swait.ge [sflag:s24], $0x800  }
0x8d: {  	[sflag:s24] =	ssyncset.done $0x0  }
0x8e: {  	[sflag:s24] =	ssyncadd.s32 $0xFFFFF800  }
0x8f: {  	_ =	swait.ge [sflag:s24], $0x800  }
0x90: {  	[sflag:s24] =	ssyncset.done $0x0  }
0x91: {  	[sflag:s24] =	ssyncadd.s32 $0xFFFFF800  }
0x92: {  	_ =	swait.ge [sflag:s24], $0x800  }
0x93: {  	[sflag:s24] =	ssyncset.done $0x0  }
0x94: {  	[sflag:s24] =	ssyncadd.s32 $0xFFFFF800  }
0x95: {  	_ =	swait.ge [sflag:s24], $0x800  }
0x96: {  	[sflag:s24] =	ssyncset.done $0x0  }
0x97: {  	s31 =	sadd.s32 $0x1400, s30;
	[sflag:s24] =	ssyncadd.s32 $0xFFFFF800  }
0x98: {  	[spmem:s2] =	stream.indirect.scatter.add.f32 [tilespmem:s16], [sflag:$0x2], $0x10, s31, s15, $0xb8;
	[tilespmem:$0x13000] =	vst v63  }
0x99: {  	s31 =	sadd.s32 $0x1480, s30  }
0x9a: {  	[spmem:s2] =	stream.indirect.scatter.add.f32 [tilespmem:s17], [sflag:$0x2], $0x10, s31, s15, $0xb8;
	[tilespmem:$0x13000] =	vst v63  }
0x9b: {  	s31 =	sadd.s32 $0x1500, s30  }
0x9c: {  	[spmem:s2] =	stream.indirect.scatter.add.f32 [tilespmem:s18], [sflag:$0x2], $0x10, s31, s15, $0xb8;
	[tilespmem:$0x13000] =	vst v63  }
0x9d: {  	s31 =	sadd.s32 $0x1580, s30  }
0x9e: {  	[spmem:s2] =	stream.indirect.scatter.add.f32 [tilespmem:s19], [sflag:$0x2], $0x10, s31, s15, $0xb8;
	[tilespmem:$0x13000] =	vst v63  }
0x9f: {  	s31 =	sadd.s32 $0x1600, s30  }
0xa0: {  	[spmem:s2] =	stream.indirect.scatter.add.f32 [tilespmem:s20], [sflag:$0x2], $0x10, s31, s15, $0xb8;
	[tilespmem:$0x13000] =	vst v63  }
0xa1: {  	s31 =	sadd.s32 $0x1680, s30  }
0xa2: {  	[spmem:s2] =	stream.indirect.scatter.add.f32 [tilespmem:s21], [sflag:$0x2], $0x10, s31, s15, $0xb8;
	[tilespmem:$0x13000] =	vst v63  }
0xa3: {  	s31 =	sadd.s32 $0x1700, s30  }
0xa4: {  	[spmem:s2] =	stream.indirect.scatter.add.f32 [tilespmem:s22], [sflag:$0x2], $0x10, s31, s15, $0xb8;
	[tilespmem:$0x13000] =	vst v63  }
0xa5: {  	s30 =	sadd.s32 $0x1780, s30  }
0xa6: {  	[spmem:s2] =	stream.indirect.scatter.add.f32 [tilespmem:s23], [sflag:$0x2], $0x10, s30, s15, $0xb8;
	[tilespmem:$0x13000] =	vst v63  }
0xa7: {  	_ =	swait.ge [sflag:s25], $0x800  }
0xa8: {  	[sflag:s25] =	ssyncset.done $0x0  }
0xa9: {  	[sflag:s25] =	ssyncadd.s32 $0xFFFFF800  }
0xaa: {  	_ =	swait.ge [sflag:s25], $0x800  }
0xab: {  	[sflag:s25] =	ssyncset.done $0x0  }
0xac: {  	[sflag:s25] =	ssyncadd.s32 $0xFFFFF800  }
0xad: {  	_ =	swait.ge [sflag:s25], $0x800  }
0xae: {  	[sflag:s25] =	ssyncset.done $0x0  }
0xaf: {  	[sflag:s25] =	ssyncadd.s32 $0xFFFFF800  }
0xb0: {  	_ =	swait.ge [sflag:s25], $0x800  }
0xb1: {  	[sflag:s25] =	ssyncset.done $0x0  }
0xb2: {  	[sflag:s25] =	ssyncadd.s32 $0xFFFFF800  }
0xb3: {  	_ =	swait.ge [sflag:s25], $0x800  }
0xb4: {  	[sflag:s25] =	ssyncset.done $0x0  }
0xb5: {  	[sflag:s25] =	ssyncadd.s32 $0xFFFFF800  }
0xb6: {  	_ =	swait.ge [sflag:s25], $0x800  }
0xb7: {  	[sflag:s25] =	ssyncset.done $0x0  }
0xb8: {  	[sflag:s25] =	ssyncadd.s32 $0xFFFFF800  }
.Ltmp0:
0xb9: {  	_ =	swait.ge [sflag:s25], $0x800;
	(pc) =	sbr.rel @p0 .LBB2_3-.Ltmp0, $4  }
0xba: {  	[sflag:s25] =	ssyncset.done $0x0  }
0xbb: {  	[sflag:s25] =	ssyncadd.s32 $0xFFFFF800  }
0xbc: {  	_ =	swait.ge [sflag:s25], $0x800  }
0xbd: {  	s31 =	smov.u32 s29;
	[sflag:s25] =	ssyncset.done $0x0  }
0xbe: {  	s28 =	sshra.s32 s28, $0x2;
	[sflag:s25] =	ssyncadd.s32 $0xFFFFF800  }
0xbf: {  	[tilespmem:s16], [sflag:$0x1] =	stream.indirect.gather [hbm4b:s6+s15], $0x10, s28, s15, $0xb8;
	[tilespmem:$0x13000] =	vst v63  }
0xc0: {  	s29 =	sadd.s32 $0x80, s28  }
0xc1: {  	[tilespmem:s17], [sflag:$0x1] =	stream.indirect.gather [hbm4b:s6+s15], $0x10, s29, s15, $0xb8;
	[tilespmem:$0x13000] =	vst v63  }
0xc2: {  	s31 =	sadd.s32 $0x100, s28  }
0xc3: {  	[tilespmem:s18], [sflag:$0x1] =	stream.indirect.gather [hbm4b:s6+s15], $0x10, s31, s15, $0xb8;
	[tilespmem:$0x13000] =	vst v63  }
0xc4: {  	s30 =	sadd.s32 $0x180, s28  }
0xc5: {  	[tilespmem:s19], [sflag:$0x1] =	stream.indirect.gather [hbm4b:s6+s15], $0x10, s30, s15, $0xb8;
	[tilespmem:$0x13000] =	vst v63  }
0xc6: {  	s31 =	sadd.s32 $0x200, s28  }
0xc7: {  	[tilespmem:s20], [sflag:$0x1] =	stream.indirect.gather [hbm4b:s6+s15], $0x10, s31, s15, $0xb8;
	[tilespmem:$0x13000] =	vst v63  }
0xc8: {  	s30 =	sadd.s32 $0x280, s28  }
0xc9: {  	[tilespmem:s21], [sflag:$0x1] =	stream.indirect.gather [hbm4b:s6+s15], $0x10, s30, s15, $0xb8;
	[tilespmem:$0x13000] =	vst v63  }
0xca: {  	s31 =	sadd.s32 $0x300, s28  }
0xcb: {  	[tilespmem:s22], [sflag:$0x1] =	stream.indirect.gather [hbm4b:s6+s15], $0x10, s31, s15, $0xb8;
	[tilespmem:$0x13000] =	vst v63  }
0xcc: {  	s30 =	sadd.s32 $0x380, s28  }
0xcd: {  	[tilespmem:s23], [sflag:$0x1] =	stream.indirect.gather [hbm4b:s6+s15], $0x10, s30, s15, $0xb8;
	[tilespmem:$0x13000] =	vst v63  }
0xce: {  	_ =	swait.ge [sflag:s24], $0x800  }
0xcf: {  	[sflag:s24] =	ssyncset.done $0x0  }
0xd0: {  	[sflag:s24] =	ssyncadd.s32 $0xFFFFF800  }
0xd1: {  	_ =	swait.ge [sflag:s24], $0x800  }
0xd2: {  	[sflag:s24] =	ssyncset.done $0x0  }
0xd3: {  	[sflag:s24] =	ssyncadd.s32 $0xFFFFF800  }
0xd4: {  	_ =	swait.ge [sflag:s24], $0x800  }
0xd5: {  	[sflag:s24] =	ssyncset.done $0x0  }
0xd6: {  	[sflag:s24] =	ssyncadd.s32 $0xFFFFF800  }
0xd7: {  	_ =	swait.ge [sflag:s24], $0x800  }
0xd8: {  	[sflag:s24] =	ssyncset.done $0x0  }
0xd9: {  	[sflag:s24] =	ssyncadd.s32 $0xFFFFF800  }
0xda: {  	_ =	swait.ge [sflag:s24], $0x800  }
0xdb: {  	[sflag:s24] =	ssyncset.done $0x0  }
0xdc: {  	[sflag:s24] =	ssyncadd.s32 $0xFFFFF800  }
0xdd: {  	_ =	swait.ge [sflag:s24], $0x800  }
0xde: {  	[sflag:s24] =	ssyncset.done $0x0  }
0xdf: {  	[sflag:s24] =	ssyncadd.s32 $0xFFFFF800  }
0xe0: {  	_ =	swait.ge [sflag:s24], $0x800  }
0xe1: {  	[sflag:s24] =	ssyncset.done $0x0  }
0xe2: {  	[sflag:s24] =	ssyncadd.s32 $0xFFFFF800  }
0xe3: {  	_ =	swait.ge [sflag:s24], $0x800  }
0xe4: {  	[sflag:s24] =	ssyncset.done $0x0  }
0xe5: {  	s31 =	sadd.s32 $0x1400, s28;
	[sflag:s24] =	ssyncadd.s32 $0xFFFFF800  }
0xe6: {  	[spmem:s2] =	stream.indirect.scatter.add.f32 [tilespmem:s16], [sflag:$0x2], $0x10, s31, s15, $0xb8;
	[tilespmem:$0x13000] =	vst v63  }
0xe7: {  	s30 =	sadd.s32 $0x1480, s28  }
0xe8: {  	[spmem:s2] =	stream.indirect.scatter.add.f32 [tilespmem:s17], [sflag:$0x2], $0x10, s30, s15, $0xb8;
	[tilespmem:$0x13000] =	vst v63  }
0xe9: {  	s31 =	sadd.s32 $0x1500, s28  }
0xea: {  	[spmem:s2] =	stream.indirect.scatter.add.f32 [tilespmem:s18], [sflag:$0x2], $0x10, s31, s15, $0xb8;
	[tilespmem:$0x13000] =	vst v63  }
0xeb: {  	s30 =	sadd.s32 $0x1580, s28  }
0xec: {  	[spmem:s2] =	stream.indirect.scatter.add.f32 [tilespmem:s19], [sflag:$0x2], $0x10, s30, s15, $0xb8;
	[tilespmem:$0x13000] =	vst v63  }
0xed: {  	s31 =	sadd.s32 $0x1600, s28  }
0xee: {  	[spmem:s2] =	stream.indirect.scatter.add.f32 [tilespmem:s20], [sflag:$0x2], $0x10, s31, s15, $0xb8;
	[tilespmem:$0x13000] =	vst v63  }
0xef: {  	s30 =	sadd.s32 $0x1680, s28  }
0xf0: {  	[spmem:s2] =	stream.indirect.scatter.add.f32 [tilespmem:s21], [sflag:$0x2], $0x10, s30, s15, $0xb8;
	[tilespmem:$0x13000] =	vst v63  }
0xf1: {  	s31 =	sadd.s32 $0x1700, s28  }
0xf2: {  	[spmem:s2] =	stream.indirect.scatter.add.f32 [tilespmem:s22], [sflag:$0x2], $0x10, s31, s15, $0xb8;
	[tilespmem:$0x13000] =	vst v63  }
0xf3: {  	s28 =	sadd.s32 $0x1780, s28  }
0xf4: {  	[spmem:s2] =	stream.indirect.scatter.add.f32 [tilespmem:s23], [sflag:$0x2], $0x10, s28, s15, $0xb8;
	[tilespmem:$0x13000] =	vst v63  }
0xf5: {  	_ =	swait.ge [sflag:s25], $0x800  }
0xf6: {  	[sflag:s25] =	ssyncset.done $0x0  }
0xf7: {  	[sflag:s25] =	ssyncadd.s32 $0xFFFFF800  }
0xf8: {  	_ =	swait.ge [sflag:s25], $0x800  }
0xf9: {  	[sflag:s25] =	ssyncset.done $0x0  }
0xfa: {  	[sflag:s25] =	ssyncadd.s32 $0xFFFFF800  }
0xfb: {  	_ =	swait.ge [sflag:s25], $0x800  }
0xfc: {  	[sflag:s25] =	ssyncset.done $0x0  }
0xfd: {  	[sflag:s25] =	ssyncadd.s32 $0xFFFFF800  }
0xfe: {  	_ =	swait.ge [sflag:s25], $0x800  }
0xff: {  	[sflag:s25] =	ssyncset.done $0x0  }
0x100: {  	[sflag:s25] =	ssyncadd.s32 $0xFFFFF800  }
0x101: {  	_ =	swait.ge [sflag:s25], $0x800  }
0x102: {  	[sflag:s25] =	ssyncset.done $0x0  }
0x103: {  	[sflag:s25] =	ssyncadd.s32 $0xFFFFF800  }
0x104: {  	_ =	swait.ge [sflag:s25], $0x800  }
0x105: {  	[sflag:s25] =	ssyncset.done $0x0  }
0x106: {  	s26 =	sadd.s32 $0x1, s26;
	[sflag:s25] =	ssyncadd.s32 $0xFFFFF800  }
0x107: {  	p0 =	sne.s32 s26, $0x5;
	_ =	swait.ge [sflag:s25], $0x800  }
.Ltmp1:
0x108: {  	[sflag:s25] =	ssyncset.done $0x0;
	(pc) =	sbr.rel @p0 .LBB2_2-.Ltmp1, $4  }
0x109: {  	[sflag:s25] =	ssyncadd.s32 $0xFFFFF800  }
0x10a: {  	_ =	swait.ge [sflag:s25], $0x800  }
0x10b: {  	[sflag:s25] =	ssyncset.done $0x0  }
0x10c: {  	[sflag:s25] =	ssyncadd.s32 $0xFFFFF800  }
0x10d: {  	s3 =	sadd.s32 $0x1, s3  }
0x10e: {  	p0 =	sne.s32 s3, s11  }
.Ltmp2:
0x10f: {  	[bflag:$0x0] =	sbarrier.arrive $0xFFFF;
	(pc) =	sbr.rel @p0 .LBB2_1-.Ltmp2, $4  }
0x110: {  	[hbm:s10], [sflag:s8] =	dma.local [spmem:s12], $0x1900  }
0x111: {  	_ =	swait.ge [sflag:s13], $0x1900  }
0x112: {  	[sflag:s13] =	ssyncset.done $0x0  }
0x113: {  	[sflag:s13] =	ssyncadd.s32 $0xFFFFE700  }
0x114: {  	_ =	sfence.sel $0x180000  }
0x115: {  	[bflag:$0x0] =	sbarrier.arrive $0xFFFF  }
0x116: {  	p0 =	sne.s32 s1, $0x0;
	_ =	strace $0x9000004D  }
0x117: {  	s0 =	sadd.s32 @!p0 $0x100000, s0;
	[bflag:$0x2] =	sbarrier.arrive $0xFFFF  }
0x118: {  	[sflag:s0] =	ssyncadd.tile.s32 @!p0 $0x1;
	_ =	shalt  }
.Lfunc_end2:
_tile_overlayer_lowered:
.L_overlay_start_2:
0x119: {  	(tag) =	ssettag $0x2  }
0x11a: {  	s0 =	rddreg [dreg:$0x0];
	s2 =	stileid.u32  }
0x11b: {  	s1 =	rddreg [dreg:$0x1];
	p0 =	sne.s32 s2, $0x0  }
0x11c: {  	s3 =	rddreg [dreg:$0x2];
	[bflag:$0x3] =	sbarrier.arrive $0xFFFF;
	s2 =	simm.s32 @!p0 $0x1C03  }
0x11d: {  	[timem:s3], [sflag:s2] =	dma.local @!p0 [hbm:s0], s1  }
0x11e: {  	s0 =	simm.s32 @!p0 $0x3  }
0x11f: {  	_ =	swait.ge @!p0 [sflag:s0], s1  }
0x120: {  	s1 =	ssub.s32 @!p0 $0x0, s1;
	[sflag:s0] =	ssyncset.done @!p0 $0x0  }
0x121: {  	[sflag:s0] =	ssyncadd.s32 @!p0 s1  }
0x122: {  	[bflag:$0x3] =	sbarrier.arrive $0xFFFF  }
0x123: {  	_ =	shalt  }

// kernel: kernel.13.cloned.1.call-start
scs
__scs_entry_jumppad:
0x0: {  	(pc) =	sbr.rel $0x88, $3  }
0x1: {  	(tag) =	ssettag $0x0;
	lr =	simm.s32 $0x1  }
0x2: {  	[smem:$0x3F7F] =	sst lr;
	_ =	strace $0xD0000000  }
0x3: {  	_ = 	snop  }
0x4: {  	_ = 	snop  }
0x5: {  	_ = 	snop  }
0x6: {  	_ = 	snop  }
0x7: {  	_ = 	snop  }
__scs_overlays_trampoline_lowered:
0x8: {  	[smem:$0x3F8E] =	sst s0  }
0x9: {  	[smem:$0x3F8F] =	sst s1  }
0xa: {  	[smem:$0x3F90] =	sst s2  }
0xb: {  	[smem:$0x3F91] =	sst s3  }
0xc: {  	[smem:$0x3F92] =	sst s4  }
0xd: {  	[smem:$0x3F93] =	sst s5  }
0xe: {  	[smem:$0x3F94] =	sst s6  }
0xf: {  	[smem:$0x3F95] =	sst s7  }
0x10: {  	[smem:$0x3F96] =	sst s8  }
0x11: {  	[smem:$0x3F97] =	sst s9;
	s0 =	simm.s32 @!p0 $0x0  }
0x12: {  	s1 =	sld [smem:$0x3F7D];
	s0 =	simm.s32 @p0 $0x1  }
0x13: {  	[smem:$0x3F98] =	sst s0;
	s0 =	simm.s32 @!p1 $0x0  }
0x14: {  	s2 =	sld [smem:$0x3F7C];
	s0 =	simm.s32 @p1 $0x1  }
0x15: {  	[smem:$0x3F99] =	sst s0;
	s0 =	simm.s32 @!p2 $0x0  }
0x16: {  	s3 =	sld [smem:$0x3FDB];
	s0 =	simm.s32 @p2 $0x1  }
0x17: {  	s4 =	simm.s32 $0x1BF5;
	[smem:$0x3F9B] =	sst s0  }
0x18: {  	s0 =	sld [smem:$0x3F7E];
	_ =	swait.ge [sflag:s4], $0x0  }
0x19: {  	s7 =	sld [smem:$0x3F7F]  }
0x1a: {  	s8 =	sadd.s32 $0xFFFFE003, lr  }
0x1b: {  	s9 =	sadd.s32 $0xFFFFFEF7, lr;
	s5 =	simm.s32 $0xFFFFFFFF;
	p2 =	slt.u32 s8, $0xFFFFF086  }
0x1c: {  	p1 =	slt.u32 s9, $0xF7A;
	s5 =	simm.s32 @!p2 $0x0  }
0x1d: {  	s5 =	simm.s32 @p1 $0x1;
	p0 =	seq.s32 s7, s2  }
0x1e: {  	s7 =	smul.u32 @!p0 $0xF7A, s2;
	p2 =	seq.s32 @!p0 s5, $0x0  }
0x1f: {  	s9 =	smul.u32 $0xF7A, s1;
	s8 =	simm.s32 @!p0 $0x1BF5;
	p2 =	por !p2, p0  }
0x20: {  	[sflag:s8] =	ssyncset.s32 @!p0 $0xFFFFF086;
	s6 =	sadd.s32 @!p0 s3, s7;
	s7 =	simm.s32 @!p0 $0x108  }
0x21: {  	s3 =	sadd.s32 s3, s9;
	s6 =	sadd.s32 @!p0 $0x88, s6;
	s7 =	simm.s32 @p2 $0x1082  }
0x22: {  	[simem:s7], [sflag:s8] =	dma.local @!p0 [hbm:s6], $0xF7A  }
0x23: {  	s9 =	sor.u32 $0xD0000000, s2;
	s6 =	simm.s32 $0x108;
	_ =	swait.ge @!p0 [sflag:s8], $0x0  }
0x24: {  	s3 =	sadd.s32 $0x88, s3;
	s6 =	simm.s32 @!p1 $0x1082;
	[sflag:s4] =	ssyncset.s32 $0xFFFFF086  }
0x25: {  	[simem:s6], [sflag:s4] =	dma.local [hbm:s3], $0xF7A  }
0x26: {  	[smem:$0x3F7F] =	sst s1;
	(tag) =	ssettag s2;
	_ =	strace s9  }
0x27: {  	s1 =	sld [smem:$0x3F8F]  }
0x28: {  	s2 =	sld [smem:$0x3F90]  }
0x29: {  	s4 =	sld [smem:$0x3F92]  }
0x2a: {  	p0 =	seq.s32 s5, $0x0;
	s5 =	sld [smem:$0x3F93]  }
0x2b: {  	s6 =	sld [smem:$0x3F94]  }
0x2c: {  	s7 =	sld [smem:$0x3F95]  }
0x2d: {  	s3 =	simm.s32 $0x108;
	s8 =	sld [smem:$0x3F96]  }
0x2e: {  	s3 =	simm.s32 @!p0 $0x1082;
	s9 =	sld [smem:$0x3F97]  }
0x2f: {  	lr =	sadd.s32 s0, s3;
	s0 =	sld [smem:$0x3F8E]  }
0x30: {  	s3 =	sld [smem:$0x3F91]  }
0x31: {  	[smem:$0x3F9A] =	sst s10  }
0x32: {  	s10 =	sld [smem:$0x3F98];
	_ =	sdelay $0x3  }
0x33: {  	p0 =	seq.s32 s10, $0x1;
	s10 =	sld [smem:$0x3F9A];
	_ =	sdelay $0x3  }
0x34: {  	[smem:$0x3F9A] =	sst s10  }
0x35: {  	s10 =	sld [smem:$0x3F99];
	_ =	sdelay $0x3  }
0x36: {  	p1 =	seq.s32 s10, $0x1;
	s10 =	sld [smem:$0x3F9A];
	_ =	sdelay $0x3  }
0x37: {  	[smem:$0x3F9A] =	sst s10  }
0x38: {  	s10 =	sld [smem:$0x3F9B]  }
0x39: {  	_ = 	snop;
	(pc) =	sbr.ind lr, $3  }
0x3a: {  	_ = 	snop  }
0x3b: {  	_ = 	snop  }
0x3c: {  	p2 =	seq.s32 s10, $0x1;
	s10 =	sld [smem:$0x3F9A]  }
0x3d: {  	_ =	shalt  }
0x3e: {  	_ =	shalt  }
0x3f: {  	_ =	shalt  }
0x40: {  	_ =	shalt  }
0x41: {  	_ =	shalt  }
0x42: {  	_ =	shalt  }
0x43: {  	_ =	shalt  }
0x44: {  	_ =	shalt  }
0x45: {  	_ =	shalt  }
0x46: {  	_ =	shalt  }
0x47: {  	_ =	shalt  }
0x48: {  	_ =	shalt  }
0x49: {  	_ =	shalt  }
0x4a: {  	_ =	shalt  }
0x4b: {  	_ =	shalt  }
0x4c: {  	_ =	shalt  }
0x4d: {  	_ =	shalt  }
0x4e: {  	_ =	shalt  }
0x4f: {  	_ =	shalt  }
0x50: {  	_ =	shalt  }
0x51: {  	_ =	shalt  }
0x52: {  	_ =	shalt  }
0x53: {  	_ =	shalt  }
0x54: {  	_ =	shalt  }
0x55: {  	_ =	shalt  }
0x56: {  	_ =	shalt  }
0x57: {  	_ =	shalt  }
0x58: {  	_ =	shalt  }
0x59: {  	_ =	shalt  }
0x5a: {  	_ =	shalt  }
0x5b: {  	_ =	shalt  }
0x5c: {  	_ =	shalt  }
0x5d: {  	_ =	shalt  }
0x5e: {  	_ =	shalt  }
0x5f: {  	_ =	shalt  }
0x60: {  	_ =	shalt  }
0x61: {  	_ =	shalt  }
0x62: {  	_ =	shalt  }
0x63: {  	_ =	shalt  }
0x64: {  	_ =	shalt  }
0x65: {  	_ =	shalt  }
0x66: {  	_ =	shalt  }
0x67: {  	_ =	shalt  }
0x68: {  	_ =	shalt  }
0x69: {  	_ =	shalt  }
0x6a: {  	_ =	shalt  }
0x6b: {  	_ =	shalt  }
0x6c: {  	_ =	shalt  }
0x6d: {  	_ =	shalt  }
0x6e: {  	_ =	shalt  }
0x6f: {  	_ =	shalt  }
0x70: {  	_ =	shalt  }
0x71: {  	_ =	shalt  }
0x72: {  	_ =	shalt  }
0x73: {  	_ =	shalt  }
0x74: {  	_ =	shalt  }
0x75: {  	_ =	shalt  }
0x76: {  	_ =	shalt  }
0x77: {  	_ =	shalt  }
0x78: {  	_ =	shalt  }
0x79: {  	_ =	shalt  }
0x7a: {  	_ =	shalt  }
0x7b: {  	_ =	shalt  }
0x7c: {  	_ =	shalt  }
0x7d: {  	_ =	shalt  }
0x7e: {  	_ =	shalt  }
0x7f: {  	_ =	shalt  }
0x80: {  	_ =	shalt  }
0x81: {  	_ =	shalt  }
0x82: {  	_ =	shalt  }
0x83: {  	_ =	shalt  }
0x84: {  	_ =	shalt  }
0x85: {  	_ =	shalt  }
0x86: {  	_ =	shalt  }
0x87: {  	_ =	shalt  }
.Lfunc_end0:
.L_simem_size_0:
called_computation.3_lowered:
.L_overlay_start_0:
0x88: {  	s2 =	sld [smem:$0x3FD9]  }
0x89: {  	s3 =	sld [smem:$0x3FFE];
	_ =	sdelay $0x1  }
0x8a: {  	s1 =	srdreg.scid  }
0x8b: {  	s0 =	sand.u32 $0x1, s1  }
0x8c: {  	s16 =	sshll.u32 s0, $0xA;
	s2 =	sadd.s32 s3, s2  }
0x8d: {  	s2 =	sadd.s32 s2, s16  }
0x8e: {  	[smem:$0x3FA6] =	sst s2  }
0x8f: {  	_ = 	snop  }
0x90: {  	(tm) =	ssettm $0x1  }
0x91: {  	s17 =	sld [smem:$0x3FFB];
	_ =	sdelay $0x3  }
0x92: {  	_ =	strace s17  }
0x93: {  	s2 =	sld [smem:$0x3FFC];
	_ =	sdelay $0x3  }
0x94: {  	_ =	strace s2  }
0x95: {  	s2 =	sld [smem:$0x3FFD];
	_ =	sdelay $0x3  }
0x96: {  	_ =	strace s2  }
0x97: {  	_ =	strace $0x8FFFFFFF  }
0x98: {  	s18 =	sld [smem:$0x3FDB];
	_ =	sdelay $0x1  }
0x99: {  	s19 =	simm.s32 $_scs_section_size  }
0x9a: {  	s4 =	simm.s32 $_size__tile_overlayer_lowered;
	s5 =	simm.s32 $_tile_overlayer_lowered  }
0x9b: {  	s22 =	simm.s32 $0x1BFF;
	s21 =	sshll.u32 s5, $0x1;
	s2 =	sadd.s32 s19, s18  }
0x9c: {  	s6 =	simm.s32 $0x0;
	s20 =	sshll.u32 s4, $0x1;
	s4 =	sadd.s32 s21, s2  }
0x9d: {  	[timem:s6], [sflag:s22] =	dma.local [hbm:s4], s20  }
0x9e: {  	_ =	swait.ge [sflag:s22], s20  }
0x9f: {  	s3 =	ssub.s32 $0x0, s20;
	[sflag:s22] =	ssyncset.done $0x0  }
0xa0: {  	[sflag:s22] =	ssyncadd.s32 s3;
	_ =	sdelay $0x1  }
0xa1: {  	s23 =	simm.s32 $0x1B8B  }
0xa2: {  	_ =	swait.ge [sflag:s23], $0x1  }
0xa3: {  	[sflag:s23] =	ssyncset.done $0x0  }
0xa4: {  	s25 =	simm.s32 $0x1B8E;
	s24 =	sld [smem:$0x3FFE];
	[sflag:s23] =	ssyncadd.s32 $0xFFFFFFFF  }
0xa5: {  	s26 =	simm.s32 $execute0_lowered;
	[smem:$0x3FD2] =	sst s25  }
0xa6: {  	s4 =	sshll.u32 s26, $0x1;
	_ =	strace $0x8000004F;
	[dreg:$0x1] =	wrdreg $0xFFFFFFFF  }
0xa7: {  	s28 =	simm.s32 $_size_execute0_lowered;
	s2 =	sadd.s32 s2, s4;
	[dreg:$0x0] =	wrdreg $0x0  }
0xa8: {  	s4 =	sshll.u32 s28, $0x1;
	[dreg:$0x2] =	wrdreg s2  }
0xa9: {  	[dreg:$0x3] =	wrdreg s4  }
0xaa: {  	[dreg:$0x4] =	wrdreg $0xC0  }
0xab: {  	_ =	task [dreg:s6], $0x5FFFF  }
0xac: {  	[dreg:$0x1] =	wrdreg $0xFFFFFFFF  }
0xad: {  	[dreg:$0x0] =	wrdreg $0x60  }
0xae: {  	[dreg:$0x2] =	wrdreg s24  }
0xaf: {  	[dreg:$0x3] =	wrdreg $0x64000  }
0xb0: {  	[dreg:$0x4] =	wrdreg $0x9  }
0xb1: {  	_ =	task.clear_ibuf [dreg:s6], $0x5FFFF;
	_ =	strace $0x9000004F  }
0xb2: {  	s29 =	simm.s32 $0x9;
	_ =	strace $0x80000051  }
0xb3: {  	_ =	swait.ge [sflag:s29], $0x1  }
0xb4: {  	[sflag:s29] =	ssyncadd.s32 $0xFFFFFFFF  }
0xb5: {  	_ =	strace $0x90000051  }
0xb6: {  	_ =	sfence  }
0xb7: {  	s30 =	sld [smem:$0x0];
	_ =	sdelay $0x2  }
0xb8: {  	s31 =	sshll.u32 s1, $0xD;
	s1 =	sshrl.u32 s1, $0x2  }
0xb9: {  	s3 =	sand.u32 $0x4000, s31;
	s1 =	sadd.s32 s1, s30  }
0xba: {  	s0 =	sor.u32 s3, s0;
	s1 =	sshll.u32 s1, $0x11  }
0xbb: {  	s0 =	sor.u32 s1, s0  }
0xbc: {  	s0 =	sadd.s32 $0x8F2B, s0  }
0xbd: {  	[sflag:s0] =	ssyncadd.remote.s32 $0x1  }
0xbe: {  	_ =	sfence.sel $0xFFFF  }
0xbf: {  	[dreg:$0x0] =	wrdreg $0xFFFFFFFF;
	(pc) =	sbr.abs _section_cstart, $3  }
0xc0: {  	[dreg:$0x1] =	wrdreg $0xFFFFFFFF  }
0xc1: {  	_ =	task.clear_ibuf [dreg:s6], $0x2FFFF;
	_ =	strace $0x9FFFFFFF  }
0xc2: {  	(tm) =	ssettm $0x7FFFFFFF  }
0xc3: {  	_ =	shalt  }
tec
execute0_lowered:
.L_overlay_start_1:
0x0: {  	(tag) =	ssettag $0x1  }
0x1: {  	s11 =	rddreg [dreg:$0x0]  }
0x2: {  	s2 =	rddreg [dreg:$0x1]  }
0x3: {  	s0 =	rddreg [dreg:$0x2]  }
0x4: {  	s4 =	srdreg.scid;
	s1 =	stileid.u32  }
0x5: {  	s3 =	simm.s32 $0x0;
	s15 =	simm.s32 $0x80;
	s16 =	simm.s32 $0x1400  }
0x6: {  	s17 =	simm.s32 $0x2400;
	s18 =	simm.s32 $0x3400;
	s19 =	simm.s32 $0x4400  }
0x7: {  	s20 =	simm.s32 $0x5400;
	s21 =	simm.s32 $0x1;
	s22 =	simm.s32 $0x2  }
0x8: {  	s9 =	sand.u32 $0x1, s4;
	s7 =	smul.u32 $0x19000, s1;
	[smem:$0x7FF] =	sst s3  }
0x9: {  	s4 =	sadd.s32 $0x50E00, s11;
	s5 =	sadd.s32 $0x1EE00, s11;
	s13 =	sshll.u32 s1, $0x6  }
0xa: {  	s6 =	smul.u32 $0x190000, s9;
	_ =	strace $0x80000050;
	s10 =	ssub.s32 $0x2, s9  }
0xb: {  	p0 =	seq.s32 s9, $0x1;
	s31 =	sshrl.u32 s10, $0x1;
	s14 =	sadd.s32 s7, s2  }
0xc: {  	s8 =	sadd.s32 s7, s6;
	s6 =	sadd.s32 $0x37E00, s11;
	s10 =	ssub.s32 s10, s31  }
0xd: {  	s7 =	sor.u32 $0x1C03, s13;
	s13 =	simm.s32 $0x2B3E00;
	s8 =	sshrl.u32 s8, $0x3  }
0xe: {  	s10 =	smax.u32 s10, $0x1;
	s13 =	simm.s32 @!p0 $0x69E00;
	s12 =	sadd.s32 s8, s11  }
0xf: {  	s8 =	smul.u32 $0x190, s1;
	s11 =	sadd.s32 s13, s11;
	s13 =	simm.s32 $0x3  }
0x10: {  	s9 =	sadd.s32 $0x9AC00, s12;
	s12 =	sshrl.u32 s14, $0x3;
	s14 =	simm.s32 $0xA00  }
.LBB2_1:
0x11: {  	[spmem:s12], [sflag:s7] =	dma.local [hbm:s6], $0x3200  }
0x12: {  	_ =	swait.ge [sflag:s13], $0x3200  }
0x13: {  	[sflag:s13] =	ssyncset.done $0x0  }
0x14: {  	[sflag:s13] =	ssyncadd.s32 $0xFFFFCE00  }
0x15: {  	s23 =	simm.s32 $0x0;
	[bflag:$0x0] =	sbarrier.arrive $0xFFFF  }
.LBB2_2:
0x16: {  	s24 =	smul.u32 $0x14, s23;
	_ =	sdelay $0x1  }
0x17: {  	s24 =	sadd.s32 s8, s24  }
0x18: {  	s24 =	sshll.u32 s24, $0x4  }
0x19: {  	s26 =	simm.s32 $0x0;
	s25 =	sadd.s32 s4, s24  }
0x1a: {  	[tilespmem:s26], [sflag:$0x3] =	stream.linear.gather [hbm4b:s25+s26], $0xA00, $0x38;
	[tilespmem:$0x1F400] =	vst v63  }
0x1b: {  	_ =	swait.ge [sflag:s13], $0xA00  }
0x1c: {  	[sflag:s13] =	ssyncset.done $0x0  }
0x1d: {  	s24 =	sadd.s32 s5, s24;
	[sflag:s13] =	ssyncadd.s32 $0xFFFFF600  }
0x1e: {  	[tilespmem:s14], [sflag:$0x3] =	stream.linear.gather [hbm4b:s24+s26], $0xA00, $0x38;
	[tilespmem:$0x1F400] =	vst v63  }
0x1f: {  	_ =	swait.ge [sflag:s13], $0xA00  }
0x20: {  	[sflag:s13] =	ssyncset.done $0x0  }
0x21: {  	s25 =	simm.s32 $0x0;
	[sflag:s13] =	ssyncadd.s32 $0xFFFFF600  }
0x22: {  	[tilespmem:s16], [sflag:$0x1] =	stream.indirect.gather [hbm4b:s11+s15], $0x20, s25, s15, $0xb8;
	[tilespmem:$0x1F400] =	vst v63  }
0x23: {  	s26 =	simm.s32 $0x80  }
0x24: {  	[tilespmem:s17], [sflag:$0x1] =	stream.indirect.gather [hbm4b:s11+s15], $0x20, s26, s15, $0xb8;
	[tilespmem:$0x1F400] =	vst v63  }
0x25: {  	s29 =	simm.s32 $0x100  }
0x26: {  	[tilespmem:s18], [sflag:$0x1] =	stream.indirect.gather [hbm4b:s11+s15], $0x20, s29, s15, $0xb8;
	[tilespmem:$0x1F400] =	vst v63  }
0x27: {  	s30 =	simm.s32 $0x180  }
0x28: {  	[tilespmem:s19], [sflag:$0x1] =	stream.indirect.gather [hbm4b:s11+s15], $0x20, s30, s15, $0xb8;
	[tilespmem:$0x1F400] =	vst v63  }
0x29: {  	s31 =	simm.s32 $0x200  }
0x2a: {  	[tilespmem:s20], [sflag:$0x1] =	stream.indirect.gather [hbm4b:s11+s15], $0x20, s31, s15, $0xb8;
	[tilespmem:$0x1F400] =	vst v63  }
0x2b: {  	_ =	swait.ge [sflag:s21], $0x1000  }
0x2c: {  	[sflag:s21] =	ssyncset.done $0x0  }
0x2d: {  	[sflag:s21] =	ssyncadd.s32 $0xFFFFF000  }
0x2e: {  	_ =	swait.ge [sflag:s21], $0x1000  }
0x2f: {  	[sflag:s21] =	ssyncset.done $0x0  }
0x30: {  	[sflag:s21] =	ssyncadd.s32 $0xFFFFF000  }
0x31: {  	_ =	swait.ge [sflag:s21], $0x1000  }
0x32: {  	[sflag:s21] =	ssyncset.done $0x0  }
0x33: {  	[sflag:s21] =	ssyncadd.s32 $0xFFFFF000  }
0x34: {  	_ =	swait.ge [sflag:s21], $0x1000  }
0x35: {  	[sflag:s21] =	ssyncset.done $0x0  }
0x36: {  	[sflag:s21] =	ssyncadd.s32 $0xFFFFF000  }
0x37: {  	_ =	swait.ge [sflag:s21], $0x1000  }
0x38: {  	[sflag:s21] =	ssyncset.done $0x0  }
0x39: {  	s25 =	simm.s32 $0xA00;
	[sflag:s21] =	ssyncadd.s32 $0xFFFFF000  }
0x3a: {  	[spmem:s2] =	stream.indirect.scatter.add.f32 [tilespmem:s16], [sflag:$0x2], $0x20, s25, s15, $0xb8;
	[tilespmem:$0x1F400] =	vst v63  }
0x3b: {  	s26 =	simm.s32 $0xA80  }
0x3c: {  	[spmem:s2] =	stream.indirect.scatter.add.f32 [tilespmem:s17], [sflag:$0x2], $0x20, s26, s15, $0xb8;
	[tilespmem:$0x1F400] =	vst v63  }
0x3d: {  	s29 =	simm.s32 $0xB00  }
0x3e: {  	[spmem:s2] =	stream.indirect.scatter.add.f32 [tilespmem:s18], [sflag:$0x2], $0x20, s29, s15, $0xb8;
	[tilespmem:$0x1F400] =	vst v63  }
0x3f: {  	s30 =	simm.s32 $0xB80  }
0x40: {  	[spmem:s2] =	stream.indirect.scatter.add.f32 [tilespmem:s19], [sflag:$0x2], $0x20, s30, s15, $0xb8;
	[tilespmem:$0x1F400] =	vst v63  }
0x41: {  	s31 =	simm.s32 $0xC00  }
0x42: {  	[spmem:s2] =	stream.indirect.scatter.add.f32 [tilespmem:s20], [sflag:$0x2], $0x20, s31, s15, $0xb8;
	[tilespmem:$0x1F400] =	vst v63  }
0x43: {  	_ =	swait.ge [sflag:s22], $0x1000  }
0x44: {  	[sflag:s22] =	ssyncset.done $0x0  }
0x45: {  	[sflag:s22] =	ssyncadd.s32 $0xFFFFF000  }
0x46: {  	_ =	swait.ge [sflag:s22], $0x1000  }
0x47: {  	[sflag:s22] =	ssyncset.done $0x0  }
0x48: {  	[sflag:s22] =	ssyncadd.s32 $0xFFFFF000  }
0x49: {  	_ =	swait.ge [sflag:s22], $0x1000  }
0x4a: {  	[sflag:s22] =	ssyncset.done $0x0  }
0x4b: {  	[sflag:s22] =	ssyncadd.s32 $0xFFFFF000  }
0x4c: {  	_ =	swait.ge [sflag:s22], $0x1000  }
0x4d: {  	[sflag:s22] =	ssyncset.done $0x0  }
0x4e: {  	[sflag:s22] =	ssyncadd.s32 $0xFFFFF000  }
0x4f: {  	_ =	swait.ge [sflag:s22], $0x1000  }
0x50: {  	s28 =	simm.s32 $0x1400;
	s24 =	simm.s32 $0xA00;
	[sflag:s22] =	ssyncset.done $0x0  }
.LBB2_3:
0x51: {  	s26 =	sshra.s32 s24, $0x2  }
0x52: {  	[sflag:s22] =	ssyncadd.s32 $0xFFFFF000;
	s24 =	smov.u32 s28;
	s25 =	sadd.s32 $0xA00, s28  }
0x53: {  	[tilespmem:s16], [sflag:$0x1] =	stream.indirect.gather [hbm4b:s11+s15], $0x20, s26, s15, $0xb8;
	[tilespmem:$0x1F400] =	vst v63  }
0x54: {  	p0 =	sne.s32 s28, $0x1E00;
	s28 =	sadd.s32 $0x80, s26  }
0x55: {  	[tilespmem:s17], [sflag:$0x1] =	stream.indirect.gather [hbm4b:s11+s15], $0x20, s28, s15, $0xb8;
	[tilespmem:$0x1F400] =	vst v63  }
0x56: {  	s28 =	sadd.s32 $0x100, s26  }
0x57: {  	[tilespmem:s18], [sflag:$0x1] =	stream.indirect.gather [hbm4b:s11+s15], $0x20, s28, s15, $0xb8;
	[tilespmem:$0x1F400] =	vst v63  }
0x58: {  	s28 =	sadd.s32 $0x180, s26  }
0x59: {  	[tilespmem:s19], [sflag:$0x1] =	stream.indirect.gather [hbm4b:s11+s15], $0x20, s28, s15, $0xb8;
	[tilespmem:$0x1F400] =	vst v63  }
0x5a: {  	s28 =	sadd.s32 $0x200, s26  }
0x5b: {  	[tilespmem:s20], [sflag:$0x1] =	stream.indirect.gather [hbm4b:s11+s15], $0x20, s28, s15, $0xb8;
	[tilespmem:$0x1F400] =	vst v63  }
0x5c: {  	_ =	swait.ge [sflag:s21], $0x1000  }
0x5d: {  	[sflag:s21] =	ssyncset.done $0x0  }
0x5e: {  	[sflag:s21] =	ssyncadd.s32 $0xFFFFF000  }
0x5f: {  	_ =	swait.ge [sflag:s21], $0x1000  }
0x60: {  	[sflag:s21] =	ssyncset.done $0x0  }
0x61: {  	[sflag:s21] =	ssyncadd.s32 $0xFFFFF000  }
0x62: {  	_ =	swait.ge [sflag:s21], $0x1000  }
0x63: {  	[sflag:s21] =	ssyncset.done $0x0  }
0x64: {  	[sflag:s21] =	ssyncadd.s32 $0xFFFFF000  }
0x65: {  	_ =	swait.ge [sflag:s21], $0x1000  }
0x66: {  	[sflag:s21] =	ssyncset.done $0x0  }
0x67: {  	[sflag:s21] =	ssyncadd.s32 $0xFFFFF000  }
0x68: {  	_ =	swait.ge [sflag:s21], $0x1000  }
0x69: {  	[sflag:s21] =	ssyncset.done $0x0  }
0x6a: {  	s28 =	sadd.s32 $0xA00, s26;
	[sflag:s21] =	ssyncadd.s32 $0xFFFFF000  }
0x6b: {  	[spmem:s2] =	stream.indirect.scatter.add.f32 [tilespmem:s16], [sflag:$0x2], $0x20, s28, s15, $0xb8;
	[tilespmem:$0x1F400] =	vst v63  }
0x6c: {  	s28 =	sadd.s32 $0xA80, s26  }
0x6d: {  	[spmem:s2] =	stream.indirect.scatter.add.f32 [tilespmem:s17], [sflag:$0x2], $0x20, s28, s15, $0xb8;
	[tilespmem:$0x1F400] =	vst v63  }
0x6e: {  	s28 =	sadd.s32 $0xB00, s26  }
0x6f: {  	[spmem:s2] =	stream.indirect.scatter.add.f32 [tilespmem:s18], [sflag:$0x2], $0x20, s28, s15, $0xb8;
	[tilespmem:$0x1F400] =	vst v63  }
0x70: {  	s28 =	sadd.s32 $0xB80, s26  }
0x71: {  	[spmem:s2] =	stream.indirect.scatter.add.f32 [tilespmem:s19], [sflag:$0x2], $0x20, s28, s15, $0xb8;
	[tilespmem:$0x1F400] =	vst v63  }
0x72: {  	s26 =	sadd.s32 $0xC00, s26  }
0x73: {  	[spmem:s2] =	stream.indirect.scatter.add.f32 [tilespmem:s20], [sflag:$0x2], $0x20, s26, s15, $0xb8;
	[tilespmem:$0x1F400] =	vst v63  }
0x74: {  	_ =	swait.ge [sflag:s22], $0x1000  }
0x75: {  	[sflag:s22] =	ssyncset.done $0x0  }
0x76: {  	[sflag:s22] =	ssyncadd.s32 $0xFFFFF000  }
0x77: {  	_ =	swait.ge [sflag:s22], $0x1000  }
0x78: {  	[sflag:s22] =	ssyncset.done $0x0  }
0x79: {  	[sflag:s22] =	ssyncadd.s32 $0xFFFFF000  }
0x7a: {  	_ =	swait.ge [sflag:s22], $0x1000  }
0x7b: {  	[sflag:s22] =	ssyncset.done $0x0  }
0x7c: {  	[sflag:s22] =	ssyncadd.s32 $0xFFFFF000  }
.Ltmp0:
0x7d: {  	_ =	swait.ge [sflag:s22], $0x1000;
	(pc) =	sbr.rel @p0 .LBB2_3-.Ltmp0, $4  }
0x7e: {  	[sflag:s22] =	ssyncset.done $0x0  }
0x7f: {  	[sflag:s22] =	ssyncadd.s32 $0xFFFFF000  }
0x80: {  	_ =	swait.ge [sflag:s22], $0x1000  }
0x81: {  	s28 =	smov.u32 s25;
	[sflag:s22] =	ssyncset.done $0x0  }
0x82: {  	s24 =	sshra.s32 s24, $0x2;
	[sflag:s22] =	ssyncadd.s32 $0xFFFFF000  }
0x83: {  	[tilespmem:s16], [sflag:$0x1] =	stream.indirect.gather [hbm4b:s11+s15], $0x20, s24, s15, $0xb8;
	[tilespmem:$0x1F400] =	vst v63  }
0x84: {  	s25 =	sadd.s32 $0x80, s24  }
0x85: {  	[tilespmem:s17], [sflag:$0x1] =	stream.indirect.gather [hbm4b:s11+s15], $0x20, s25, s15, $0xb8;
	[tilespmem:$0x1F400] =	vst v63  }
0x86: {  	s30 =	sadd.s32 $0x100, s24  }
0x87: {  	[tilespmem:s18], [sflag:$0x1] =	stream.indirect.gather [hbm4b:s11+s15], $0x20, s30, s15, $0xb8;
	[tilespmem:$0x1F400] =	vst v63  }
0x88: {  	s31 =	sadd.s32 $0x180, s24  }
0x89: {  	[tilespmem:s19], [sflag:$0x1] =	stream.indirect.gather [hbm4b:s11+s15], $0x20, s31, s15, $0xb8;
	[tilespmem:$0x1F400] =	vst v63  }
0x8a: {  	s26 =	sadd.s32 $0x200, s24  }
0x8b: {  	[tilespmem:s20], [sflag:$0x1] =	stream.indirect.gather [hbm4b:s11+s15], $0x20, s26, s15, $0xb8;
	[tilespmem:$0x1F400] =	vst v63  }
0x8c: {  	_ =	swait.ge [sflag:s21], $0x1000  }
0x8d: {  	[sflag:s21] =	ssyncset.done $0x0  }
0x8e: {  	[sflag:s21] =	ssyncadd.s32 $0xFFFFF000  }
0x8f: {  	_ =	swait.ge [sflag:s21], $0x1000  }
0x90: {  	[sflag:s21] =	ssyncset.done $0x0  }
0x91: {  	[sflag:s21] =	ssyncadd.s32 $0xFFFFF000  }
0x92: {  	_ =	swait.ge [sflag:s21], $0x1000  }
0x93: {  	[sflag:s21] =	ssyncset.done $0x0  }
0x94: {  	[sflag:s21] =	ssyncadd.s32 $0xFFFFF000  }
0x95: {  	_ =	swait.ge [sflag:s21], $0x1000  }
0x96: {  	[sflag:s21] =	ssyncset.done $0x0  }
0x97: {  	[sflag:s21] =	ssyncadd.s32 $0xFFFFF000  }
0x98: {  	_ =	swait.ge [sflag:s21], $0x1000  }
0x99: {  	[sflag:s21] =	ssyncset.done $0x0  }
0x9a: {  	s28 =	sadd.s32 $0xA00, s24;
	[sflag:s21] =	ssyncadd.s32 $0xFFFFF000  }
0x9b: {  	[spmem:s2] =	stream.indirect.scatter.add.f32 [tilespmem:s16], [sflag:$0x2], $0x20, s28, s15, $0xb8;
	[tilespmem:$0x1F400] =	vst v63  }
0x9c: {  	s29 =	sadd.s32 $0xA80, s24  }
0x9d: {  	[spmem:s2] =	stream.indirect.scatter.add.f32 [tilespmem:s17], [sflag:$0x2], $0x20, s29, s15, $0xb8;
	[tilespmem:$0x1F400] =	vst v63  }
0x9e: {  	s30 =	sadd.s32 $0xB00, s24  }
0x9f: {  	[spmem:s2] =	stream.indirect.scatter.add.f32 [tilespmem:s18], [sflag:$0x2], $0x20, s30, s15, $0xb8;
	[tilespmem:$0x1F400] =	vst v63  }
0xa0: {  	s31 =	sadd.s32 $0xB80, s24  }
0xa1: {  	[spmem:s2] =	stream.indirect.scatter.add.f32 [tilespmem:s19], [sflag:$0x2], $0x20, s31, s15, $0xb8;
	[tilespmem:$0x1F400] =	vst v63  }
0xa2: {  	s24 =	sadd.s32 $0xC00, s24  }
0xa3: {  	[spmem:s2] =	stream.indirect.scatter.add.f32 [tilespmem:s20], [sflag:$0x2], $0x20, s24, s15, $0xb8;
	[tilespmem:$0x1F400] =	vst v63  }
0xa4: {  	_ =	swait.ge [sflag:s22], $0x1000  }
0xa5: {  	[sflag:s22] =	ssyncset.done $0x0  }
0xa6: {  	[sflag:s22] =	ssyncadd.s32 $0xFFFFF000  }
0xa7: {  	_ =	swait.ge [sflag:s22], $0x1000  }
0xa8: {  	[sflag:s22] =	ssyncset.done $0x0  }
0xa9: {  	[sflag:s22] =	ssyncadd.s32 $0xFFFFF000  }
0xaa: {  	_ =	swait.ge [sflag:s22], $0x1000  }
0xab: {  	[sflag:s22] =	ssyncset.done $0x0  }
0xac: {  	s23 =	sadd.s32 $0x1, s23;
	[sflag:s22] =	ssyncadd.s32 $0xFFFFF000  }
0xad: {  	p0 =	sne.s32 s23, $0x14;
	_ =	swait.ge [sflag:s22], $0x1000  }
.Ltmp1:
0xae: {  	[sflag:s22] =	ssyncset.done $0x0;
	(pc) =	sbr.rel @p0 .LBB2_2-.Ltmp1, $4  }
0xaf: {  	[sflag:s22] =	ssyncadd.s32 $0xFFFFF000  }
0xb0: {  	_ =	swait.ge [sflag:s22], $0x1000  }
0xb1: {  	[sflag:s22] =	ssyncset.done $0x0  }
0xb2: {  	[sflag:s22] =	ssyncadd.s32 $0xFFFFF000  }
0xb3: {  	s3 =	sadd.s32 $0x1, s3  }
0xb4: {  	p0 =	sne.s32 s3, s10  }
.Ltmp2:
0xb5: {  	[bflag:$0x0] =	sbarrier.arrive $0xFFFF;
	(pc) =	sbr.rel @p0 .LBB2_1-.Ltmp2, $4  }
0xb6: {  	[hbm:s9], [sflag:s7] =	dma.local [spmem:s12], $0x3200  }
0xb7: {  	_ =	swait.ge [sflag:s13], $0x3200  }
0xb8: {  	[sflag:s13] =	ssyncset.done $0x0  }
0xb9: {  	[sflag:s13] =	ssyncadd.s32 $0xFFFFCE00  }
0xba: {  	_ =	sfence.sel $0x180000  }
0xbb: {  	[bflag:$0x0] =	sbarrier.arrive $0xFFFF  }
0xbc: {  	p0 =	sne.s32 s1, $0x0;
	_ =	strace $0x90000050  }
0xbd: {  	s0 =	sadd.s32 @!p0 $0x100000, s0;
	[bflag:$0x2] =	sbarrier.arrive $0xFFFF  }
0xbe: {  	[sflag:s0] =	ssyncadd.tile.s32 @!p0 $0x1;
	_ =	shalt  }
.Lfunc_end2:
_tile_overlayer_lowered:
.L_overlay_start_2:
0xbf: {  	(tag) =	ssettag $0x2  }
0xc0: {  	s0 =	rddreg [dreg:$0x0];
	s2 =	stileid.u32  }
0xc1: {  	s1 =	rddreg [dreg:$0x1];
	p0 =	sne.s32 s2, $0x0  }
0xc2: {  	s3 =	rddreg [dreg:$0x2];
	[bflag:$0x3] =	sbarrier.arrive $0xFFFF;
	s2 =	simm.s32 @!p0 $0x1C03  }
0xc3: {  	[timem:s3], [sflag:s2] =	dma.local @!p0 [hbm:s0], s1  }
0xc4: {  	s0 =	simm.s32 @!p0 $0x3  }
0xc5: {  	_ =	swait.ge @!p0 [sflag:s0], s1  }
0xc6: {  	s1 =	ssub.s32 @!p0 $0x0, s1;
	[sflag:s0] =	ssyncset.done @!p0 $0x0  }
0xc7: {  	[sflag:s0] =	ssyncadd.s32 @!p0 s1  }
0xc8: {  	[bflag:$0x3] =	sbarrier.arrive $0xFFFF  }
0xc9: {  	_ =	shalt  }

</sc_bundles>
